<compile_context>
chip_gen: v7x
topology: tpu7x:2x2x1
jax: 0.10.2.dev20260603
libtpu: 0.0.44.dev20260713+nightly
codegen_flags: <defaults>
</compile_context>

<pallas_src>
import jax
import jax.numpy as jnp
from jax.experimental import pallas as pl
from jax.experimental.pallas import tpu as pltpu
from jax.experimental.pallas import tpu_sc as plsc

S = 2048
D = 1024
H = 16
DH = D // H
FF = 512
E = 8
K = 2
EPS = 1e-6

QB = 512
NQ = S // QB
BLK = 256
PBUF = S * K + E * BLK
NB = PBUF // BLK
SCW = 128
SCC = D // 4

_f32 = jnp.float32
_bf16 = jnp.bfloat16



def _k1_body(x_ref, g_ref, wq_ref, wk_ref, wv_ref, q_ref, k_ref, v_ref):
    x = x_ref[...]
    var = jnp.mean(x * x, axis=1, keepdims=True)
    xn = (x * jax.lax.rsqrt(var + EPS)) * g_ref[...]
    xb = xn.astype(_bf16)
    q_ref[...] = jnp.dot(xb, wq_ref[...],
                         preferred_element_type=_f32).astype(_bf16)
    k_ref[...] = jnp.dot(xb, wk_ref[...],
                         preferred_element_type=_f32).astype(_bf16)
    v_ref[...] = jnp.dot(xb, wv_ref[...],
                         preferred_element_type=_f32).astype(_bf16)


def _qkv(x, g1, wq, wk, wv):
    out = jax.ShapeDtypeStruct((S, D), _bf16)
    return pl.pallas_call(
        _k1_body,
        grid=(NQ,),
        in_specs=[
            pl.BlockSpec((QB, D), lambda i: (i, 0)),
            pl.BlockSpec((1, D), lambda i: (0, 0)),
            pl.BlockSpec((D, D), lambda i: (0, 0)),
            pl.BlockSpec((D, D), lambda i: (0, 0)),
            pl.BlockSpec((D, D), lambda i: (0, 0)),
        ],
        out_specs=[
            pl.BlockSpec((QB, D), lambda i: (i, 0)),
            pl.BlockSpec((QB, D), lambda i: (i, 0)),
            pl.BlockSpec((QB, D), lambda i: (i, 0)),
        ],
        out_shape=[out, out, out],
    )(x, g1, wq, wk, wv)



def _k2_body(qb, skv, q_ref, k_ref, v_ref, a_ref, o_ref):
    del a_ref
    q2 = q_ref[...]
    k2 = k_ref[...]
    v2 = v_ref[...]
    row = qb * QB + jax.lax.broadcasted_iota(jnp.int32, (QB, skv), 0)
    col = jax.lax.broadcasted_iota(jnp.int32, (QB, skv), 1)
    causal = row >= col
    outs = []
    for hh in range(2):
        q = q2[:, hh * DH:(hh + 1) * DH]
        k = k2[:, hh * DH:(hh + 1) * DH]
        v = v2[:, hh * DH:(hh + 1) * DH]
        s = jax.lax.dot_general(q, k, (((1,), (1,)), ((), ())),
                                preferred_element_type=_f32)
        s = s * (1.0 / (DH ** 0.5))
        s = jnp.where(causal, s, -1e9)
        m = jnp.max(s, axis=1, keepdims=True)
        p = jnp.exp(s - m)
        z = jnp.sum(p, axis=1, keepdims=True)
        pb = (p / z).astype(_bf16)
        outs.append(jnp.dot(pb, v, preferred_element_type=_f32))
    o_ref[...] = jnp.concatenate(outs, axis=1).astype(_bf16)


def _attention(q, k, v):
    import functools
    a = jnp.zeros((S, D), _bf16)
    for qb in range(NQ):
        skv = (qb + 1) * QB
        a = pl.pallas_call(
            functools.partial(_k2_body, qb, skv),
            grid=(H // 2,),
            in_specs=[
                pl.BlockSpec((QB, 2 * DH), lambda h, _qb=qb: (_qb, h)),
                pl.BlockSpec((skv, 2 * DH), lambda h: (0, h)),
                pl.BlockSpec((skv, 2 * DH), lambda h: (0, h)),
                pl.BlockSpec((QB, 2 * DH), lambda h, _qb=qb: (_qb, h)),
            ],
            out_specs=pl.BlockSpec((QB, 2 * DH), lambda h, _qb=qb: (_qb, h)),
            out_shape=jax.ShapeDtypeStruct((S, D), _bf16),
            input_output_aliases={3: 0},
        )(q, k, v, a)
    return a



def _k3_body(a_ref, wo_ref, hid_ref, g_ref, gw_ref, h2_ref, xn_ref, lg_ref):
    o = jnp.dot(a_ref[...], wo_ref[...], preferred_element_type=_f32)
    h2 = hid_ref[...] + o
    h2_ref[...] = h2
    var = jnp.mean(h2 * h2, axis=1, keepdims=True)
    xn = (h2 * jax.lax.rsqrt(var + EPS)) * g_ref[...]
    xn_ref[...] = xn.reshape(4 * QB, SCC)
    lg_ref[...] = jnp.dot(xn.astype(_bf16), gw_ref[...],
                          preferred_element_type=_f32)


def _post_attn(attn, wo, hidden, g2, gw_pad):
    return pl.pallas_call(
        _k3_body,
        grid=(NQ,),
        in_specs=[
            pl.BlockSpec((QB, D), lambda i: (i, 0)),
            pl.BlockSpec((D, D), lambda i: (0, 0)),
            pl.BlockSpec((QB, D), lambda i: (i, 0)),
            pl.BlockSpec((1, D), lambda i: (0, 0)),
            pl.BlockSpec((D, 128), lambda i: (0, 0)),
        ],
        out_specs=[
            pl.BlockSpec((QB, D), lambda i: (i, 0)),
            pl.BlockSpec((4 * QB, SCC), lambda i: (i, 0)),
            pl.BlockSpec((QB, 128), lambda i: (i, 0)),
        ],
        out_shape=[
            jax.ShapeDtypeStruct((S, D), _f32),
            jax.ShapeDtypeStruct((4 * S, SCC), _f32),
            jax.ShapeDtypeStruct((S, 128), _f32),
        ],
    )(attn, wo, hidden, g2, gw_pad)



def _k4_body(lg_ref, wts_ref, pos_ref, bexp_ref):
    lane = jax.lax.broadcasted_iota(jnp.int32, (S, 128), 1)
    logits = jnp.where(lane < E, lg_ref[...], -1e30)
    m = jnp.max(logits, axis=1, keepdims=True)
    p = jnp.exp(logits - m)
    z = jnp.sum(p, axis=1, keepdims=True)
    probs = p / z
    m1 = jnp.max(probs, axis=1, keepdims=True)
    e1 = jnp.min(jnp.where(probs == m1, lane, 127), axis=1, keepdims=True)
    p2 = jnp.where(lane == e1, -1.0, probs)
    m2 = jnp.max(p2, axis=1, keepdims=True)
    e2 = jnp.min(jnp.where(p2 == m2, lane, 127), axis=1, keepdims=True)
    sw = m1 + m2
    wts_ref[...] = jnp.concatenate([m1 / sw, m2 / sw], axis=1)

    lane8 = jax.lax.broadcasted_iota(jnp.int32, (S, E), 1)
    oh1 = (lane8 == e1).astype(_f32)
    oh2 = (lane8 == e2).astype(_f32)
    onehot = jnp.concatenate([oh1, oh2], axis=0)

    cnt = jnp.sum(onehot, axis=0, keepdims=True)
    cnt_pad = ((cnt.astype(jnp.int32) + (BLK - 1)) // BLK) * BLK
    r8 = jax.lax.broadcasted_iota(jnp.int32, (E, E), 0)
    c8 = jax.lax.broadcasted_iota(jnp.int32, (E, E), 1)
    tri8 = (r8 < c8).astype(_f32)
    offs = jnp.dot(cnt_pad.astype(_f32), tri8,
                   preferred_element_type=_f32)

    inc = onehot
    sh = 1
    while sh < K * S:
        inc = inc + jnp.concatenate(
            [jnp.zeros((sh, E), _f32), inc[:-sh, :]], axis=0)
        sh *= 2
    rank = inc - onehot
    pos = jnp.sum(onehot * (rank + offs), axis=1, keepdims=True)
    posq = 4 * pos.astype(jnp.int32)
    pos_ref[...] = jnp.concatenate(
        [posq, posq + 1, posq + 2, posq + 3], axis=1)

    used = jnp.sum(cnt_pad.astype(_f32)) * (1.0 / BLK)
    brow = jax.lax.broadcasted_iota(jnp.int32, (128, E), 0)
    boffs = jnp.broadcast_to(offs * (1.0 / BLK), (128, E))
    bexp = jnp.sum((brow.astype(_f32) >= boffs).astype(_f32),
                   axis=1, keepdims=True) - 1.0
    brow1 = jax.lax.broadcasted_iota(jnp.int32, (128, 1), 0)
    bexp = jnp.where(brow1.astype(_f32) < used, bexp, -1.0)
    bexp_ref[...] = bexp.astype(jnp.int32)


def _routing(logits):
    return pl.pallas_call(
        _k4_body,
        out_shape=[
            jax.ShapeDtypeStruct((S, K), _f32),
            jax.ShapeDtypeStruct((K * S, 4), jnp.int32),
            jax.ShapeDtypeStruct((128, 1), jnp.int32),
        ],
    )(logits)



def _sc_mesh():
    return plsc.VectorSubcoreMesh(core_axis_name="core",
                                  subcore_axis_name="subcore")


def _dispatch_sc(xn2_q, idx2):
    @pl.kernel(out_type=jax.ShapeDtypeStruct((4 * PBUF, SCC), _f32),
               mesh=_sc_mesh(), scratch_types=[])
    def k(x_hbm, i_hbm, o_hbm):
        def body(x_vmem, i_vmem):
            pltpu.sync_copy(x_vmem, o_hbm.at[i_vmem.at[0]])
        pltpu.emit_pipeline(
            body,
            grid=(K, 4 * S // SCW),
            in_specs=[
                pl.BlockSpec((SCW, SCC), index_map=lambda kk, j: (j, 0)),
                pl.BlockSpec((1, SCW), index_map=lambda kk, j: (kk, j)),
            ],
            out_specs=[],
            core_axis_name=("core", "subcore"),
            dimension_semantics=(pltpu.PARALLEL, pltpu.PARALLEL),
        )(x_hbm, i_hbm)
    return k(xn2_q, idx2)


def _combine_sc(out_sorted_q, pos_flat):
    @pl.kernel(out_type=jax.ShapeDtypeStruct((4 * K * S, SCC), _f32),
               mesh=_sc_mesh(), scratch_types=[])
    def k(d_hbm, i_hbm, o_hbm):
        def body(i_vmem, o_vmem):
            pltpu.sync_copy(d_hbm.at[i_vmem.at[0]], o_vmem)
        pltpu.emit_pipeline(
            body,
            grid=(4 * K * S // SCW,),
            in_specs=[pl.BlockSpec((1, SCW), index_map=lambda j: (0, j))],
            out_specs=[pl.BlockSpec((SCW, SCC), index_map=lambda j: (j, 0))],
            core_axis_name=("core", "subcore"),
            dimension_semantics=(pltpu.PARALLEL,),
        )(i_hbm, o_hbm)
    return k(out_sorted_q, pos_flat)



def _k6_body(bexp_ref, x_ref, w1_ref, w2_ref, o_ref):
    e = bexp_ref[pl.program_id(0)]

    @pl.when(e >= 0)
    def _():
        x = x_ref[...].reshape(BLK, D).astype(_bf16)
        h1 = jnp.dot(x, w1_ref[0], preferred_element_type=_f32)
        g = h1[:, :FF]
        u = h1[:, FF:]
        act = (g * jax.lax.logistic(g) * u).astype(_bf16)
        out = jnp.dot(act, w2_ref[0], preferred_element_type=_f32)
        o_ref[...] = out.reshape(4 * BLK, SCC)


def _expert_ffn(bexp, x_sorted, w1, w2):
    def wmap(i, s):
        return (jnp.maximum(s[i], 0), 0, 0)

    grid_spec = pltpu.PrefetchScalarGridSpec(
        num_scalar_prefetch=1,
        grid=(NB,),
        in_specs=[
            pl.BlockSpec((4 * BLK, SCC), lambda i, s: (i, 0)),
            pl.BlockSpec((1, D, 2 * FF), wmap),
            pl.BlockSpec((1, FF, D), wmap),
        ],
        out_specs=pl.BlockSpec((4 * BLK, SCC), lambda i, s: (i, 0)),
    )
    return pl.pallas_call(
        _k6_body,
        grid_spec=grid_spec,
        out_shape=jax.ShapeDtypeStruct((4 * PBUF, SCC), _f32),
    )(bexp, x_sorted, w1, w2)



def _k8_body(h2_ref, g0_ref, g1_ref, w_ref, o_ref):
    w0 = w_ref[:, 0:1]
    w1c = w_ref[:, 1:2]
    g0 = g0_ref[...].reshape(QB, D)
    g1 = g1_ref[...].reshape(QB, D)
    o_ref[...] = h2_ref[...] + w0 * g0 + w1c * g1


def _final(h2, g_all, wts):
    return pl.pallas_call(
        _k8_body,
        grid=(NQ,),
        in_specs=[
            pl.BlockSpec((QB, D), lambda i: (i, 0)),
            pl.BlockSpec((4 * QB, SCC), lambda i: (i, 0)),
            pl.BlockSpec((4 * QB, SCC), lambda i: (NQ + i, 0)),
            pl.BlockSpec((QB, K), lambda i: (i, 0)),
        ],
        out_specs=pl.BlockSpec((QB, D), lambda i: (i, 0)),
        out_shape=jax.ShapeDtypeStruct((S, D), _f32),
    )(h2, g_all, g_all, wts)



def kernel(hidden_states, ln1_gamma, ln2_gamma, wq, wk, wv, wo, gate_w, w1, w2):
    gw_pad = jnp.pad(gate_w, ((0, 0), (0, 128 - E))).astype(_bf16)
    g1 = ln1_gamma.reshape(1, D)
    g2 = ln2_gamma.reshape(1, D)

    q, k, v = _qkv(hidden_states, g1, wq.astype(_bf16), wk.astype(_bf16),
                   wv.astype(_bf16))
    attn = _attention(q, k, v)
    h2, xn2, logits = _post_attn(attn, wo.astype(_bf16), hidden_states, g2,
                                 gw_pad)
    wts, pos4, bexp = _routing(logits)

    pos_flat = pos4.reshape(1, 4 * K * S)
    idx2 = pos4.reshape(K, 4 * S)
    bexp_flat = bexp.reshape(-1)[:NB]

    x_sorted_q = _dispatch_sc(xn2, idx2)
    out_sorted_q = _expert_ffn(bexp_flat, x_sorted_q,
                               w1.astype(_bf16), w2.astype(_bf16))
    g_q = _combine_sc(out_sorted_q, pos_flat)

    return _final(h2, g_q, wts)

# --- scband reference (transcript-rebuilt; emitter-appended) ---
"""Pipeline reference for scband-generic-moe-decoder-layer-5952824672538 (READ-ONLY COPY).

The authoritative reference and input builder live on the scoring server;
editing this copy changes nothing except your own understanding.
"""

import jax, jax.numpy as jnp
import numpy as np

S = 2048   # num_tokens (batch=1, seq_len=2048)
D = 1024   # hidden_size
H = 16     # n_heads
DH = D // H
FF = 512   # expert inter_size
E = 8      # num_experts
K = 2      # top_k
EPS = 1e-6


def setup_inputs(seed: int = 0) -> dict:
    key = jax.random.key(seed)
    ks = jax.random.split(key, 10)
    sD = 1.0 / np.sqrt(D)
    sF = 1.0 / np.sqrt(FF)
    return {
        'hidden_states': jax.random.normal(ks[0], (S, D), dtype=jnp.float32),
        'ln1_gamma': jnp.ones((D,), dtype=jnp.float32),
        'ln2_gamma': jnp.ones((D,), dtype=jnp.float32),
        'wq': jax.random.normal(ks[1], (D, D), dtype=jnp.float32) * sD,
        'wk': jax.random.normal(ks[2], (D, D), dtype=jnp.float32) * sD,
        'wv': jax.random.normal(ks[3], (D, D), dtype=jnp.float32) * sD,
        'wo': jax.random.normal(ks[4], (D, D), dtype=jnp.float32) * sD,
        'gate_w': jax.random.normal(ks[5], (D, E), dtype=jnp.float32) * sD,
        'w1': jax.random.normal(ks[6], (E, D, 2 * FF), dtype=jnp.float32) * sD,
        'w2': jax.random.normal(ks[7], (E, FF, D), dtype=jnp.float32) * sF,
    }


def _rmsnorm(x, gamma):
    var = jnp.mean(x * x, axis=-1, keepdims=True)
    return x * jax.lax.rsqrt(var + EPS) * gamma


def _causal_attention(x, wq, wk, wv, wo):
    q = (x @ wq).reshape(S, H, DH)
    k = (x @ wk).reshape(S, H, DH)
    v = (x @ wv).reshape(S, H, DH)
    scores = jnp.einsum('qhd,khd->hqk', q, k) / jnp.sqrt(jnp.float32(DH))
    mask = jnp.tril(jnp.ones((S, S), dtype=bool))
    scores = jnp.where(mask[None, :, :], scores, jnp.float32(-1e9))
    p = jax.nn.softmax(scores, axis=-1)
    o = jnp.einsum('hqk,khd->qhd', p, v).reshape(S, D)
    return o @ wo


def _moe(h, gate_w, w1, w2):
    # router (gate linear), fp32 softmax, top-k select + renormalize
    router_logits = (h @ gate_w).astype(jnp.float32)
    probs = jax.nn.softmax(router_logits, axis=-1)
    topk_weights, topk_ids = jax.lax.top_k(probs, K)          # [T,K]
    topk_weights = topk_weights / jnp.sum(topk_weights, axis=-1, keepdims=True)
    # combine weights [T,E] via one-hot scatter of top-k weights
    combine = jnp.sum(jax.nn.one_hot(topk_ids, E, dtype=h.dtype) * topk_weights[..., None].astype(h.dtype), axis=1)
    # experts with fused gate/up SiGLU (SwiGLU) activation
    h1 = jnp.einsum('td,edf->tef', h, w1)                     # [T,E,2*FF]
    g, u = jnp.split(h1, 2, axis=-1)
    act = jax.nn.silu(g) * u                                  # [T,E,FF]
    expert_out = jnp.einsum('tef,efd->ted', act, w2)          # [T,E,D]
    return jnp.einsum('ted,te->td', expert_out, combine)


def reference(hidden_states, ln1_gamma, ln2_gamma, wq, wk, wv, wo, gate_w, w1, w2):
    residual = hidden_states
    h = _rmsnorm(hidden_states, ln1_gamma)
    h = _causal_attention(h, wq, wk, wv, wo)
    h = residual + h
    residual = h
    h = _rmsnorm(h, ln2_gamma)
    h = _moe(h, gate_w, w1, w2)
    return residual + h

if __name__ == "__main__":
    import jax
    _d = setup_inputs()
    print(jax.jit(kernel)(*tuple(_d.values())))

</pallas_src>

<mosaic_0001>
#map = affine_map<(d0, d1) -> (0, 0)>
module attributes {stable_mosaic.version = 14 : i64} {
  func.func @k(%arg0: i32, %arg1: i32, %arg2: memref<8192x256xf32, #tpu.memory_space<hbm>>, %arg3: memref<2x8192xi32, #tpu.memory_space<hbm>>, %arg4: memref<24576x256xf32, #tpu.memory_space<hbm>>) attributes {dimension_semantics = [#tpu.dimension_semantics<core_parallel>, #tpu.dimension_semantics<subcore_parallel>], iteration_bounds = array<i64: 2, 16>, scalar_prefetch = 0 : i64, scratch_operands = 0 : i64, tpu.core_type = #tpu.core_type<sc_vector_subcore>, window_params = [{transform_indices = #map}, {transform_indices = #map}, {transform_indices = #map}]} {
    %mul3A = arith.constant 1 : i32
    %mul3A_0 = arith.muli %arg1, %mul3A : i32
    %add3A = arith.constant 0 : i32
    %add3A_1 = arith.addi %add3A, %mul3A_0 : i32
    %mul3A_2 = arith.constant 16 : i32
    %mul3A_3 = arith.muli %arg0, %mul3A_2 : i32
    %add3A_4 = arith.addi %add3A_1, %mul3A_3 : i32
    %mul3A_5 = arith.constant 2 : i32
    %mul3A_6 = arith.muli %add3A_4, %mul3A_5 : i32
    "tpu.region"() ({
      %run_scoped3A = memref.alloca() : memref<2x128x256xf32, #tpu.memory_space<vmem>>
      %run_scoped3A_7 = tpu.sem_alloc : memref<2x!tpu.dma_semaphore, #tpu.memory_space<semaphore_mem>>
      %run_scoped3A_8 = memref.alloca() : memref<2x1x128xi32, #tpu.memory_space<vmem>>
      %run_scoped3A_9 = tpu.sem_alloc : memref<2x!tpu.dma_semaphore, #tpu.memory_space<semaphore_mem>>
      %add3A_10 = arith.constant 0 : i32
      %add3A_11 = arith.addi %add3A_10, %mul3A_6 : i32
      %select_n3A = arith.constant true
      %select_n3A_12 = arith.constant 0 : i32
      %select_n3A_13 = arith.constant -1 : i32
      %select_n3A_14 = arith.select %select_n3A, %select_n3A_13, %select_n3A_12 : i32
      %eq3A = arith.constant -1 : i32
      %eq3A_15 = arith.cmpi eq, %select_n3A_14, %eq3A : i32
      %select_n3A_16 = arith.constant 1 : i32
      %select_n3A_17 = arith.select %eq3A_15, %select_n3A_16, %select_n3A_14 : i32
      %select_n3A_18 = arith.constant 0 : i32
      %select_n3A_19 = arith.constant -1 : i32
      %select_n3A_20 = arith.select %eq3A_15, %select_n3A_19, %select_n3A_18 : i32
      %eq3A_21 = arith.constant -1 : i32
      %eq3A_22 = arith.cmpi eq, %select_n3A_20, %eq3A_21 : i32
      %select_n3A_23 = arith.constant 1 : i32
      %select_n3A_24 = arith.select %eq3A_22, %select_n3A_23, %select_n3A_20 : i32
      %add3A_25 = arith.constant 0 : i32
      %add3A_26 = arith.addi %select_n3A_24, %add3A_25 : i32
      %add3A_27 = arith.addi %select_n3A_17, %mul3A_6 : i32
      %select_n3A_28 = arith.constant true
      %select_n3A_29 = arith.constant 0 : i32
      %select_n3A_30 = arith.constant 1 : i32
      %select_n3A_31 = arith.select %select_n3A_28, %select_n3A_30, %select_n3A_29 : i32
      %eq3A_32 = arith.constant 2 : i32
      %eq3A_33 = arith.cmpi eq, %select_n3A_31, %eq3A_32 : i32
      %select_n3A_34 = arith.constant 0 : i32
      %select_n3A_35 = arith.select %eq3A_33, %select_n3A_34, %select_n3A_31 : i32
      %select_n3A_36 = arith.constant 0 : i32
      %select_n3A_37 = arith.constant 1 : i32
      %select_n3A_38 = arith.select %eq3A_33, %select_n3A_37, %select_n3A_36 : i32
      %eq3A_39 = arith.constant 2 : i32
      %eq3A_40 = arith.cmpi eq, %select_n3A_38, %eq3A_39 : i32
      %select_n3A_41 = arith.constant 0 : i32
      %select_n3A_42 = arith.select %eq3A_40, %select_n3A_41, %select_n3A_38 : i32
      %add3A_43 = arith.constant 0 : i32
      %add3A_44 = arith.addi %select_n3A_42, %add3A_43 : i32
      %add3A_45 = arith.addi %select_n3A_35, %mul3A_6 : i32
      %add3A_46 = arith.constant 1 : i32
      %add3A_47 = arith.addi %select_n3A_35, %add3A_46 : i32
      %select_n3A_48 = arith.constant true
      %select_n3A_49 = arith.select %select_n3A_48, %add3A_47, %select_n3A_35 : i32
      %eq3A_50 = arith.constant 2 : i32
      %eq3A_51 = arith.cmpi eq, %select_n3A_49, %eq3A_50 : i32
      %select_n3A_52 = arith.constant 0 : i32
      %select_n3A_53 = arith.select %eq3A_51, %select_n3A_52, %select_n3A_49 : i32
      %add3A_54 = arith.constant 1 : i32
      %add3A_55 = arith.addi %select_n3A_42, %add3A_54 : i32
      %select_n3A_56 = arith.select %eq3A_51, %add3A_55, %select_n3A_42 : i32
      %eq3A_57 = arith.constant 2 : i32
      %eq3A_58 = arith.cmpi eq, %select_n3A_56, %eq3A_57 : i32
      %select_n3A_59 = arith.constant 0 : i32
      %select_n3A_60 = arith.select %eq3A_58, %select_n3A_59, %select_n3A_56 : i32
      %add3A_61 = arith.constant 0 : i32
      %add3A_62 = arith.addi %select_n3A_60, %add3A_61 : i32
      %add3A_63 = arith.addi %select_n3A_53, %mul3A_6 : i32
      "tpu.trace_start"() <{level = 10 : i32, message = "ep_initialize_0"}> : () -> ()
      %rem3A = arith.constant 0 : i32
      %rem3A_64 = arith.constant 2 : i32
      %rem3A_65 = arith.remui %rem3A, %rem3A_64 : i32
      %mul3A_66 = arith.constant 128 : i32
      %mul3A_67 = arith.muli %mul3A_66, %add3A_11 : i32
      %dma_start3A = arith.constant 0 : i32
      %dma_start3A_68 = arith.constant 0 : i32
      %dma_start3A_69 = tpu.memref_slice %run_scoped3A[%rem3A_65, %dma_start3A, %dma_start3A_68] : memref<2x128x256xf32, #tpu.memory_space<vmem>> -> memref<1x128x256xf32, #tpu.memory_space<vmem>>
      %dma_start3A_70 = tpu.memref_squeeze %dma_start3A_69 : memref<1x128x256xf32, #tpu.memory_space<vmem>> -> memref<128x256xf32, #tpu.memory_space<vmem>>
      %dma_start3A_71 = arith.constant 0 : i32
      %dma_start3A_72 = tpu.memref_slice %arg2[%mul3A_67, %dma_start3A_71] : memref<8192x256xf32, #tpu.memory_space<hbm>> -> memref<128x256xf32, #tpu.memory_space<hbm>>
      %dma_start3A_73 = tpu.memref_slice %run_scoped3A_7[%rem3A_65] : memref<2x!tpu.dma_semaphore, #tpu.memory_space<semaphore_mem>> -> memref<1x!tpu.dma_semaphore, #tpu.memory_space<semaphore_mem>>
      %dma_start3A_74 = tpu.memref_squeeze %dma_start3A_73 : memref<1x!tpu.dma_semaphore, #tpu.memory_space<semaphore_mem>> -> memref<!tpu.dma_semaphore, #tpu.memory_space<semaphore_mem>>
      %dma_start3A_75 = arith.constant 0 : i32
      %dma_start3A_76 = arith.constant 0 : i32
      %dma_start3A_77 = tpu.memref_slice %run_scoped3A[%rem3A_65, %dma_start3A_75, %dma_start3A_76] : memref<2x128x256xf32, #tpu.memory_space<vmem>> -> memref<1x128x256xf32, #tpu.memory_space<vmem>>
      %dma_start3A_78 = tpu.memref_squeeze %dma_start3A_77 : memref<1x128x256xf32, #tpu.memory_space<vmem>> -> memref<128x256xf32, #tpu.memory_space<vmem>>
      %dma_start3A_79 = arith.constant 0 : i32
      %dma_start3A_80 = tpu.memref_slice %arg2[%mul3A_67, %dma_start3A_79] : memref<8192x256xf32, #tpu.memory_space<hbm>> -> memref<128x256xf32, #tpu.memory_space<hbm>>
      tpu.enqueue_dma source(%dma_start3A_80 : memref<128x256xf32, #tpu.memory_space<hbm>>) target(%dma_start3A_78 : memref<128x256xf32, #tpu.memory_space<vmem>>) target_semaphore(%dma_start3A_74 : memref<!tpu.dma_semaphore, #tpu.memory_space<semaphore_mem>>)
      %add3A_81 = arith.constant 0 : i32
      %add3A_82 = arith.constant 1 : i32
      %add3A_83 = arith.addi %add3A_81, %add3A_82 : i32
      %select_n3A_84 = arith.constant true
      %select_n3A_85 = arith.constant 0 : i32
      %select_n3A_86 = arith.select %select_n3A_84, %add3A_83, %select_n3A_85 : i32
      %rem3A_87 = arith.constant 0 : i32
      %rem3A_88 = arith.constant 2 : i32
      %rem3A_89 = arith.remui %rem3A_87, %rem3A_88 : i32
      %mul3A_90 = arith.constant 128 : i32
      %mul3A_91 = arith.muli %mul3A_90, %add3A_11 : i32
      %dma_start3A_92 = arith.constant 0 : i32
      %dma_start3A_93 = arith.constant 0 : i32
      %dma_start3A_94 = tpu.memref_slice %run_scoped3A_8[%rem3A_89, %dma_start3A_92, %dma_start3A_93] : memref<2x1x128xi32, #tpu.memory_space<vmem>> -> memref<1x1x128xi32, #tpu.memory_space<vmem>>
      %dma_start3A_95 = tpu.memref_squeeze %dma_start3A_94 : memref<1x1x128xi32, #tpu.memory_space<vmem>> -> memref<1x128xi32, #tpu.memory_space<vmem>>
      %dma_start3A_96 = arith.constant 0 : i32
      %dma_start3A_97 = tpu.memref_slice %arg3[%dma_start3A_96, %mul3A_91] : memref<2x8192xi32, #tpu.memory_space<hbm>> -> memref<1x128xi32, #tpu.memory_space<hbm>>
      %dma_start3A_98 = tpu.memref_slice %run_scoped3A_9[%rem3A_89] : memref<2x!tpu.dma_semaphore, #tpu.memory_space<semaphore_mem>> -> memref<1x!tpu.dma_semaphore, #tpu.memory_space<semaphore_mem>>
      %dma_start3A_99 = tpu.memref_squeeze %dma_start3A_98 : memref<1x!tpu.dma_semaphore, #tpu.memory_space<semaphore_mem>> -> memref<!tpu.dma_semaphore, #tpu.memory_space<semaphore_mem>>
      %dma_start3A_100 = arith.constant 0 : i32
      %dma_start3A_101 = arith.constant 0 : i32
      %dma_start3A_102 = tpu.memref_slice %run_scoped3A_8[%rem3A_89, %dma_start3A_100, %dma_start3A_101] : memref<2x1x128xi32, #tpu.memory_space<vmem>> -> memref<1x1x128xi32, #tpu.memory_space<vmem>>
      %dma_start3A_103 = tpu.memref_squeeze %dma_start3A_102 : memref<1x1x128xi32, #tpu.memory_space<vmem>> -> memref<1x128xi32, #tpu.memory_space<vmem>>
      %dma_start3A_104 = arith.constant 0 : i32
      %dma_start3A_105 = tpu.memref_slice %arg3[%dma_start3A_104, %mul3A_91] : memref<2x8192xi32, #tpu.memory_space<hbm>> -> memref<1x128xi32, #tpu.memory_space<hbm>>
      tpu.enqueue_dma source(%dma_start3A_105 : memref<1x128xi32, #tpu.memory_space<hbm>>) target(%dma_start3A_103 : memref<1x128xi32, #tpu.memory_space<vmem>>) target_semaphore(%dma_start3A_99 : memref<!tpu.dma_semaphore, #tpu.memory_space<semaphore_mem>>)
      %add3A_106 = arith.constant 0 : i32
      %add3A_107 = arith.constant 1 : i32
      %add3A_108 = arith.addi %add3A_106, %add3A_107 : i32
      %select_n3A_109 = arith.constant true
      %select_n3A_110 = arith.constant 0 : i32
      %select_n3A_111 = arith.select %select_n3A_109, %add3A_108, %select_n3A_110 : i32
      "tpu.trace_stop"() : () -> ()
      %scan3A = arith.constant 0 : i32
      %scan3A_112 = arith.constant 0 : i32
      %scan3A_113 = arith.constant 0 : i32
      %scan3A_114 = arith.constant 0 : i32
      %scan3A_115 = arith.constant 0 : i32
      %scan3A_116 = arith.constant 4 : i32
      %scan3A_117 = arith.addi %scan3A_115, %scan3A_116 : i32
      %scan3A_118 = arith.constant 1 : i32
      %scan3A_119:6 = scf.for %scan3A_192 = %scan3A_115 to %scan3A_117 step %scan3A_118 iter_args(%scan3A_193 = %select_n3A_86, %scan3A_194 = %scan3A, %scan3A_195 = %select_n3A_111, %scan3A_196 = %scan3A_112, %scan3A_197 = %scan3A_113, %scan3A_198 = %scan3A_114) -> (i32, i32, i32, i32, i32, i32)  : i32 {
        %eq3A_199 = arith.constant 0 : i32
        %eq3A_200 = arith.cmpi eq, %scan3A_192, %eq3A_199 : i32
        %eq3A_201 = arith.constant 3 : i32
        %eq3A_202 = arith.cmpi eq, %scan3A_192, %eq3A_201 : i32
        %add3A_203 = arith.constant 0 : i32
        %add3A_204 = arith.addi %scan3A_197, %add3A_203 : i32
        %add3A_205 = arith.addi %scan3A_198, %mul3A_6 : i32
        %sub3A_206 = arith.constant 1 : i32
        %sub3A_207 = arith.subi %scan3A_198, %sub3A_206 : i32
        %select_n3A_208 = arith.constant true
        %select_n3A_209 = arith.select %select_n3A_208, %sub3A_207, %scan3A_198 : i32
        %eq3A_210 = arith.constant -1 : i32
        %eq3A_211 = arith.cmpi eq, %select_n3A_209, %eq3A_210 : i32
        %select_n3A_212 = arith.constant 1 : i32
        %select_n3A_213 = arith.select %eq3A_211, %select_n3A_212, %select_n3A_209 : i32
        %sub3A_214 = arith.constant 1 : i32
        %sub3A_215 = arith.subi %scan3A_197, %sub3A_214 : i32
        %select_n3A_216 = arith.select %eq3A_211, %sub3A_215, %scan3A_197 : i32
        %eq3A_217 = arith.constant -1 : i32
        %eq3A_218 = arith.cmpi eq, %select_n3A_216, %eq3A_217 : i32
        %select_n3A_219 = arith.constant 1 : i32
        %select_n3A_220 = arith.select %eq3A_218, %select_n3A_219, %select_n3A_216 : i32
        %add3A_221 = arith.constant 0 : i32
        %add3A_222 = arith.addi %select_n3A_220, %add3A_221 : i32
        %add3A_223 = arith.addi %select_n3A_213, %mul3A_6 : i32
        %add3A_224 = arith.constant 1 : i32
        %add3A_225 = arith.addi %scan3A_198, %add3A_224 : i32
        %select_n3A_226 = arith.constant true
        %select_n3A_227 = arith.select %select_n3A_226, %add3A_225, %scan3A_198 : i32
        %eq3A_228 = arith.constant 2 : i32
        %eq3A_229 = arith.cmpi eq, %select_n3A_227, %eq3A_228 : i32
        %select_n3A_230 = arith.constant 0 : i32
        %select_n3A_231 = arith.select %eq3A_229, %select_n3A_230, %select_n3A_227 : i32
        %add3A_232 = arith.constant 1 : i32
        %add3A_233 = arith.addi %scan3A_197, %add3A_232 : i32
        %select_n3A_234 = arith.select %eq3A_229, %add3A_233, %scan3A_197 : i32
        %eq3A_235 = arith.constant 2 : i32
        %eq3A_236 = arith.cmpi eq, %select_n3A_234, %eq3A_235 : i32
        %select_n3A_237 = arith.constant 0 : i32
        %select_n3A_238 = arith.select %eq3A_236, %select_n3A_237, %select_n3A_234 : i32
        %add3A_239 = arith.constant 0 : i32
        %add3A_240 = arith.addi %select_n3A_238, %add3A_239 : i32
        %add3A_241 = arith.addi %select_n3A_231, %mul3A_6 : i32
        %add3A_242 = arith.constant 1 : i32
        %add3A_243 = arith.addi %select_n3A_231, %add3A_242 : i32
        %select_n3A_244 = arith.constant true
        %select_n3A_245 = arith.select %select_n3A_244, %add3A_243, %select_n3A_231 : i32
        %eq3A_246 = arith.constant 2 : i32
        %eq3A_247 = arith.cmpi eq, %select_n3A_245, %eq3A_246 : i32
        %select_n3A_248 = arith.constant 0 : i32
        %select_n3A_249 = arith.select %eq3A_247, %select_n3A_248, %select_n3A_245 : i32
        %add3A_250 = arith.constant 1 : i32
        %add3A_251 = arith.addi %select_n3A_238, %add3A_250 : i32
        %select_n3A_252 = arith.select %eq3A_247, %add3A_251, %select_n3A_238 : i32
        %eq3A_253 = arith.constant 2 : i32
        %eq3A_254 = arith.cmpi eq, %select_n3A_252, %eq3A_253 : i32
        %select_n3A_255 = arith.constant 0 : i32
        %select_n3A_256 = arith.select %eq3A_254, %select_n3A_255, %select_n3A_252 : i32
        %add3A_257 = arith.constant 0 : i32
        %add3A_258 = arith.addi %select_n3A_256, %add3A_257 : i32
        %add3A_259 = arith.addi %select_n3A_249, %mul3A_6 : i32
        %ne3A = arith.cmpi ne, %add3A_205, %add3A_241 : i32
        %or3A = arith.constant false
        %or3A_260 = arith.ori %or3A, %ne3A : i1
        %or3A_261 = arith.constant false
        %or3A_262 = arith.ori %or3A_260, %or3A_261 : i1
        %ge3A = arith.constant 3 : i32
        %ge3A_263 = arith.cmpi sge, %scan3A_192, %ge3A : i32
        %not3A = arith.constant true
        %not3A_264 = arith.xori %ge3A_263, %not3A : i1
        %and3A = arith.andi %or3A_262, %not3A_264 : i1
        %convert_element_type3A = arith.extui %and3A : i1 to i32
        %cond3A = arith.constant 0 : i32
        %cond3A_265 = arith.cmpi ne, %convert_element_type3A, %cond3A : i32
        scf.if %cond3A_265 {
          "tpu.trace_start"() <{level = 10 : i32, message = "ep_copy_in"}> : () -> ()
          %rem3A_393 = arith.constant 2 : i32
          %rem3A_394 = arith.remui %scan3A_193, %rem3A_393 : i32
          %mul3A_395 = arith.constant 128 : i32
          %mul3A_396 = arith.muli %mul3A_395, %add3A_241 : i32
          %dma_start3A_397 = arith.constant 0 : i32
          %dma_start3A_398 = arith.constant 0 : i32
          %dma_start3A_399 = tpu.memref_slice %run_scoped3A[%rem3A_394, %dma_start3A_397, %dma_start3A_398] : memref<2x128x256xf32, #tpu.memory_space<vmem>> -> memref<1x128x256xf32, #tpu.memory_space<vmem>>
          %dma_start3A_400 = tpu.memref_squeeze %dma_start3A_399 : memref<1x128x256xf32, #tpu.memory_space<vmem>> -> memref<128x256xf32, #tpu.memory_space<vmem>>
          %dma_start3A_401 = arith.constant 0 : i32
          %dma_start3A_402 = tpu.memref_slice %arg2[%mul3A_396, %dma_start3A_401] : memref<8192x256xf32, #tpu.memory_space<hbm>> -> memref<128x256xf32, #tpu.memory_space<hbm>>
          %dma_start3A_403 = tpu.memref_slice %run_scoped3A_7[%rem3A_394] : memref<2x!tpu.dma_semaphore, #tpu.memory_space<semaphore_mem>> -> memref<1x!tpu.dma_semaphore, #tpu.memory_space<semaphore_mem>>
          %dma_start3A_404 = tpu.memref_squeeze %dma_start3A_403 : memref<1x!tpu.dma_semaphore, #tpu.memory_space<semaphore_mem>> -> memref<!tpu.dma_semaphore, #tpu.memory_space<semaphore_mem>>
          %dma_start3A_405 = arith.constant 0 : i32
          %dma_start3A_406 = arith.constant 0 : i32
          %dma_start3A_407 = tpu.memref_slice %run_scoped3A[%rem3A_394, %dma_start3A_405, %dma_start3A_406] : memref<2x128x256xf32, #tpu.memory_space<vmem>> -> memref<1x128x256xf32, #tpu.memory_space<vmem>>
          %dma_start3A_408 = tpu.memref_squeeze %dma_start3A_407 : memref<1x128x256xf32, #tpu.memory_space<vmem>> -> memref<128x256xf32, #tpu.memory_space<vmem>>
          %dma_start3A_409 = arith.constant 0 : i32
          %dma_start3A_410 = tpu.memref_slice %arg2[%mul3A_396, %dma_start3A_409] : memref<8192x256xf32, #tpu.memory_space<hbm>> -> memref<128x256xf32, #tpu.memory_space<hbm>>
          tpu.enqueue_dma source(%dma_start3A_410 : memref<128x256xf32, #tpu.memory_space<hbm>>) target(%dma_start3A_408 : memref<128x256xf32, #tpu.memory_space<vmem>>) target_semaphore(%dma_start3A_404 : memref<!tpu.dma_semaphore, #tpu.memory_space<semaphore_mem>>)
          "tpu.trace_stop"() : () -> ()
        } else {
        }
        %and3A_266 = arith.constant true
        %and3A_267 = arith.andi %and3A, %and3A_266 : i1
        %add3A_268 = arith.constant 1 : i32
        %add3A_269 = arith.addi %scan3A_193, %add3A_268 : i32
        %select_n3A_270 = arith.select %and3A_267, %add3A_269, %scan3A_193 : i32
        %ne3A_271 = arith.cmpi ne, %add3A_204, %add3A_240 : i32
        %ne3A_272 = arith.cmpi ne, %add3A_205, %add3A_241 : i32
        %or3A_273 = arith.constant false
        %or3A_274 = arith.ori %or3A_273, %ne3A_271 : i1
        %or3A_275 = arith.ori %or3A_274, %ne3A_272 : i1
        %ge3A_276 = arith.constant 3 : i32
        %ge3A_277 = arith.cmpi sge, %scan3A_192, %ge3A_276 : i32
        %not3A_278 = arith.constant true
        %not3A_279 = arith.xori %ge3A_277, %not3A_278 : i1
        %and3A_280 = arith.andi %or3A_275, %not3A_279 : i1
        %convert_element_type3A_281 = arith.extui %and3A_280 : i1 to i32
        %cond3A_282 = arith.constant 0 : i32
        %cond3A_283 = arith.cmpi ne, %convert_element_type3A_281, %cond3A_282 : i32
        scf.if %cond3A_283 {
          "tpu.trace_start"() <{level = 10 : i32, message = "ep_copy_in"}> : () -> ()
          %rem3A_393 = arith.constant 2 : i32
          %rem3A_394 = arith.remui %scan3A_195, %rem3A_393 : i32
          %mul3A_395 = arith.constant 1 : i32
          %mul3A_396 = arith.muli %mul3A_395, %add3A_240 : i32
          %mul3A_397 = arith.constant 128 : i32
          %mul3A_398 = arith.muli %mul3A_397, %add3A_241 : i32
          %dma_start3A_399 = arith.constant 0 : i32
          %dma_start3A_400 = arith.constant 0 : i32
          %dma_start3A_401 = tpu.memref_slice %run_scoped3A_8[%rem3A_394, %dma_start3A_399, %dma_start3A_400] : memref<2x1x128xi32, #tpu.memory_space<vmem>> -> memref<1x1x128xi32, #tpu.memory_space<vmem>>
          %dma_start3A_402 = tpu.memref_squeeze %dma_start3A_401 : memref<1x1x128xi32, #tpu.memory_space<vmem>> -> memref<1x128xi32, #tpu.memory_space<vmem>>
          %dma_start3A_403 = tpu.memref_slice %arg3[%mul3A_396, %mul3A_398] : memref<2x8192xi32, #tpu.memory_space<hbm>> -> memref<1x128xi32, #tpu.memory_space<hbm>>
          %dma_start3A_404 = tpu.memref_slice %run_scoped3A_9[%rem3A_394] : memref<2x!tpu.dma_semaphore, #tpu.memory_space<semaphore_mem>> -> memref<1x!tpu.dma_semaphore, #tpu.memory_space<semaphore_mem>>
          %dma_start3A_405 = tpu.memref_squeeze %dma_start3A_404 : memref<1x!tpu.dma_semaphore, #tpu.memory_space<semaphore_mem>> -> memref<!tpu.dma_semaphore, #tpu.memory_space<semaphore_mem>>
          %dma_start3A_406 = arith.constant 0 : i32
          %dma_start3A_407 = arith.constant 0 : i32
          %dma_start3A_408 = tpu.memref_slice %run_scoped3A_8[%rem3A_394, %dma_start3A_406, %dma_start3A_407] : memref<2x1x128xi32, #tpu.memory_space<vmem>> -> memref<1x1x128xi32, #tpu.memory_space<vmem>>
          %dma_start3A_409 = tpu.memref_squeeze %dma_start3A_408 : memref<1x1x128xi32, #tpu.memory_space<vmem>> -> memref<1x128xi32, #tpu.memory_space<vmem>>
          %dma_start3A_410 = tpu.memref_slice %arg3[%mul3A_396, %mul3A_398] : memref<2x8192xi32, #tpu.memory_space<hbm>> -> memref<1x128xi32, #tpu.memory_space<hbm>>
          tpu.enqueue_dma source(%dma_start3A_410 : memref<1x128xi32, #tpu.memory_space<hbm>>) target(%dma_start3A_409 : memref<1x128xi32, #tpu.memory_space<vmem>>) target_semaphore(%dma_start3A_405 : memref<!tpu.dma_semaphore, #tpu.memory_space<semaphore_mem>>)
          "tpu.trace_stop"() : () -> ()
        } else {
        }
        %and3A_284 = arith.constant true
        %and3A_285 = arith.andi %and3A_280, %and3A_284 : i1
        %add3A_286 = arith.constant 1 : i32
        %add3A_287 = arith.addi %scan3A_195, %add3A_286 : i32
        %select_n3A_288 = arith.select %and3A_285, %add3A_287, %scan3A_195 : i32
        %ne3A_289 = arith.cmpi ne, %add3A_205, %add3A_223 : i32
        %or3A_290 = arith.constant false
        %or3A_291 = arith.ori %or3A_290, %ne3A_289 : i1
        %or3A_292 = arith.constant false
        %or3A_293 = arith.ori %or3A_291, %or3A_292 : i1
        %or3A_294 = arith.ori %or3A_293, %eq3A_200 : i1
        %convert_element_type3A_295 = arith.extui %or3A_294 : i1 to i32
        %cond3A_296 = arith.constant 0 : i32
        %cond3A_297 = arith.cmpi ne, %convert_element_type3A_295, %cond3A_296 : i32
        scf.if %cond3A_297 {
          "tpu.trace_start"() <{level = 10 : i32, message = "ep_wait_in"}> : () -> ()
          %mul3A_393 = arith.constant 128 : i32
          %mul3A_394 = arith.muli %mul3A_393, %add3A_205 : i32
          %rem3A_395 = arith.constant 2 : i32
          %rem3A_396 = arith.remui %scan3A_194, %rem3A_395 : i32
          %dma_wait3A = arith.constant 0 : i32
          %dma_wait3A_397 = arith.constant 0 : i32
          %dma_wait3A_398 = tpu.memref_slice %run_scoped3A[%rem3A_396, %dma_wait3A, %dma_wait3A_397] : memref<2x128x256xf32, #tpu.memory_space<vmem>> -> memref<1x128x256xf32, #tpu.memory_space<vmem>>
          %dma_wait3A_399 = tpu.memref_squeeze %dma_wait3A_398 : memref<1x128x256xf32, #tpu.memory_space<vmem>> -> memref<128x256xf32, #tpu.memory_space<vmem>>
          %dma_wait3A_400 = arith.constant 0 : i32
          %dma_wait3A_401 = tpu.memref_slice %arg2[%mul3A_394, %dma_wait3A_400] : memref<8192x256xf32, #tpu.memory_space<hbm>> -> memref<128x256xf32, #tpu.memory_space<hbm>>
          %dma_wait3A_402 = tpu.memref_slice %run_scoped3A_7[%rem3A_396] : memref<2x!tpu.dma_semaphore, #tpu.memory_space<semaphore_mem>> -> memref<1x!tpu.dma_semaphore, #tpu.memory_space<semaphore_mem>>
          %dma_wait3A_403 = tpu.memref_squeeze %dma_wait3A_402 : memref<1x!tpu.dma_semaphore, #tpu.memory_space<semaphore_mem>> -> memref<!tpu.dma_semaphore, #tpu.memory_space<semaphore_mem>>
          %dma_wait3A_404 = arith.constant 0 : i32
          %dma_wait3A_405 = arith.constant 0 : i32
          %dma_wait3A_406 = tpu.memref_slice %run_scoped3A[%rem3A_396, %dma_wait3A_404, %dma_wait3A_405] : memref<2x128x256xf32, #tpu.memory_space<vmem>> -> memref<1x128x256xf32, #tpu.memory_space<vmem>>
          %dma_wait3A_407 = tpu.memref_squeeze %dma_wait3A_406 : memref<1x128x256xf32, #tpu.memory_space<vmem>> -> memref<128x256xf32, #tpu.memory_space<vmem>>
          %dma_wait3A_408 = arith.constant 0 : i32
          %dma_wait3A_409 = tpu.memref_slice %arg2[%mul3A_394, %dma_wait3A_408] : memref<8192x256xf32, #tpu.memory_space<hbm>> -> memref<128x256xf32, #tpu.memory_space<hbm>>
          tpu.wait_dma2 semaphore(%dma_wait3A_403 : memref<!tpu.dma_semaphore, #tpu.memory_space<semaphore_mem>>) src(%dma_wait3A_409 : memref<128x256xf32, #tpu.memory_space<hbm>>) dst(%dma_wait3A_407 : memref<128x256xf32, #tpu.memory_space<vmem>>)
          "tpu.trace_stop"() : () -> ()
        } else {
        }
        %ne3A_298 = arith.cmpi ne, %add3A_204, %add3A_222 : i32
        %ne3A_299 = arith.cmpi ne, %add3A_205, %add3A_223 : i32
        %or3A_300 = arith.constant false
        %or3A_301 = arith.ori %or3A_300, %ne3A_298 : i1
        %or3A_302 = arith.ori %or3A_301, %ne3A_299 : i1
        %or3A_303 = arith.ori %or3A_302, %eq3A_200 : i1
        %convert_element_type3A_304 = arith.extui %or3A_303 : i1 to i32
        %cond3A_305 = arith.constant 0 : i32
        %cond3A_306 = arith.cmpi ne, %convert_element_type3A_304, %cond3A_305 : i32
        scf.if %cond3A_306 {
          "tpu.trace_start"() <{level = 10 : i32, message = "ep_wait_in"}> : () -> ()
          %mul3A_393 = arith.constant 1 : i32
          %mul3A_394 = arith.muli %mul3A_393, %add3A_204 : i32
          %mul3A_395 = arith.constant 128 : i32
          %mul3A_396 = arith.muli %mul3A_395, %add3A_205 : i32
          %rem3A_397 = arith.constant 2 : i32
          %rem3A_398 = arith.remui %scan3A_196, %rem3A_397 : i32
          %dma_wait3A = arith.constant 0 : i32
          %dma_wait3A_399 = arith.constant 0 : i32
          %dma_wait3A_400 = tpu.memref_slice %run_scoped3A_8[%rem3A_398, %dma_wait3A, %dma_wait3A_399] : memref<2x1x128xi32, #tpu.memory_space<vmem>> -> memref<1x1x128xi32, #tpu.memory_space<vmem>>
          %dma_wait3A_401 = tpu.memref_squeeze %dma_wait3A_400 : memref<1x1x128xi32, #tpu.memory_space<vmem>> -> memref<1x128xi32, #tpu.memory_space<vmem>>
          %dma_wait3A_402 = tpu.memref_slice %arg3[%mul3A_394, %mul3A_396] : memref<2x8192xi32, #tpu.memory_space<hbm>> -> memref<1x128xi32, #tpu.memory_space<hbm>>
          %dma_wait3A_403 = tpu.memref_slice %run_scoped3A_9[%rem3A_398] : memref<2x!tpu.dma_semaphore, #tpu.memory_space<semaphore_mem>> -> memref<1x!tpu.dma_semaphore, #tpu.memory_space<semaphore_mem>>
          %dma_wait3A_404 = tpu.memref_squeeze %dma_wait3A_403 : memref<1x!tpu.dma_semaphore, #tpu.memory_space<semaphore_mem>> -> memref<!tpu.dma_semaphore, #tpu.memory_space<semaphore_mem>>
          %dma_wait3A_405 = arith.constant 0 : i32
          %dma_wait3A_406 = arith.constant 0 : i32
          %dma_wait3A_407 = tpu.memref_slice %run_scoped3A_8[%rem3A_398, %dma_wait3A_405, %dma_wait3A_406] : memref<2x1x128xi32, #tpu.memory_space<vmem>> -> memref<1x1x128xi32, #tpu.memory_space<vmem>>
          %dma_wait3A_408 = tpu.memref_squeeze %dma_wait3A_407 : memref<1x1x128xi32, #tpu.memory_space<vmem>> -> memref<1x128xi32, #tpu.memory_space<vmem>>
          %dma_wait3A_409 = tpu.memref_slice %arg3[%mul3A_394, %mul3A_396] : memref<2x8192xi32, #tpu.memory_space<hbm>> -> memref<1x128xi32, #tpu.memory_space<hbm>>
          tpu.wait_dma2 semaphore(%dma_wait3A_404 : memref<!tpu.dma_semaphore, #tpu.memory_space<semaphore_mem>>) src(%dma_wait3A_409 : memref<1x128xi32, #tpu.memory_space<hbm>>) dst(%dma_wait3A_408 : memref<1x128xi32, #tpu.memory_space<vmem>>)
          "tpu.trace_stop"() : () -> ()
        } else {
        }
        %rem3A_307 = arith.constant 2 : i32
        %rem3A_308 = arith.remui %scan3A_194, %rem3A_307 : i32
        %rem3A_309 = arith.constant 2 : i32
        %rem3A_310 = arith.remui %scan3A_196, %rem3A_309 : i32
        %run_scoped3A_311 = arith.constant 0 : i32
        "tpu.trace_start"() <{level = 10 : i32, message = "ep_run_kernel"}> : () -> ()
        "tpu.region"() ({
          %run_scoped3A_393 = tpu.sem_alloc : memref<!tpu.dma_semaphore, #tpu.memory_space<semaphore_mem>>
          %dma_start3A_394 = arith.constant 0 : i32
          %dma_start3A_395 = arith.constant 0 : i32
          %dma_start3A_396 = tpu.memref_slice %run_scoped3A[%rem3A_308, %dma_start3A_394, %dma_start3A_395] : memref<2x128x256xf32, #tpu.memory_space<vmem>> -> memref<1x128x256xf32, #tpu.memory_space<vmem>>
          %dma_start3A_397 = tpu.memref_squeeze %dma_start3A_396 : memref<1x128x256xf32, #tpu.memory_space<vmem>> -> memref<128x256xf32, #tpu.memory_space<vmem>>
          %dma_start3A_398 = arith.constant 0 : i32
          %dma_start3A_399 = arith.constant 0 : i32
          %dma_start3A_400 = tpu.memref_slice %run_scoped3A_8[%rem3A_310, %dma_start3A_398, %dma_start3A_399] : memref<2x1x128xi32, #tpu.memory_space<vmem>> -> memref<1x1x128xi32, #tpu.memory_space<vmem>>
          %dma_start3A_401 = tpu.memref_squeeze %dma_start3A_400 : memref<1x1x128xi32, #tpu.memory_space<vmem>> -> memref<1x128xi32, #tpu.memory_space<vmem>>
          %dma_start3A_402 = arith.constant 0 : i32
          %dma_start3A_403 = tpu.memref_slice %dma_start3A_401[%run_scoped3A_311, %dma_start3A_402] : memref<1x128xi32, #tpu.memory_space<vmem>> -> memref<1x128xi32, #tpu.memory_space<vmem>>
          %dma_start3A_404 = tpu.memref_squeeze %dma_start3A_403 : memref<1x128xi32, #tpu.memory_space<vmem>> -> memref<128xi32, #tpu.memory_space<vmem>>
          %dma_start3A_405 = arith.constant 0 : i32
          %dma_start3A_406 = arith.constant 0 : i32
          %dma_start3A_407 = tpu.memref_slice %arg4[%dma_start3A_405, %dma_start3A_406] : memref<24576x256xf32, #tpu.memory_space<hbm>> -> memref<24576x256xf32, #tpu.memory_space<hbm>>
          tpu.enqueue_indirect_dma source(%dma_start3A_397 : memref<128x256xf32, #tpu.memory_space<vmem>>) target(%dma_start3A_407 : memref<24576x256xf32, #tpu.memory_space<hbm>>) offsets(%dma_start3A_404 : memref<128xi32, #tpu.memory_space<vmem>>) semaphore(%run_scoped3A_393 : memref<!tpu.dma_semaphore, #tpu.memory_space<semaphore_mem>>)
          %dma_wait3A = arith.constant 0 : i32
          %dma_wait3A_408 = arith.constant 0 : i32
          %dma_wait3A_409 = tpu.memref_slice %run_scoped3A[%rem3A_308, %dma_wait3A, %dma_wait3A_408] : memref<2x128x256xf32, #tpu.memory_space<vmem>> -> memref<1x128x256xf32, #tpu.memory_space<vmem>>
          %dma_wait3A_410 = tpu.memref_squeeze %dma_wait3A_409 : memref<1x128x256xf32, #tpu.memory_space<vmem>> -> memref<128x256xf32, #tpu.memory_space<vmem>>
          %dma_wait3A_411 = arith.constant 0 : i32
          %dma_wait3A_412 = arith.constant 0 : i32
          %dma_wait3A_413 = tpu.memref_slice %run_scoped3A_8[%rem3A_310, %dma_wait3A_411, %dma_wait3A_412] : memref<2x1x128xi32, #tpu.memory_space<vmem>> -> memref<1x1x128xi32, #tpu.memory_space<vmem>>
          %dma_wait3A_414 = tpu.memref_squeeze %dma_wait3A_413 : memref<1x1x128xi32, #tpu.memory_space<vmem>> -> memref<1x128xi32, #tpu.memory_space<vmem>>
          %dma_wait3A_415 = arith.constant 0 : i32
          %dma_wait3A_416 = tpu.memref_slice %dma_wait3A_414[%run_scoped3A_311, %dma_wait3A_415] : memref<1x128xi32, #tpu.memory_space<vmem>> -> memref<1x128xi32, #tpu.memory_space<vmem>>
          %dma_wait3A_417 = tpu.memref_squeeze %dma_wait3A_416 : memref<1x128xi32, #tpu.memory_space<vmem>> -> memref<128xi32, #tpu.memory_space<vmem>>
          %dma_wait3A_418 = arith.constant 0 : i32
          %dma_wait3A_419 = arith.constant 0 : i32
          %dma_wait3A_420 = tpu.memref_slice %arg4[%dma_wait3A_418, %dma_wait3A_419] : memref<24576x256xf32, #tpu.memory_space<hbm>> -> memref<24576x256xf32, #tpu.memory_space<hbm>>
          tpu.wait_indirect_dma semaphore(%run_scoped3A_393 : memref<!tpu.dma_semaphore, #tpu.memory_space<semaphore_mem>>) src(%dma_wait3A_410 : memref<128x256xf32, #tpu.memory_space<vmem>>) dst(%dma_wait3A_420 : memref<24576x256xf32, #tpu.memory_space<hbm>>)
          tpu.yield
        }) : () -> ()
        "tpu.trace_stop"() : () -> ()
        %ne3A_312 = arith.cmpi ne, %add3A_205, %add3A_241 : i32
        %or3A_313 = arith.constant false
        %or3A_314 = arith.ori %or3A_313, %ne3A_312 : i1
        %or3A_315 = arith.constant false
        %or3A_316 = arith.ori %or3A_314, %or3A_315 : i1
        %or3A_317 = arith.ori %or3A_316, %eq3A_202 : i1
        %convert_element_type3A_318 = arith.extui %or3A_317 : i1 to i32
        %cond3A_319 = arith.constant 0 : i32
        %cond3A_320 = arith.cmpi ne, %convert_element_type3A_318, %cond3A_319 : i32
        scf.if %cond3A_320 {
        } else {
        }
        %and3A_321 = arith.constant false
        %and3A_322 = arith.andi %or3A_317, %and3A_321 : i1
        %ne3A_323 = arith.cmpi ne, %add3A_204, %add3A_240 : i32
        %ne3A_324 = arith.cmpi ne, %add3A_205, %add3A_241 : i32
        %or3A_325 = arith.constant false
        %or3A_326 = arith.ori %or3A_325, %ne3A_323 : i1
        %or3A_327 = arith.ori %or3A_326, %ne3A_324 : i1
        %or3A_328 = arith.ori %or3A_327, %eq3A_202 : i1
        %convert_element_type3A_329 = arith.extui %or3A_328 : i1 to i32
        %cond3A_330 = arith.constant 0 : i32
        %cond3A_331 = arith.cmpi ne, %convert_element_type3A_329, %cond3A_330 : i32
        scf.if %cond3A_331 {
        } else {
        }
        %and3A_332 = arith.constant false
        %and3A_333 = arith.andi %or3A_328, %and3A_332 : i1
        %ne3A_334 = arith.cmpi ne, %add3A_205, %add3A_223 : i32
        %or3A_335 = arith.constant false
        %or3A_336 = arith.ori %or3A_335, %ne3A_334 : i1
        %or3A_337 = arith.constant false
        %or3A_338 = arith.ori %or3A_336, %or3A_337 : i1
        %not3A_339 = arith.constant true
        %not3A_340 = arith.xori %eq3A_200, %not3A_339 : i1
        %and3A_341 = arith.andi %or3A_338, %not3A_340 : i1
        %convert_element_type3A_342 = arith.extui %and3A_341 : i1 to i32
        %cond3A_343 = arith.constant 0 : i32
        %cond3A_344 = arith.cmpi ne, %convert_element_type3A_342, %cond3A_343 : i32
        scf.if %cond3A_344 {
        } else {
        }
        %and3A_345 = arith.constant false
        %and3A_346 = arith.andi %and3A_341, %and3A_345 : i1
        %ne3A_347 = arith.cmpi ne, %add3A_204, %add3A_222 : i32
        %ne3A_348 = arith.cmpi ne, %add3A_205, %add3A_223 : i32
        %or3A_349 = arith.constant false
        %or3A_350 = arith.ori %or3A_349, %ne3A_347 : i1
        %or3A_351 = arith.ori %or3A_350, %ne3A_348 : i1
        %not3A_352 = arith.constant true
        %not3A_353 = arith.xori %eq3A_200, %not3A_352 : i1
        %and3A_354 = arith.andi %or3A_351, %not3A_353 : i1
        %convert_element_type3A_355 = arith.extui %and3A_354 : i1 to i32
        %cond3A_356 = arith.constant 0 : i32
        %cond3A_357 = arith.cmpi ne, %convert_element_type3A_355, %cond3A_356 : i32
        scf.if %cond3A_357 {
        } else {
        }
        %and3A_358 = arith.constant false
        %and3A_359 = arith.andi %and3A_354, %and3A_358 : i1
        %ne3A_360 = arith.cmpi ne, %add3A_205, %add3A_241 : i32
        %or3A_361 = arith.constant false
        %or3A_362 = arith.ori %or3A_361, %ne3A_360 : i1
        %or3A_363 = arith.constant false
        %or3A_364 = arith.ori %or3A_362, %or3A_363 : i1
        %or3A_365 = arith.ori %or3A_364, %eq3A_202 : i1
        %add3A_366 = arith.constant 1 : i32
        %add3A_367 = arith.addi %scan3A_194, %add3A_366 : i32
        %select_n3A_368 = arith.select %or3A_365, %add3A_367, %scan3A_194 : i32
        %ne3A_369 = arith.cmpi ne, %add3A_204, %add3A_240 : i32
        %ne3A_370 = arith.cmpi ne, %add3A_205, %add3A_241 : i32
        %or3A_371 = arith.constant false
        %or3A_372 = arith.ori %or3A_371, %ne3A_369 : i1
        %or3A_373 = arith.ori %or3A_372, %ne3A_370 : i1
        %or3A_374 = arith.ori %or3A_373, %eq3A_202 : i1
        %add3A_375 = arith.constant 1 : i32
        %add3A_376 = arith.addi %scan3A_196, %add3A_375 : i32
        %select_n3A_377 = arith.select %or3A_374, %add3A_376, %scan3A_196 : i32
        %add3A_378 = arith.constant 1 : i32
        %add3A_379 = arith.addi %scan3A_198, %add3A_378 : i32
        %select_n3A_380 = arith.constant true
        %select_n3A_381 = arith.select %select_n3A_380, %add3A_379, %scan3A_198 : i32
        %eq3A_382 = arith.constant 2 : i32
        %eq3A_383 = arith.cmpi eq, %select_n3A_381, %eq3A_382 : i32
        %select_n3A_384 = arith.constant 0 : i32
        %select_n3A_385 = arith.select %eq3A_383, %select_n3A_384, %select_n3A_381 : i32
        %add3A_386 = arith.constant 1 : i32
        %add3A_387 = arith.addi %scan3A_197, %add3A_386 : i32
        %select_n3A_388 = arith.select %eq3A_383, %add3A_387, %scan3A_197 : i32
        %eq3A_389 = arith.constant 2 : i32
        %eq3A_390 = arith.cmpi eq, %select_n3A_388, %eq3A_389 : i32
        %select_n3A_391 = arith.constant 0 : i32
        %select_n3A_392 = arith.select %eq3A_390, %select_n3A_391, %select_n3A_388 : i32
        scf.yield %select_n3A_270, %select_n3A_368, %select_n3A_288, %select_n3A_377, %select_n3A_392, %select_n3A_385 : i32, i32, i32, i32, i32, i32
      }
      %scan3A_120 = arith.constant 4 : i32
      %sub3A = arith.constant 1 : i32
      %sub3A_121 = arith.subi %scan3A_119#5, %sub3A : i32
      %select_n3A_122 = arith.constant true
      %select_n3A_123 = arith.select %select_n3A_122, %sub3A_121, %scan3A_119#5 : i32
      %eq3A_124 = arith.constant -1 : i32
      %eq3A_125 = arith.cmpi eq, %select_n3A_123, %eq3A_124 : i32
      %select_n3A_126 = arith.constant 1 : i32
      %select_n3A_127 = arith.select %eq3A_125, %select_n3A_126, %select_n3A_123 : i32
      %sub3A_128 = arith.constant 1 : i32
      %sub3A_129 = arith.subi %scan3A_119#4, %sub3A_128 : i32
      %select_n3A_130 = arith.select %eq3A_125, %sub3A_129, %scan3A_119#4 : i32
      %eq3A_131 = arith.constant -1 : i32
      %eq3A_132 = arith.cmpi eq, %select_n3A_130, %eq3A_131 : i32
      %select_n3A_133 = arith.constant 1 : i32
      %select_n3A_134 = arith.select %eq3A_132, %select_n3A_133, %select_n3A_130 : i32
      %add3A_135 = arith.constant 0 : i32
      %add3A_136 = arith.addi %select_n3A_134, %add3A_135 : i32
      %add3A_137 = arith.addi %select_n3A_127, %mul3A_6 : i32
      %sub3A_138 = arith.constant 1 : i32
      %sub3A_139 = arith.subi %select_n3A_127, %sub3A_138 : i32
      %select_n3A_140 = arith.constant true
      %select_n3A_141 = arith.select %select_n3A_140, %sub3A_139, %select_n3A_127 : i32
      %eq3A_142 = arith.constant -1 : i32
      %eq3A_143 = arith.cmpi eq, %select_n3A_141, %eq3A_142 : i32
      %select_n3A_144 = arith.constant 1 : i32
      %select_n3A_145 = arith.select %eq3A_143, %select_n3A_144, %select_n3A_141 : i32
      %sub3A_146 = arith.constant 1 : i32
      %sub3A_147 = arith.subi %select_n3A_134, %sub3A_146 : i32
      %select_n3A_148 = arith.select %eq3A_143, %sub3A_147, %select_n3A_134 : i32
      %eq3A_149 = arith.constant -1 : i32
      %eq3A_150 = arith.cmpi eq, %select_n3A_148, %eq3A_149 : i32
      %select_n3A_151 = arith.constant 1 : i32
      %select_n3A_152 = arith.select %eq3A_150, %select_n3A_151, %select_n3A_148 : i32
      %add3A_153 = arith.constant 0 : i32
      %add3A_154 = arith.addi %select_n3A_152, %add3A_153 : i32
      %add3A_155 = arith.addi %select_n3A_145, %mul3A_6 : i32
      %add3A_156 = arith.constant 1 : i32
      %add3A_157 = arith.addi %select_n3A_127, %add3A_156 : i32
      %select_n3A_158 = arith.constant true
      %select_n3A_159 = arith.select %select_n3A_158, %add3A_157, %select_n3A_127 : i32
      %eq3A_160 = arith.constant 2 : i32
      %eq3A_161 = arith.cmpi eq, %select_n3A_159, %eq3A_160 : i32
      %select_n3A_162 = arith.constant 0 : i32
      %select_n3A_163 = arith.select %eq3A_161, %select_n3A_162, %select_n3A_159 : i32
      %add3A_164 = arith.constant 1 : i32
      %add3A_165 = arith.addi %select_n3A_134, %add3A_164 : i32
      %select_n3A_166 = arith.select %eq3A_161, %add3A_165, %select_n3A_134 : i32
      %eq3A_167 = arith.constant 2 : i32
      %eq3A_168 = arith.cmpi eq, %select_n3A_166, %eq3A_167 : i32
      %select_n3A_169 = arith.constant 0 : i32
      %select_n3A_170 = arith.select %eq3A_168, %select_n3A_169, %select_n3A_166 : i32
      %add3A_171 = arith.constant 0 : i32
      %add3A_172 = arith.addi %select_n3A_170, %add3A_171 : i32
      %add3A_173 = arith.addi %select_n3A_163, %mul3A_6 : i32
      %add3A_174 = arith.constant 1 : i32
      %add3A_175 = arith.addi %select_n3A_163, %add3A_174 : i32
      %select_n3A_176 = arith.constant true
      %select_n3A_177 = arith.select %select_n3A_176, %add3A_175, %select_n3A_163 : i32
      %eq3A_178 = arith.constant 2 : i32
      %eq3A_179 = arith.cmpi eq, %select_n3A_177, %eq3A_178 : i32
      %select_n3A_180 = arith.constant 0 : i32
      %select_n3A_181 = arith.select %eq3A_179, %select_n3A_180, %select_n3A_177 : i32
      %add3A_182 = arith.constant 1 : i32
      %add3A_183 = arith.addi %select_n3A_170, %add3A_182 : i32
      %select_n3A_184 = arith.select %eq3A_179, %add3A_183, %select_n3A_170 : i32
      %eq3A_185 = arith.constant 2 : i32
      %eq3A_186 = arith.cmpi eq, %select_n3A_184, %eq3A_185 : i32
      %select_n3A_187 = arith.constant 0 : i32
      %select_n3A_188 = arith.select %eq3A_186, %select_n3A_187, %select_n3A_184 : i32
      %add3A_189 = arith.constant 0 : i32
      %add3A_190 = arith.addi %select_n3A_188, %add3A_189 : i32
      %add3A_191 = arith.addi %select_n3A_181, %mul3A_6 : i32
      tpu.yield
    }) : () -> ()
    return
  }
}

#map = affine_map<(d0, d1) -> (0, 0)>
module attributes {stable_mosaic.version = 14 : i64} {
  func.func @k(%arg0: i32, %arg1: i32, %arg2: memref<24576x256xf32, #tpu.memory_space<hbm>>, %arg3: memref<1x16384xi32, #tpu.memory_space<hbm>>, %arg4: memref<16384x256xf32, #tpu.memory_space<hbm>>) attributes {dimension_semantics = [#tpu.dimension_semantics<core_parallel>, #tpu.dimension_semantics<subcore_parallel>], iteration_bounds = array<i64: 2, 16>, scalar_prefetch = 0 : i64, scratch_operands = 0 : i64, tpu.core_type = #tpu.core_type<sc_vector_subcore>, window_params = [{transform_indices = #map}, {transform_indices = #map}, {transform_indices = #map}]} {
    %mul3A = arith.constant 1 : i32
    %mul3A_0 = arith.muli %arg1, %mul3A : i32
    %add3A = arith.constant 0 : i32
    %add3A_1 = arith.addi %add3A, %mul3A_0 : i32
    %mul3A_2 = arith.constant 16 : i32
    %mul3A_3 = arith.muli %arg0, %mul3A_2 : i32
    %add3A_4 = arith.addi %add3A_1, %mul3A_3 : i32
    %mul3A_5 = arith.constant 4 : i32
    %mul3A_6 = arith.muli %add3A_4, %mul3A_5 : i32
    "tpu.region"() ({
      %run_scoped3A = memref.alloca() : memref<2x1x128xi32, #tpu.memory_space<vmem>>
      %run_scoped3A_7 = tpu.sem_alloc : memref<2x!tpu.dma_semaphore, #tpu.memory_space<semaphore_mem>>
      %run_scoped3A_8 = memref.alloca() : memref<2x128x256xf32, #tpu.memory_space<vmem>>
      %run_scoped3A_9 = tpu.sem_alloc : memref<2x!tpu.dma_semaphore, #tpu.memory_space<semaphore_mem>>
      %add3A_10 = arith.constant 0 : i32
      %add3A_11 = arith.addi %add3A_10, %mul3A_6 : i32
      %select_n3A = arith.constant true
      %select_n3A_12 = arith.constant 0 : i32
      %select_n3A_13 = arith.constant -1 : i32
      %select_n3A_14 = arith.select %select_n3A, %select_n3A_13, %select_n3A_12 : i32
      %eq3A = arith.constant -1 : i32
      %eq3A_15 = arith.cmpi eq, %select_n3A_14, %eq3A : i32
      %select_n3A_16 = arith.constant 3 : i32
      %select_n3A_17 = arith.select %eq3A_15, %select_n3A_16, %select_n3A_14 : i32
      %add3A_18 = arith.addi %select_n3A_17, %mul3A_6 : i32
      %select_n3A_19 = arith.constant true
      %select_n3A_20 = arith.constant 0 : i32
      %select_n3A_21 = arith.constant 1 : i32
      %select_n3A_22 = arith.select %select_n3A_19, %select_n3A_21, %select_n3A_20 : i32
      %eq3A_23 = arith.constant 4 : i32
      %eq3A_24 = arith.cmpi eq, %select_n3A_22, %eq3A_23 : i32
      %select_n3A_25 = arith.constant 0 : i32
      %select_n3A_26 = arith.select %eq3A_24, %select_n3A_25, %select_n3A_22 : i32
      %add3A_27 = arith.addi %select_n3A_26, %mul3A_6 : i32
      %add3A_28 = arith.constant 1 : i32
      %add3A_29 = arith.addi %select_n3A_26, %add3A_28 : i32
      %select_n3A_30 = arith.constant true
      %select_n3A_31 = arith.select %select_n3A_30, %add3A_29, %select_n3A_26 : i32
      %eq3A_32 = arith.constant 4 : i32
      %eq3A_33 = arith.cmpi eq, %select_n3A_31, %eq3A_32 : i32
      %select_n3A_34 = arith.constant 0 : i32
      %select_n3A_35 = arith.select %eq3A_33, %select_n3A_34, %select_n3A_31 : i32
      %add3A_36 = arith.addi %select_n3A_35, %mul3A_6 : i32
      "tpu.trace_start"() <{level = 10 : i32, message = "ep_initialize_0"}> : () -> ()
      %rem3A = arith.constant 0 : i32
      %rem3A_37 = arith.constant 2 : i32
      %rem3A_38 = arith.remui %rem3A, %rem3A_37 : i32
      %mul3A_39 = arith.constant 128 : i32
      %mul3A_40 = arith.muli %mul3A_39, %add3A_11 : i32
      %dma_start3A = arith.constant 0 : i32
      %dma_start3A_41 = arith.constant 0 : i32
      %dma_start3A_42 = tpu.memref_slice %run_scoped3A[%rem3A_38, %dma_start3A, %dma_start3A_41] : memref<2x1x128xi32, #tpu.memory_space<vmem>> -> memref<1x1x128xi32, #tpu.memory_space<vmem>>
      %dma_start3A_43 = tpu.memref_squeeze %dma_start3A_42 : memref<1x1x128xi32, #tpu.memory_space<vmem>> -> memref<1x128xi32, #tpu.memory_space<vmem>>
      %dma_start3A_44 = arith.constant 0 : i32
      %dma_start3A_45 = tpu.memref_slice %arg3[%dma_start3A_44, %mul3A_40] : memref<1x16384xi32, #tpu.memory_space<hbm>> -> memref<1x128xi32, #tpu.memory_space<hbm>>
      %dma_start3A_46 = tpu.memref_slice %run_scoped3A_7[%rem3A_38] : memref<2x!tpu.dma_semaphore, #tpu.memory_space<semaphore_mem>> -> memref<1x!tpu.dma_semaphore, #tpu.memory_space<semaphore_mem>>
      %dma_start3A_47 = tpu.memref_squeeze %dma_start3A_46 : memref<1x!tpu.dma_semaphore, #tpu.memory_space<semaphore_mem>> -> memref<!tpu.dma_semaphore, #tpu.memory_space<semaphore_mem>>
      %dma_start3A_48 = arith.constant 0 : i32
      %dma_start3A_49 = arith.constant 0 : i32
      %dma_start3A_50 = tpu.memref_slice %run_scoped3A[%rem3A_38, %dma_start3A_48, %dma_start3A_49] : memref<2x1x128xi32, #tpu.memory_space<vmem>> -> memref<1x1x128xi32, #tpu.memory_space<vmem>>
      %dma_start3A_51 = tpu.memref_squeeze %dma_start3A_50 : memref<1x1x128xi32, #tpu.memory_space<vmem>> -> memref<1x128xi32, #tpu.memory_space<vmem>>
      %dma_start3A_52 = arith.constant 0 : i32
      %dma_start3A_53 = tpu.memref_slice %arg3[%dma_start3A_52, %mul3A_40] : memref<1x16384xi32, #tpu.memory_space<hbm>> -> memref<1x128xi32, #tpu.memory_space<hbm>>
      tpu.enqueue_dma source(%dma_start3A_53 : memref<1x128xi32, #tpu.memory_space<hbm>>) target(%dma_start3A_51 : memref<1x128xi32, #tpu.memory_space<vmem>>) target_semaphore(%dma_start3A_47 : memref<!tpu.dma_semaphore, #tpu.memory_space<semaphore_mem>>)
      %add3A_54 = arith.constant 0 : i32
      %add3A_55 = arith.constant 1 : i32
      %add3A_56 = arith.addi %add3A_54, %add3A_55 : i32
      %select_n3A_57 = arith.constant true
      %select_n3A_58 = arith.constant 0 : i32
      %select_n3A_59 = arith.select %select_n3A_57, %add3A_56, %select_n3A_58 : i32
      "tpu.trace_stop"() : () -> ()
      %scan3A = arith.constant 0 : i32
      %scan3A_60 = arith.constant 0 : i32
      %scan3A_61 = arith.constant 0 : i32
      %scan3A_62 = arith.constant 0 : i32
      %scan3A_63 = arith.constant 0 : i32
      %scan3A_64 = arith.constant 4 : i32
      %scan3A_65 = arith.addi %scan3A_63, %scan3A_64 : i32
      %scan3A_66 = arith.constant 1 : i32
      %scan3A_67:5 = scf.for %scan3A_121 = %scan3A_63 to %scan3A_65 step %scan3A_66 iter_args(%scan3A_122 = %select_n3A_59, %scan3A_123 = %scan3A, %scan3A_124 = %scan3A_60, %scan3A_125 = %scan3A_61, %scan3A_126 = %scan3A_62) -> (i32, i32, i32, i32, i32)  : i32 {
        %eq3A_127 = arith.constant 0 : i32
        %eq3A_128 = arith.cmpi eq, %scan3A_121, %eq3A_127 : i32
        %eq3A_129 = arith.constant 3 : i32
        %eq3A_130 = arith.cmpi eq, %scan3A_121, %eq3A_129 : i32
        %add3A_131 = arith.addi %scan3A_126, %mul3A_6 : i32
        %sub3A_132 = arith.constant 1 : i32
        %sub3A_133 = arith.subi %scan3A_126, %sub3A_132 : i32
        %select_n3A_134 = arith.constant true
        %select_n3A_135 = arith.select %select_n3A_134, %sub3A_133, %scan3A_126 : i32
        %eq3A_136 = arith.constant -1 : i32
        %eq3A_137 = arith.cmpi eq, %select_n3A_135, %eq3A_136 : i32
        %select_n3A_138 = arith.constant 3 : i32
        %select_n3A_139 = arith.select %eq3A_137, %select_n3A_138, %select_n3A_135 : i32
        %add3A_140 = arith.addi %select_n3A_139, %mul3A_6 : i32
        %add3A_141 = arith.constant 1 : i32
        %add3A_142 = arith.addi %scan3A_126, %add3A_141 : i32
        %select_n3A_143 = arith.constant true
        %select_n3A_144 = arith.select %select_n3A_143, %add3A_142, %scan3A_126 : i32
        %eq3A_145 = arith.constant 4 : i32
        %eq3A_146 = arith.cmpi eq, %select_n3A_144, %eq3A_145 : i32
        %select_n3A_147 = arith.constant 0 : i32
        %select_n3A_148 = arith.select %eq3A_146, %select_n3A_147, %select_n3A_144 : i32
        %add3A_149 = arith.addi %select_n3A_148, %mul3A_6 : i32
        %add3A_150 = arith.constant 1 : i32
        %add3A_151 = arith.addi %select_n3A_148, %add3A_150 : i32
        %select_n3A_152 = arith.constant true
        %select_n3A_153 = arith.select %select_n3A_152, %add3A_151, %select_n3A_148 : i32
        %eq3A_154 = arith.constant 4 : i32
        %eq3A_155 = arith.cmpi eq, %select_n3A_153, %eq3A_154 : i32
        %select_n3A_156 = arith.constant 0 : i32
        %select_n3A_157 = arith.select %eq3A_155, %select_n3A_156, %select_n3A_153 : i32
        %add3A_158 = arith.addi %select_n3A_157, %mul3A_6 : i32
        %ne3A = arith.cmpi ne, %add3A_131, %add3A_149 : i32
        %or3A = arith.constant false
        %or3A_159 = arith.ori %or3A, %ne3A : i1
        %ge3A = arith.constant 3 : i32
        %ge3A_160 = arith.cmpi sge, %scan3A_121, %ge3A : i32
        %not3A = arith.constant true
        %not3A_161 = arith.xori %ge3A_160, %not3A : i1
        %and3A = arith.andi %or3A_159, %not3A_161 : i1
        %convert_element_type3A = arith.extui %and3A : i1 to i32
        %cond3A = arith.constant 0 : i32
        %cond3A_162 = arith.cmpi ne, %convert_element_type3A, %cond3A : i32
        scf.if %cond3A_162 {
          "tpu.trace_start"() <{level = 10 : i32, message = "ep_copy_in"}> : () -> ()
          %rem3A_264 = arith.constant 2 : i32
          %rem3A_265 = arith.remui %scan3A_122, %rem3A_264 : i32
          %mul3A_266 = arith.constant 128 : i32
          %mul3A_267 = arith.muli %mul3A_266, %add3A_149 : i32
          %dma_start3A_268 = arith.constant 0 : i32
          %dma_start3A_269 = arith.constant 0 : i32
          %dma_start3A_270 = tpu.memref_slice %run_scoped3A[%rem3A_265, %dma_start3A_268, %dma_start3A_269] : memref<2x1x128xi32, #tpu.memory_space<vmem>> -> memref<1x1x128xi32, #tpu.memory_space<vmem>>
          %dma_start3A_271 = tpu.memref_squeeze %dma_start3A_270 : memref<1x1x128xi32, #tpu.memory_space<vmem>> -> memref<1x128xi32, #tpu.memory_space<vmem>>
          %dma_start3A_272 = arith.constant 0 : i32
          %dma_start3A_273 = tpu.memref_slice %arg3[%dma_start3A_272, %mul3A_267] : memref<1x16384xi32, #tpu.memory_space<hbm>> -> memref<1x128xi32, #tpu.memory_space<hbm>>
          %dma_start3A_274 = tpu.memref_slice %run_scoped3A_7[%rem3A_265] : memref<2x!tpu.dma_semaphore, #tpu.memory_space<semaphore_mem>> -> memref<1x!tpu.dma_semaphore, #tpu.memory_space<semaphore_mem>>
          %dma_start3A_275 = tpu.memref_squeeze %dma_start3A_274 : memref<1x!tpu.dma_semaphore, #tpu.memory_space<semaphore_mem>> -> memref<!tpu.dma_semaphore, #tpu.memory_space<semaphore_mem>>
          %dma_start3A_276 = arith.constant 0 : i32
          %dma_start3A_277 = arith.constant 0 : i32
          %dma_start3A_278 = tpu.memref_slice %run_scoped3A[%rem3A_265, %dma_start3A_276, %dma_start3A_277] : memref<2x1x128xi32, #tpu.memory_space<vmem>> -> memref<1x1x128xi32, #tpu.memory_space<vmem>>
          %dma_start3A_279 = tpu.memref_squeeze %dma_start3A_278 : memref<1x1x128xi32, #tpu.memory_space<vmem>> -> memref<1x128xi32, #tpu.memory_space<vmem>>
          %dma_start3A_280 = arith.constant 0 : i32
          %dma_start3A_281 = tpu.memref_slice %arg3[%dma_start3A_280, %mul3A_267] : memref<1x16384xi32, #tpu.memory_space<hbm>> -> memref<1x128xi32, #tpu.memory_space<hbm>>
          tpu.enqueue_dma source(%dma_start3A_281 : memref<1x128xi32, #tpu.memory_space<hbm>>) target(%dma_start3A_279 : memref<1x128xi32, #tpu.memory_space<vmem>>) target_semaphore(%dma_start3A_275 : memref<!tpu.dma_semaphore, #tpu.memory_space<semaphore_mem>>)
          "tpu.trace_stop"() : () -> ()
        } else {
        }
        %and3A_163 = arith.constant true
        %and3A_164 = arith.andi %and3A, %and3A_163 : i1
        %add3A_165 = arith.constant 1 : i32
        %add3A_166 = arith.addi %scan3A_122, %add3A_165 : i32
        %select_n3A_167 = arith.select %and3A_164, %add3A_166, %scan3A_122 : i32
        %ne3A_168 = arith.cmpi ne, %add3A_131, %add3A_149 : i32
        %or3A_169 = arith.constant false
        %or3A_170 = arith.ori %or3A_169, %ne3A_168 : i1
        %or3A_171 = arith.constant false
        %or3A_172 = arith.ori %or3A_170, %or3A_171 : i1
        %ge3A_173 = arith.constant 3 : i32
        %ge3A_174 = arith.cmpi sge, %scan3A_121, %ge3A_173 : i32
        %not3A_175 = arith.constant true
        %not3A_176 = arith.xori %ge3A_174, %not3A_175 : i1
        %and3A_177 = arith.andi %or3A_172, %not3A_176 : i1
        %ne3A_178 = arith.cmpi ne, %add3A_131, %add3A_140 : i32
        %or3A_179 = arith.constant false
        %or3A_180 = arith.ori %or3A_179, %ne3A_178 : i1
        %or3A_181 = arith.ori %or3A_180, %eq3A_128 : i1
        %convert_element_type3A_182 = arith.extui %or3A_181 : i1 to i32
        %cond3A_183 = arith.constant 0 : i32
        %cond3A_184 = arith.cmpi ne, %convert_element_type3A_182, %cond3A_183 : i32
        scf.if %cond3A_184 {
          "tpu.trace_start"() <{level = 10 : i32, message = "ep_wait_in"}> : () -> ()
          %mul3A_264 = arith.constant 128 : i32
          %mul3A_265 = arith.muli %mul3A_264, %add3A_131 : i32
          %rem3A_266 = arith.constant 2 : i32
          %rem3A_267 = arith.remui %scan3A_123, %rem3A_266 : i32
          %dma_wait3A_268 = arith.constant 0 : i32
          %dma_wait3A_269 = arith.constant 0 : i32
          %dma_wait3A_270 = tpu.memref_slice %run_scoped3A[%rem3A_267, %dma_wait3A_268, %dma_wait3A_269] : memref<2x1x128xi32, #tpu.memory_space<vmem>> -> memref<1x1x128xi32, #tpu.memory_space<vmem>>
          %dma_wait3A_271 = tpu.memref_squeeze %dma_wait3A_270 : memref<1x1x128xi32, #tpu.memory_space<vmem>> -> memref<1x128xi32, #tpu.memory_space<vmem>>
          %dma_wait3A_272 = arith.constant 0 : i32
          %dma_wait3A_273 = tpu.memref_slice %arg3[%dma_wait3A_272, %mul3A_265] : memref<1x16384xi32, #tpu.memory_space<hbm>> -> memref<1x128xi32, #tpu.memory_space<hbm>>
          %dma_wait3A_274 = tpu.memref_slice %run_scoped3A_7[%rem3A_267] : memref<2x!tpu.dma_semaphore, #tpu.memory_space<semaphore_mem>> -> memref<1x!tpu.dma_semaphore, #tpu.memory_space<semaphore_mem>>
          %dma_wait3A_275 = tpu.memref_squeeze %dma_wait3A_274 : memref<1x!tpu.dma_semaphore, #tpu.memory_space<semaphore_mem>> -> memref<!tpu.dma_semaphore, #tpu.memory_space<semaphore_mem>>
          %dma_wait3A_276 = arith.constant 0 : i32
          %dma_wait3A_277 = arith.constant 0 : i32
          %dma_wait3A_278 = tpu.memref_slice %run_scoped3A[%rem3A_267, %dma_wait3A_276, %dma_wait3A_277] : memref<2x1x128xi32, #tpu.memory_space<vmem>> -> memref<1x1x128xi32, #tpu.memory_space<vmem>>
          %dma_wait3A_279 = tpu.memref_squeeze %dma_wait3A_278 : memref<1x1x128xi32, #tpu.memory_space<vmem>> -> memref<1x128xi32, #tpu.memory_space<vmem>>
          %dma_wait3A_280 = arith.constant 0 : i32
          %dma_wait3A_281 = tpu.memref_slice %arg3[%dma_wait3A_280, %mul3A_265] : memref<1x16384xi32, #tpu.memory_space<hbm>> -> memref<1x128xi32, #tpu.memory_space<hbm>>
          tpu.wait_dma2 semaphore(%dma_wait3A_275 : memref<!tpu.dma_semaphore, #tpu.memory_space<semaphore_mem>>) src(%dma_wait3A_281 : memref<1x128xi32, #tpu.memory_space<hbm>>) dst(%dma_wait3A_279 : memref<1x128xi32, #tpu.memory_space<vmem>>)
          "tpu.trace_stop"() : () -> ()
        } else {
        }
        %ne3A_185 = arith.cmpi ne, %add3A_131, %add3A_140 : i32
        %or3A_186 = arith.constant false
        %or3A_187 = arith.ori %or3A_186, %ne3A_185 : i1
        %or3A_188 = arith.constant false
        %or3A_189 = arith.ori %or3A_187, %or3A_188 : i1
        %or3A_190 = arith.ori %or3A_189, %eq3A_128 : i1
        %convert_element_type3A_191 = arith.extui %or3A_190 : i1 to i32
        %cond3A_192 = arith.constant 0 : i32
        %cond3A_193 = arith.cmpi ne, %convert_element_type3A_191, %cond3A_192 : i32
        scf.if %cond3A_193 {
        } else {
        }
        %rem3A_194 = arith.constant 2 : i32
        %rem3A_195 = arith.remui %scan3A_123, %rem3A_194 : i32
        %rem3A_196 = arith.constant 2 : i32
        %rem3A_197 = arith.remui %scan3A_124, %rem3A_196 : i32
        %run_scoped3A_198 = arith.constant 0 : i32
        "tpu.trace_start"() <{level = 10 : i32, message = "ep_run_kernel"}> : () -> ()
        "tpu.region"() ({
          %run_scoped3A_264 = tpu.sem_alloc : memref<!tpu.dma_semaphore, #tpu.memory_space<semaphore_mem>>
          %dma_start3A_265 = arith.constant 0 : i32
          %dma_start3A_266 = arith.constant 0 : i32
          %dma_start3A_267 = tpu.memref_slice %run_scoped3A_8[%rem3A_197, %dma_start3A_265, %dma_start3A_266] : memref<2x128x256xf32, #tpu.memory_space<vmem>> -> memref<1x128x256xf32, #tpu.memory_space<vmem>>
          %dma_start3A_268 = tpu.memref_squeeze %dma_start3A_267 : memref<1x128x256xf32, #tpu.memory_space<vmem>> -> memref<128x256xf32, #tpu.memory_space<vmem>>
          %dma_start3A_269 = arith.constant 0 : i32
          %dma_start3A_270 = arith.constant 0 : i32
          %dma_start3A_271 = tpu.memref_slice %run_scoped3A[%rem3A_195, %dma_start3A_269, %dma_start3A_270] : memref<2x1x128xi32, #tpu.memory_space<vmem>> -> memref<1x1x128xi32, #tpu.memory_space<vmem>>
          %dma_start3A_272 = tpu.memref_squeeze %dma_start3A_271 : memref<1x1x128xi32, #tpu.memory_space<vmem>> -> memref<1x128xi32, #tpu.memory_space<vmem>>
          %dma_start3A_273 = arith.constant 0 : i32
          %dma_start3A_274 = tpu.memref_slice %dma_start3A_272[%run_scoped3A_198, %dma_start3A_273] : memref<1x128xi32, #tpu.memory_space<vmem>> -> memref<1x128xi32, #tpu.memory_space<vmem>>
          %dma_start3A_275 = tpu.memref_squeeze %dma_start3A_274 : memref<1x128xi32, #tpu.memory_space<vmem>> -> memref<128xi32, #tpu.memory_space<vmem>>
          %dma_start3A_276 = arith.constant 0 : i32
          %dma_start3A_277 = arith.constant 0 : i32
          %dma_start3A_278 = tpu.memref_slice %arg2[%dma_start3A_276, %dma_start3A_277] : memref<24576x256xf32, #tpu.memory_space<hbm>> -> memref<24576x256xf32, #tpu.memory_space<hbm>>
          tpu.enqueue_indirect_dma source(%dma_start3A_278 : memref<24576x256xf32, #tpu.memory_space<hbm>>) target(%dma_start3A_268 : memref<128x256xf32, #tpu.memory_space<vmem>>) offsets(%dma_start3A_275 : memref<128xi32, #tpu.memory_space<vmem>>) semaphore(%run_scoped3A_264 : memref<!tpu.dma_semaphore, #tpu.memory_space<semaphore_mem>>)
          %dma_wait3A_279 = arith.constant 0 : i32
          %dma_wait3A_280 = arith.constant 0 : i32
          %dma_wait3A_281 = tpu.memref_slice %run_scoped3A_8[%rem3A_197, %dma_wait3A_279, %dma_wait3A_280] : memref<2x128x256xf32, #tpu.memory_space<vmem>> -> memref<1x128x256xf32, #tpu.memory_space<vmem>>
          %dma_wait3A_282 = tpu.memref_squeeze %dma_wait3A_281 : memref<1x128x256xf32, #tpu.memory_space<vmem>> -> memref<128x256xf32, #tpu.memory_space<vmem>>
          %dma_wait3A_283 = arith.constant 0 : i32
          %dma_wait3A_284 = arith.constant 0 : i32
          %dma_wait3A_285 = tpu.memref_slice %run_scoped3A[%rem3A_195, %dma_wait3A_283, %dma_wait3A_284] : memref<2x1x128xi32, #tpu.memory_space<vmem>> -> memref<1x1x128xi32, #tpu.memory_space<vmem>>
          %dma_wait3A_286 = tpu.memref_squeeze %dma_wait3A_285 : memref<1x1x128xi32, #tpu.memory_space<vmem>> -> memref<1x128xi32, #tpu.memory_space<vmem>>
          %dma_wait3A_287 = arith.constant 0 : i32
          %dma_wait3A_288 = tpu.memref_slice %dma_wait3A_286[%run_scoped3A_198, %dma_wait3A_287] : memref<1x128xi32, #tpu.memory_space<vmem>> -> memref<1x128xi32, #tpu.memory_space<vmem>>
          %dma_wait3A_289 = tpu.memref_squeeze %dma_wait3A_288 : memref<1x128xi32, #tpu.memory_space<vmem>> -> memref<128xi32, #tpu.memory_space<vmem>>
          %dma_wait3A_290 = arith.constant 0 : i32
          %dma_wait3A_291 = arith.constant 0 : i32
          %dma_wait3A_292 = tpu.memref_slice %arg2[%dma_wait3A_290, %dma_wait3A_291] : memref<24576x256xf32, #tpu.memory_space<hbm>> -> memref<24576x256xf32, #tpu.memory_space<hbm>>
          tpu.wait_indirect_dma semaphore(%run_scoped3A_264 : memref<!tpu.dma_semaphore, #tpu.memory_space<semaphore_mem>>) src(%dma_wait3A_292 : memref<24576x256xf32, #tpu.memory_space<hbm>>) dst(%dma_wait3A_282 : memref<128x256xf32, #tpu.memory_space<vmem>>)
          tpu.yield
        }) : () -> ()
        "tpu.trace_stop"() : () -> ()
        %ne3A_199 = arith.cmpi ne, %add3A_131, %add3A_149 : i32
        %or3A_200 = arith.constant false
        %or3A_201 = arith.ori %or3A_200, %ne3A_199 : i1
        %or3A_202 = arith.ori %or3A_201, %eq3A_130 : i1
        %convert_element_type3A_203 = arith.extui %or3A_202 : i1 to i32
        %cond3A_204 = arith.constant 0 : i32
        %cond3A_205 = arith.cmpi ne, %convert_element_type3A_203, %cond3A_204 : i32
        scf.if %cond3A_205 {
        } else {
        }
        %and3A_206 = arith.constant false
        %and3A_207 = arith.andi %or3A_202, %and3A_206 : i1
        %ne3A_208 = arith.cmpi ne, %add3A_131, %add3A_149 : i32
        %or3A_209 = arith.constant false
        %or3A_210 = arith.ori %or3A_209, %ne3A_208 : i1
        %or3A_211 = arith.constant false
        %or3A_212 = arith.ori %or3A_210, %or3A_211 : i1
        %or3A_213 = arith.ori %or3A_212, %eq3A_130 : i1
        %convert_element_type3A_214 = arith.extui %or3A_213 : i1 to i32
        %cond3A_215 = arith.constant 0 : i32
        %cond3A_216 = arith.cmpi ne, %convert_element_type3A_214, %cond3A_215 : i32
        scf.if %cond3A_216 {
          "tpu.trace_start"() <{level = 10 : i32, message = "ep_copy_out"}> : () -> ()
          %rem3A_264 = arith.constant 2 : i32
          %rem3A_265 = arith.remui %scan3A_124, %rem3A_264 : i32
          %mul3A_266 = arith.constant 128 : i32
          %mul3A_267 = arith.muli %mul3A_266, %add3A_131 : i32
          %dma_start3A_268 = arith.constant 0 : i32
          %dma_start3A_269 = arith.constant 0 : i32
          %dma_start3A_270 = tpu.memref_slice %run_scoped3A_8[%rem3A_265, %dma_start3A_268, %dma_start3A_269] : memref<2x128x256xf32, #tpu.memory_space<vmem>> -> memref<1x128x256xf32, #tpu.memory_space<vmem>>
          %dma_start3A_271 = tpu.memref_squeeze %dma_start3A_270 : memref<1x128x256xf32, #tpu.memory_space<vmem>> -> memref<128x256xf32, #tpu.memory_space<vmem>>
          %dma_start3A_272 = arith.constant 0 : i32
          %dma_start3A_273 = tpu.memref_slice %arg4[%mul3A_267, %dma_start3A_272] : memref<16384x256xf32, #tpu.memory_space<hbm>> -> memref<128x256xf32, #tpu.memory_space<hbm>>
          %dma_start3A_274 = tpu.memref_slice %run_scoped3A_9[%rem3A_265] : memref<2x!tpu.dma_semaphore, #tpu.memory_space<semaphore_mem>> -> memref<1x!tpu.dma_semaphore, #tpu.memory_space<semaphore_mem>>
          %dma_start3A_275 = tpu.memref_squeeze %dma_start3A_274 : memref<1x!tpu.dma_semaphore, #tpu.memory_space<semaphore_mem>> -> memref<!tpu.dma_semaphore, #tpu.memory_space<semaphore_mem>>
          %dma_start3A_276 = arith.constant 0 : i32
          %dma_start3A_277 = tpu.memref_slice %arg4[%mul3A_267, %dma_start3A_276] : memref<16384x256xf32, #tpu.memory_space<hbm>> -> memref<128x256xf32, #tpu.memory_space<hbm>>
          %dma_start3A_278 = arith.constant 0 : i32
          %dma_start3A_279 = arith.constant 0 : i32
          %dma_start3A_280 = tpu.memref_slice %run_scoped3A_8[%rem3A_265, %dma_start3A_278, %dma_start3A_279] : memref<2x128x256xf32, #tpu.memory_space<vmem>> -> memref<1x128x256xf32, #tpu.memory_space<vmem>>
          %dma_start3A_281 = tpu.memref_squeeze %dma_start3A_280 : memref<1x128x256xf32, #tpu.memory_space<vmem>> -> memref<128x256xf32, #tpu.memory_space<vmem>>
          tpu.enqueue_dma source(%dma_start3A_281 : memref<128x256xf32, #tpu.memory_space<vmem>>) target(%dma_start3A_277 : memref<128x256xf32, #tpu.memory_space<hbm>>) target_semaphore(%dma_start3A_275 : memref<!tpu.dma_semaphore, #tpu.memory_space<semaphore_mem>>)
          "tpu.trace_stop"() : () -> ()
        } else {
        }
        %and3A_217 = arith.constant true
        %and3A_218 = arith.andi %or3A_213, %and3A_217 : i1
        %add3A_219 = arith.constant 1 : i32
        %add3A_220 = arith.addi %scan3A_124, %add3A_219 : i32
        %select_n3A_221 = arith.select %and3A_218, %add3A_220, %scan3A_124 : i32
        %ne3A_222 = arith.cmpi ne, %add3A_131, %add3A_140 : i32
        %or3A_223 = arith.constant false
        %or3A_224 = arith.ori %or3A_223, %ne3A_222 : i1
        %not3A_225 = arith.constant true
        %not3A_226 = arith.xori %eq3A_128, %not3A_225 : i1
        %and3A_227 = arith.andi %or3A_224, %not3A_226 : i1
        %convert_element_type3A_228 = arith.extui %and3A_227 : i1 to i32
        %cond3A_229 = arith.constant 0 : i32
        %cond3A_230 = arith.cmpi ne, %convert_element_type3A_228, %cond3A_229 : i32
        scf.if %cond3A_230 {
        } else {
        }
        %and3A_231 = arith.constant false
        %and3A_232 = arith.andi %and3A_227, %and3A_231 : i1
        %ne3A_233 = arith.cmpi ne, %add3A_131, %add3A_140 : i32
        %or3A_234 = arith.constant false
        %or3A_235 = arith.ori %or3A_234, %ne3A_233 : i1
        %or3A_236 = arith.constant false
        %or3A_237 = arith.ori %or3A_235, %or3A_236 : i1
        %not3A_238 = arith.constant true
        %not3A_239 = arith.xori %eq3A_128, %not3A_238 : i1
        %and3A_240 = arith.andi %or3A_237, %not3A_239 : i1
        %convert_element_type3A_241 = arith.extui %and3A_240 : i1 to i32
        %cond3A_242 = arith.constant 0 : i32
        %cond3A_243 = arith.cmpi ne, %convert_element_type3A_241, %cond3A_242 : i32
        scf.if %cond3A_243 {
          "tpu.trace_start"() <{level = 10 : i32, message = "ep_wait_out"}> : () -> ()
          %rem3A_264 = arith.constant 2 : i32
          %rem3A_265 = arith.remui %scan3A_125, %rem3A_264 : i32
          %mul3A_266 = arith.constant 128 : i32
          %mul3A_267 = arith.muli %mul3A_266, %add3A_140 : i32
          %dma_wait3A_268 = arith.constant 0 : i32
          %dma_wait3A_269 = arith.constant 0 : i32
          %dma_wait3A_270 = tpu.memref_slice %run_scoped3A_8[%rem3A_265, %dma_wait3A_268, %dma_wait3A_269] : memref<2x128x256xf32, #tpu.memory_space<vmem>> -> memref<1x128x256xf32, #tpu.memory_space<vmem>>
          %dma_wait3A_271 = tpu.memref_squeeze %dma_wait3A_270 : memref<1x128x256xf32, #tpu.memory_space<vmem>> -> memref<128x256xf32, #tpu.memory_space<vmem>>
          %dma_wait3A_272 = arith.constant 0 : i32
          %dma_wait3A_273 = tpu.memref_slice %arg4[%mul3A_267, %dma_wait3A_272] : memref<16384x256xf32, #tpu.memory_space<hbm>> -> memref<128x256xf32, #tpu.memory_space<hbm>>
          %dma_wait3A_274 = tpu.memref_slice %run_scoped3A_9[%rem3A_265] : memref<2x!tpu.dma_semaphore, #tpu.memory_space<semaphore_mem>> -> memref<1x!tpu.dma_semaphore, #tpu.memory_space<semaphore_mem>>
          %dma_wait3A_275 = tpu.memref_squeeze %dma_wait3A_274 : memref<1x!tpu.dma_semaphore, #tpu.memory_space<semaphore_mem>> -> memref<!tpu.dma_semaphore, #tpu.memory_space<semaphore_mem>>
          %dma_wait3A_276 = arith.constant 0 : i32
          %dma_wait3A_277 = tpu.memref_slice %arg4[%mul3A_267, %dma_wait3A_276] : memref<16384x256xf32, #tpu.memory_space<hbm>> -> memref<128x256xf32, #tpu.memory_space<hbm>>
          %dma_wait3A_278 = arith.constant 0 : i32
          %dma_wait3A_279 = arith.constant 0 : i32
          %dma_wait3A_280 = tpu.memref_slice %run_scoped3A_8[%rem3A_265, %dma_wait3A_278, %dma_wait3A_279] : memref<2x128x256xf32, #tpu.memory_space<vmem>> -> memref<1x128x256xf32, #tpu.memory_space<vmem>>
          %dma_wait3A_281 = tpu.memref_squeeze %dma_wait3A_280 : memref<1x128x256xf32, #tpu.memory_space<vmem>> -> memref<128x256xf32, #tpu.memory_space<vmem>>
          tpu.wait_dma2 semaphore(%dma_wait3A_275 : memref<!tpu.dma_semaphore, #tpu.memory_space<semaphore_mem>>) src(%dma_wait3A_281 : memref<128x256xf32, #tpu.memory_space<vmem>>) dst(%dma_wait3A_277 : memref<128x256xf32, #tpu.memory_space<hbm>>)
          "tpu.trace_stop"() : () -> ()
        } else {
        }
        %and3A_244 = arith.constant true
        %and3A_245 = arith.andi %and3A_240, %and3A_244 : i1
        %add3A_246 = arith.constant 1 : i32
        %add3A_247 = arith.addi %scan3A_125, %add3A_246 : i32
        %select_n3A_248 = arith.select %and3A_245, %add3A_247, %scan3A_125 : i32
        %ne3A_249 = arith.cmpi ne, %add3A_131, %add3A_149 : i32
        %or3A_250 = arith.constant false
        %or3A_251 = arith.ori %or3A_250, %ne3A_249 : i1
        %or3A_252 = arith.ori %or3A_251, %eq3A_130 : i1
        %add3A_253 = arith.constant 1 : i32
        %add3A_254 = arith.addi %scan3A_123, %add3A_253 : i32
        %select_n3A_255 = arith.select %or3A_252, %add3A_254, %scan3A_123 : i32
        %add3A_256 = arith.constant 1 : i32
        %add3A_257 = arith.addi %scan3A_126, %add3A_256 : i32
        %select_n3A_258 = arith.constant true
        %select_n3A_259 = arith.select %select_n3A_258, %add3A_257, %scan3A_126 : i32
        %eq3A_260 = arith.constant 4 : i32
        %eq3A_261 = arith.cmpi eq, %select_n3A_259, %eq3A_260 : i32
        %select_n3A_262 = arith.constant 0 : i32
        %select_n3A_263 = arith.select %eq3A_261, %select_n3A_262, %select_n3A_259 : i32
        scf.yield %select_n3A_167, %select_n3A_255, %select_n3A_221, %select_n3A_248, %select_n3A_263 : i32, i32, i32, i32, i32
      }
      %scan3A_68 = arith.constant 4 : i32
      %sub3A = arith.constant 1 : i32
      %sub3A_69 = arith.subi %scan3A_67#4, %sub3A : i32
      %select_n3A_70 = arith.constant true
      %select_n3A_71 = arith.select %select_n3A_70, %sub3A_69, %scan3A_67#4 : i32
      %eq3A_72 = arith.constant -1 : i32
      %eq3A_73 = arith.cmpi eq, %select_n3A_71, %eq3A_72 : i32
      %select_n3A_74 = arith.constant 3 : i32
      %select_n3A_75 = arith.select %eq3A_73, %select_n3A_74, %select_n3A_71 : i32
      %add3A_76 = arith.addi %select_n3A_75, %mul3A_6 : i32
      %sub3A_77 = arith.constant 1 : i32
      %sub3A_78 = arith.subi %select_n3A_75, %sub3A_77 : i32
      %select_n3A_79 = arith.constant true
      %select_n3A_80 = arith.select %select_n3A_79, %sub3A_78, %select_n3A_75 : i32
      %eq3A_81 = arith.constant -1 : i32
      %eq3A_82 = arith.cmpi eq, %select_n3A_80, %eq3A_81 : i32
      %select_n3A_83 = arith.constant 3 : i32
      %select_n3A_84 = arith.select %eq3A_82, %select_n3A_83, %select_n3A_80 : i32
      %add3A_85 = arith.addi %select_n3A_84, %mul3A_6 : i32
      %add3A_86 = arith.constant 1 : i32
      %add3A_87 = arith.addi %select_n3A_75, %add3A_86 : i32
      %select_n3A_88 = arith.constant true
      %select_n3A_89 = arith.select %select_n3A_88, %add3A_87, %select_n3A_75 : i32
      %eq3A_90 = arith.constant 4 : i32
      %eq3A_91 = arith.cmpi eq, %select_n3A_89, %eq3A_90 : i32
      %select_n3A_92 = arith.constant 0 : i32
      %select_n3A_93 = arith.select %eq3A_91, %select_n3A_92, %select_n3A_89 : i32
      %add3A_94 = arith.addi %select_n3A_93, %mul3A_6 : i32
      %add3A_95 = arith.constant 1 : i32
      %add3A_96 = arith.addi %select_n3A_93, %add3A_95 : i32
      %select_n3A_97 = arith.constant true
      %select_n3A_98 = arith.select %select_n3A_97, %add3A_96, %select_n3A_93 : i32
      %eq3A_99 = arith.constant 4 : i32
      %eq3A_100 = arith.cmpi eq, %select_n3A_98, %eq3A_99 : i32
      %select_n3A_101 = arith.constant 0 : i32
      %select_n3A_102 = arith.select %eq3A_100, %select_n3A_101, %select_n3A_98 : i32
      %add3A_103 = arith.addi %select_n3A_102, %mul3A_6 : i32
      "tpu.trace_start"() <{level = 10 : i32, message = "ep_finalize"}> : () -> ()
      %rem3A_104 = arith.constant 2 : i32
      %rem3A_105 = arith.remui %scan3A_67#3, %rem3A_104 : i32
      %mul3A_106 = arith.constant 128 : i32
      %mul3A_107 = arith.muli %mul3A_106, %add3A_76 : i32
      %dma_wait3A = arith.constant 0 : i32
      %dma_wait3A_108 = arith.constant 0 : i32
      %dma_wait3A_109 = tpu.memref_slice %run_scoped3A_8[%rem3A_105, %dma_wait3A, %dma_wait3A_108] : memref<2x128x256xf32, #tpu.memory_space<vmem>> -> memref<1x128x256xf32, #tpu.memory_space<vmem>>
      %dma_wait3A_110 = tpu.memref_squeeze %dma_wait3A_109 : memref<1x128x256xf32, #tpu.memory_space<vmem>> -> memref<128x256xf32, #tpu.memory_space<vmem>>
      %dma_wait3A_111 = arith.constant 0 : i32
      %dma_wait3A_112 = tpu.memref_slice %arg4[%mul3A_107, %dma_wait3A_111] : memref<16384x256xf32, #tpu.memory_space<hbm>> -> memref<128x256xf32, #tpu.memory_space<hbm>>
      %dma_wait3A_113 = tpu.memref_slice %run_scoped3A_9[%rem3A_105] : memref<2x!tpu.dma_semaphore, #tpu.memory_space<semaphore_mem>> -> memref<1x!tpu.dma_semaphore, #tpu.memory_space<semaphore_mem>>
      %dma_wait3A_114 = tpu.memref_squeeze %dma_wait3A_113 : memref<1x!tpu.dma_semaphore, #tpu.memory_space<semaphore_mem>> -> memref<!tpu.dma_semaphore, #tpu.memory_space<semaphore_mem>>
      %dma_wait3A_115 = arith.constant 0 : i32
      %dma_wait3A_116 = tpu.memref_slice %arg4[%mul3A_107, %dma_wait3A_115] : memref<16384x256xf32, #tpu.memory_space<hbm>> -> memref<128x256xf32, #tpu.memory_space<hbm>>
      %dma_wait3A_117 = arith.constant 0 : i32
      %dma_wait3A_118 = arith.constant 0 : i32
      %dma_wait3A_119 = tpu.memref_slice %run_scoped3A_8[%rem3A_105, %dma_wait3A_117, %dma_wait3A_118] : memref<2x128x256xf32, #tpu.memory_space<vmem>> -> memref<1x128x256xf32, #tpu.memory_space<vmem>>
      %dma_wait3A_120 = tpu.memref_squeeze %dma_wait3A_119 : memref<1x128x256xf32, #tpu.memory_space<vmem>> -> memref<128x256xf32, #tpu.memory_space<vmem>>
      tpu.wait_dma2 semaphore(%dma_wait3A_114 : memref<!tpu.dma_semaphore, #tpu.memory_space<semaphore_mem>>) src(%dma_wait3A_120 : memref<128x256xf32, #tpu.memory_space<vmem>>) dst(%dma_wait3A_116 : memref<128x256xf32, #tpu.memory_space<hbm>>)
      "tpu.trace_stop"() : () -> ()
      tpu.yield
    }) : () -> ()
    return
  }
}

module attributes {stable_mosaic.version = 14 : i64} {
  func.func @_k1_body(%arg0: i32, %arg1: memref<512x1024xf32, #tpu.memory_space<vmem>>, %arg2: memref<1x1024xf32, #tpu.memory_space<vmem>>, %arg3: memref<1024x1024xbf16, #tpu.memory_space<vmem>>, %arg4: memref<1024x1024xbf16, #tpu.memory_space<vmem>>, %arg5: memref<1024x1024xbf16, #tpu.memory_space<vmem>>, %arg6: memref<512x1024xbf16, #tpu.memory_space<vmem>>, %arg7: memref<512x1024xbf16, #tpu.memory_space<vmem>>, %arg8: memref<512x1024xbf16, #tpu.memory_space<vmem>>) attributes {dimension_semantics = [#tpu.dimension_semantics<arbitrary>], iteration_bounds = array<i64: 4>, scalar_prefetch = 0 : i64, scratch_operands = 0 : i64, tpu.core_type = #tpu.core_type<tc>, window_params = [{transform_indices = @transform_0, window_bounds = array<i64: 512, 1024>}, {pipeline_mode = #tpu.pipeline_mode<synchronous>, transform_indices = @transform_1, window_bounds = array<i64: 1, 1024>}, {pipeline_mode = #tpu.pipeline_mode<synchronous>, transform_indices = @transform_2, window_bounds = array<i64: 1024, 1024>}, {pipeline_mode = #tpu.pipeline_mode<synchronous>, transform_indices = @transform_3, window_bounds = array<i64: 1024, 1024>}, {pipeline_mode = #tpu.pipeline_mode<synchronous>, transform_indices = @transform_4, window_bounds = array<i64: 1024, 1024>}, {transform_indices = @transform_5, window_bounds = array<i64: 512, 1024>}, {transform_indices = @transform_6, window_bounds = array<i64: 512, 1024>}, {transform_indices = @transform_7, window_bounds = array<i64: 512, 1024>}]} {
    %get3A = arith.constant 0 : index
    %get3A_0 = arith.constant 0 : index
    %get3A_1 = vector.load %arg1[%get3A, %get3A_0] : memref<512x1024xf32, #tpu.memory_space<vmem>>, vector<512x1024xf32>
    %mul3A = arith.mulf %get3A_1, %get3A_1 : vector<512x1024xf32>
    %reduce_sum3A = arith.constant dense<0.000000e+00> : vector<512xf32>
    %reduce_sum3A_2 = vector.multi_reduction <add>, %mul3A, %reduce_sum3A [1] : vector<512x1024xf32> to vector<512xf32>
    %broadcast_in_dim3A = vector.shape_cast %reduce_sum3A_2 : vector<512xf32> to vector<512x1xf32>
    %div3A = arith.constant 1.024000e+03 : f32
    %div3A_3 = vector.broadcast %div3A : f32 to vector<512x1xf32>
    %div3A_4 = arith.divf %broadcast_in_dim3A, %div3A_3 : vector<512x1xf32>
    %add3A = arith.constant 9.99999997E-7 : f32
    %add3A_5 = vector.broadcast %add3A : f32 to vector<512x1xf32>
    %add3A_6 = arith.addf %div3A_4, %add3A_5 : vector<512x1xf32>
    %rsqrt3A = math.rsqrt %add3A_6 : vector<512x1xf32>
    %mul3A_7 = vector.broadcast %rsqrt3A : vector<512x1xf32> to vector<512x1024xf32>
    %mul3A_8 = arith.mulf %get3A_1, %mul3A_7 : vector<512x1024xf32>
    %get3A_9 = arith.constant 0 : index
    %get3A_10 = arith.constant 0 : index
    %get3A_11 = vector.load %arg2[%get3A_9, %get3A_10] : memref<1x1024xf32, #tpu.memory_space<vmem>>, vector<1x1024xf32>
    %mul3A_12 = vector.broadcast %get3A_11 : vector<1x1024xf32> to vector<512x1024xf32>
    %mul3A_13 = arith.mulf %mul3A_8, %mul3A_12 : vector<512x1024xf32>
    %convert_element_type3A = arith.truncf %mul3A_13 : vector<512x1024xf32> to vector<512x1024xbf16>
    %get3A_14 = arith.constant 0 : index
    %get3A_15 = arith.constant 0 : index
    %get3A_16 = vector.load %arg3[%get3A_14, %get3A_15] : memref<1024x1024xbf16, #tpu.memory_space<vmem>>, vector<1024x1024xbf16>
    %dot_general3A = arith.constant dense<0.000000e+00> : vector<512x1024xf32>
    %dot_general3A_17 = tpu.matmul %convert_element_type3A, %get3A_16, %dot_general3A {dimension_numbers = #tpu.dot_dimension_numbers<[1], [0], [0], [1], [0, 0, 1, 1], [], []>, transpose_lhs_hint = false} : vector<512x1024xbf16>, vector<1024x1024xbf16>, vector<512x1024xf32> -> vector<512x1024xf32>
    %convert_element_type3A_18 = arith.truncf %dot_general3A_17 : vector<512x1024xf32> to vector<512x1024xbf16>
    %swap3A = arith.constant 0 : index
    %swap3A_19 = arith.constant 0 : index
    %swap3A_20 = vector.load %arg6[%swap3A, %swap3A_19] : memref<512x1024xbf16, #tpu.memory_space<vmem>>, vector<512x1024xbf16>
    tpu.vector_store %arg6[%swap3A, %swap3A_19], %convert_element_type3A_18 {strides = array<i32>} : memref<512x1024xbf16, #tpu.memory_space<vmem>>, vector<512x1024xbf16>,
    %get3A_21 = arith.constant 0 : index
    %get3A_22 = arith.constant 0 : index
    %get3A_23 = vector.load %arg4[%get3A_21, %get3A_22] : memref<1024x1024xbf16, #tpu.memory_space<vmem>>, vector<1024x1024xbf16>
    %dot_general3A_24 = arith.constant dense<0.000000e+00> : vector<512x1024xf32>
    %dot_general3A_25 = tpu.matmul %convert_element_type3A, %get3A_23, %dot_general3A_24 {dimension_numbers = #tpu.dot_dimension_numbers<[1], [0], [0], [1], [0, 0, 1, 1], [], []>, transpose_lhs_hint = false} : vector<512x1024xbf16>, vector<1024x1024xbf16>, vector<512x1024xf32> -> vector<512x1024xf32>
    %convert_element_type3A_26 = arith.truncf %dot_general3A_25 : vector<512x1024xf32> to vector<512x1024xbf16>
    %swap3A_27 = arith.constant 0 : index
    %swap3A_28 = arith.constant 0 : index
    %swap3A_29 = vector.load %arg7[%swap3A_27, %swap3A_28] : memref<512x1024xbf16, #tpu.memory_space<vmem>>, vector<512x1024xbf16>
    tpu.vector_store %arg7[%swap3A_27, %swap3A_28], %convert_element_type3A_26 {strides = array<i32>} : memref<512x1024xbf16, #tpu.memory_space<vmem>>, vector<512x1024xbf16>,
    %get3A_30 = arith.constant 0 : index
    %get3A_31 = arith.constant 0 : index
    %get3A_32 = vector.load %arg5[%get3A_30, %get3A_31] : memref<1024x1024xbf16, #tpu.memory_space<vmem>>, vector<1024x1024xbf16>
    %dot_general3A_33 = arith.constant dense<0.000000e+00> : vector<512x1024xf32>
    %dot_general3A_34 = tpu.matmul %convert_element_type3A, %get3A_32, %dot_general3A_33 {dimension_numbers = #tpu.dot_dimension_numbers<[1], [0], [0], [1], [0, 0, 1, 1], [], []>, transpose_lhs_hint = false} : vector<512x1024xbf16>, vector<1024x1024xbf16>, vector<512x1024xf32> -> vector<512x1024xf32>
    %convert_element_type3A_35 = arith.truncf %dot_general3A_34 : vector<512x1024xf32> to vector<512x1024xbf16>
    %swap3A_36 = arith.constant 0 : index
    %swap3A_37 = arith.constant 0 : index
    %swap3A_38 = vector.load %arg8[%swap3A_36, %swap3A_37] : memref<512x1024xbf16, #tpu.memory_space<vmem>>, vector<512x1024xbf16>
    tpu.vector_store %arg8[%swap3A_36, %swap3A_37], %convert_element_type3A_35 {strides = array<i32>} : memref<512x1024xbf16, #tpu.memory_space<vmem>>, vector<512x1024xbf16>,
    return
  }
  func.func @transform_0(%arg0: i32) -> (i32, i32) {
    %c0_i32 = arith.constant 0 : i32
    %c0_i32_0 = arith.constant 0 : i32
    return %arg0, %c0_i32 : i32, i32
  }
  func.func @transform_1(%arg0: i32) -> (i32, i32) {
    %c0_i32 = arith.constant 0 : i32
    %c0_i32_0 = arith.constant 0 : i32
    %c0_i32_1 = arith.constant 0 : i32
    return %c0_i32, %c0_i32_0 : i32, i32
  }
  func.func @transform_2(%arg0: i32) -> (i32, i32) {
    %c0_i32 = arith.constant 0 : i32
    %c0_i32_0 = arith.constant 0 : i32
    %c0_i32_1 = arith.constant 0 : i32
    return %c0_i32, %c0_i32_0 : i32, i32
  }
  func.func @transform_3(%arg0: i32) -> (i32, i32) {
    %c0_i32 = arith.constant 0 : i32
    %c0_i32_0 = arith.constant 0 : i32
    %c0_i32_1 = arith.constant 0 : i32
    return %c0_i32, %c0_i32_0 : i32, i32
  }
  func.func @transform_4(%arg0: i32) -> (i32, i32) {
    %c0_i32 = arith.constant 0 : i32
    %c0_i32_0 = arith.constant 0 : i32
    %c0_i32_1 = arith.constant 0 : i32
    return %c0_i32, %c0_i32_0 : i32, i32
  }
  func.func @transform_5(%arg0: i32) -> (i32, i32) {
    %c0_i32 = arith.constant 0 : i32
    %c0_i32_0 = arith.constant 0 : i32
    return %arg0, %c0_i32 : i32, i32
  }
  func.func @transform_6(%arg0: i32) -> (i32, i32) {
    %c0_i32 = arith.constant 0 : i32
    %c0_i32_0 = arith.constant 0 : i32
    return %arg0, %c0_i32 : i32, i32
  }
  func.func @transform_7(%arg0: i32) -> (i32, i32) {
    %c0_i32 = arith.constant 0 : i32
    %c0_i32_0 = arith.constant 0 : i32
    return %arg0, %c0_i32 : i32, i32
  }
}

module attributes {stable_mosaic.version = 14 : i64} {
  func.func @_k2_body(%arg0: i32, %arg1: memref<512x128xbf16, #tpu.memory_space<vmem>>, %arg2: memref<512x128xbf16, #tpu.memory_space<vmem>>, %arg3: memref<512x128xbf16, #tpu.memory_space<vmem>>, %arg4: memref<512x128xbf16, #tpu.memory_space<vmem>>, %arg5: memref<512x128xbf16, #tpu.memory_space<vmem>>) attributes {dimension_semantics = [#tpu.dimension_semantics<arbitrary>], iteration_bounds = array<i64: 8>, scalar_prefetch = 0 : i64, scratch_operands = 0 : i64, tpu.core_type = #tpu.core_type<tc>, window_params = [{transform_indices = @transform_0, window_bounds = array<i64: 512, 128>}, {transform_indices = @transform_1, window_bounds = array<i64: 512, 128>}, {transform_indices = @transform_2, window_bounds = array<i64: 512, 128>}, {transform_indices = @transform_3, window_bounds = array<i64: 512, 128>}, {transform_indices = @transform_4, window_bounds = array<i64: 512, 128>}]} {
    %get3A = arith.constant 0 : index
    %get3A_0 = arith.constant 0 : index
    %get3A_1 = vector.load %arg1[%get3A, %get3A_0] : memref<512x128xbf16, #tpu.memory_space<vmem>>, vector<512x128xbf16>
    %get3A_2 = arith.constant 0 : index
    %get3A_3 = arith.constant 0 : index
    %get3A_4 = vector.load %arg2[%get3A_2, %get3A_3] : memref<512x128xbf16, #tpu.memory_space<vmem>>, vector<512x128xbf16>
    %get3A_5 = arith.constant 0 : index
    %get3A_6 = arith.constant 0 : index
    %get3A_7 = vector.load %arg3[%get3A_5, %get3A_6] : memref<512x128xbf16, #tpu.memory_space<vmem>>, vector<512x128xbf16>
    %iota3A = tpu.iota {dimensions = array<i32: 0>} : vector<512x512xi32>
    %add3A = arith.constant 0 : i32
    %add3A_8 = vector.broadcast %add3A : i32 to vector<512x512xi32>
    %add3A_9 = arith.addi %add3A_8, %iota3A : vector<512x512xi32>
    %iota3A_10 = tpu.iota {dimensions = array<i32: 1>} : vector<512x512xi32>
    %ge3A = arith.cmpi sge, %add3A_9, %iota3A_10 : vector<512x512xi32>
    %slice3A = vector.extract_strided_slice %get3A_1 {offsets = [0, 0], sizes = [512, 64], strides = [1, 1]} : vector<512x128xbf16> to vector<512x64xbf16>
    %slice3A_11 = vector.extract_strided_slice %get3A_4 {offsets = [0, 0], sizes = [512, 64], strides = [1, 1]} : vector<512x128xbf16> to vector<512x64xbf16>
    %slice3A_12 = vector.extract_strided_slice %get3A_7 {offsets = [0, 0], sizes = [512, 64], strides = [1, 1]} : vector<512x128xbf16> to vector<512x64xbf16>
    %dot_general3A = arith.constant dense<0.000000e+00> : vector<512x512xf32>
    %dot_general3A_13 = tpu.matmul %slice3A, %slice3A_11, %dot_general3A {dimension_numbers = #tpu.dot_dimension_numbers<[1], [1], [0], [0], [0, 0, 1, 0], [], []>, transpose_lhs_hint = false} : vector<512x64xbf16>, vector<512x64xbf16>, vector<512x512xf32> -> vector<512x512xf32>
    %mul3A = arith.constant 1.250000e-01 : f32
    %mul3A_14 = vector.broadcast %mul3A : f32 to vector<512x512xf32>
    %mul3A_15 = arith.mulf %dot_general3A_13, %mul3A_14 : vector<512x512xf32>
    %jit3A = arith.constant -1.000000e+09 : f32
    %broadcast_in_dim3A = vector.broadcast %jit3A : f32 to vector<512x512xf32>
    %select_n3A = arith.select %ge3A, %mul3A_15, %broadcast_in_dim3A : vector<512x512xi1>, vector<512x512xf32>
    %reduce_max3A = arith.constant dense<0xFF800000> : vector<512xf32>
    %reduce_max3A_16 = vector.multi_reduction <maximumf>, %select_n3A, %reduce_max3A [1] : vector<512x512xf32> to vector<512xf32>
    %broadcast_in_dim3A_17 = vector.shape_cast %reduce_max3A_16 : vector<512xf32> to vector<512x1xf32>
    %sub3A = vector.broadcast %broadcast_in_dim3A_17 : vector<512x1xf32> to vector<512x512xf32>
    %sub3A_18 = arith.subf %select_n3A, %sub3A : vector<512x512xf32>
    %exp3A = math.exp %sub3A_18 : vector<512x512xf32>
    %reduce_sum3A = arith.constant dense<0.000000e+00> : vector<512xf32>
    %reduce_sum3A_19 = vector.multi_reduction <add>, %exp3A, %reduce_sum3A [1] : vector<512x512xf32> to vector<512xf32>
    %broadcast_in_dim3A_20 = vector.shape_cast %reduce_sum3A_19 : vector<512xf32> to vector<512x1xf32>
    %div3A = vector.broadcast %broadcast_in_dim3A_20 : vector<512x1xf32> to vector<512x512xf32>
    %div3A_21 = arith.divf %exp3A, %div3A : vector<512x512xf32>
    %convert_element_type3A = arith.truncf %div3A_21 : vector<512x512xf32> to vector<512x512xbf16>
    %dot_general3A_22 = arith.constant dense<0.000000e+00> : vector<512x64xf32>
    %dot_general3A_23 = tpu.matmul %convert_element_type3A, %slice3A_12, %dot_general3A_22 {dimension_numbers = #tpu.dot_dimension_numbers<[1], [0], [0], [1], [0, 0, 1, 1], [], []>, transpose_lhs_hint = false} : vector<512x512xbf16>, vector<512x64xbf16>, vector<512x64xf32> -> vector<512x64xf32>
    %slice3A_24 = vector.extract_strided_slice %get3A_1 {offsets = [0, 64], sizes = [512, 64], strides = [1, 1]} : vector<512x128xbf16> to vector<512x64xbf16>
    %slice3A_25 = vector.extract_strided_slice %get3A_4 {offsets = [0, 64], sizes = [512, 64], strides = [1, 1]} : vector<512x128xbf16> to vector<512x64xbf16>
    %slice3A_26 = vector.extract_strided_slice %get3A_7 {offsets = [0, 64], sizes = [512, 64], strides = [1, 1]} : vector<512x128xbf16> to vector<512x64xbf16>
    %dot_general3A_27 = arith.constant dense<0.000000e+00> : vector<512x512xf32>
    %dot_general3A_28 = tpu.matmul %slice3A_24, %slice3A_25, %dot_general3A_27 {dimension_numbers = #tpu.dot_dimension_numbers<[1], [1], [0], [0], [0, 0, 1, 0], [], []>, transpose_lhs_hint = false} : vector<512x64xbf16>, vector<512x64xbf16>, vector<512x512xf32> -> vector<512x512xf32>
    %mul3A_29 = arith.constant 1.250000e-01 : f32
    %mul3A_30 = vector.broadcast %mul3A_29 : f32 to vector<512x512xf32>
    %mul3A_31 = arith.mulf %dot_general3A_28, %mul3A_30 : vector<512x512xf32>
    %jit3A_32 = arith.constant -1.000000e+09 : f32
    %broadcast_in_dim3A_33 = vector.broadcast %jit3A_32 : f32 to vector<512x512xf32>
    %select_n3A_34 = arith.select %ge3A, %mul3A_31, %broadcast_in_dim3A_33 : vector<512x512xi1>, vector<512x512xf32>
    %reduce_max3A_35 = arith.constant dense<0xFF800000> : vector<512xf32>
    %reduce_max3A_36 = vector.multi_reduction <maximumf>, %select_n3A_34, %reduce_max3A_35 [1] : vector<512x512xf32> to vector<512xf32>
    %broadcast_in_dim3A_37 = vector.shape_cast %reduce_max3A_36 : vector<512xf32> to vector<512x1xf32>
    %sub3A_38 = vector.broadcast %broadcast_in_dim3A_37 : vector<512x1xf32> to vector<512x512xf32>
    %sub3A_39 = arith.subf %select_n3A_34, %sub3A_38 : vector<512x512xf32>
    %exp3A_40 = math.exp %sub3A_39 : vector<512x512xf32>
    %reduce_sum3A_41 = arith.constant dense<0.000000e+00> : vector<512xf32>
    %reduce_sum3A_42 = vector.multi_reduction <add>, %exp3A_40, %reduce_sum3A_41 [1] : vector<512x512xf32> to vector<512xf32>
    %broadcast_in_dim3A_43 = vector.shape_cast %reduce_sum3A_42 : vector<512xf32> to vector<512x1xf32>
    %div3A_44 = vector.broadcast %broadcast_in_dim3A_43 : vector<512x1xf32> to vector<512x512xf32>
    %div3A_45 = arith.divf %exp3A_40, %div3A_44 : vector<512x512xf32>
    %convert_element_type3A_46 = arith.truncf %div3A_45 : vector<512x512xf32> to vector<512x512xbf16>
    %dot_general3A_47 = arith.constant dense<0.000000e+00> : vector<512x64xf32>
    %dot_general3A_48 = tpu.matmul %convert_element_type3A_46, %slice3A_26, %dot_general3A_47 {dimension_numbers = #tpu.dot_dimension_numbers<[1], [0], [0], [1], [0, 0, 1, 1], [], []>, transpose_lhs_hint = false} : vector<512x512xbf16>, vector<512x64xbf16>, vector<512x64xf32> -> vector<512x64xf32>
    %concatenate3A = tpu.concatenate %dot_general3A_23, %dot_general3A_48 in 1 : vector<512x64xf32>, vector<512x64xf32> -> vector<512x128xf32>
    %convert_element_type3A_49 = arith.truncf %concatenate3A : vector<512x128xf32> to vector<512x128xbf16>
    %swap3A = arith.constant 0 : index
    %swap3A_50 = arith.constant 0 : index
    %swap3A_51 = vector.load %arg5[%swap3A, %swap3A_50] : memref<512x128xbf16, #tpu.memory_space<vmem>>, vector<512x128xbf16>
    tpu.vector_store %arg5[%swap3A, %swap3A_50], %convert_element_type3A_49 {strides = array<i32>} : memref<512x128xbf16, #tpu.memory_space<vmem>>, vector<512x128xbf16>,
    return
  }
  func.func @transform_0(%arg0: i32) -> (i32, i32) {
    %c0_i32 = arith.constant 0 : i32
    %c0_i32_0 = arith.constant 0 : i32
    return %c0_i32, %arg0 : i32, i32
  }
  func.func @transform_1(%arg0: i32) -> (i32, i32) {
    %c0_i32 = arith.constant 0 : i32
    %c0_i32_0 = arith.constant 0 : i32
    return %c0_i32, %arg0 : i32, i32
  }
  func.func @transform_2(%arg0: i32) -> (i32, i32) {
    %c0_i32 = arith.constant 0 : i32
    %c0_i32_0 = arith.constant 0 : i32
    return %c0_i32, %arg0 : i32, i32
  }
  func.func @transform_3(%arg0: i32) -> (i32, i32) {
    %c0_i32 = arith.constant 0 : i32
    %c0_i32_0 = arith.constant 0 : i32
    return %c0_i32, %arg0 : i32, i32
  }
  func.func @transform_4(%arg0: i32) -> (i32, i32) {
    %c0_i32 = arith.constant 0 : i32
    %c0_i32_0 = arith.constant 0 : i32
    return %c0_i32, %arg0 : i32, i32
  }
}

module attributes {stable_mosaic.version = 14 : i64} {
  func.func @_k2_body(%arg0: i32, %arg1: memref<512x128xbf16, #tpu.memory_space<vmem>>, %arg2: memref<1024x128xbf16, #tpu.memory_space<vmem>>, %arg3: memref<1024x128xbf16, #tpu.memory_space<vmem>>, %arg4: memref<512x128xbf16, #tpu.memory_space<vmem>>, %arg5: memref<512x128xbf16, #tpu.memory_space<vmem>>) attributes {dimension_semantics = [#tpu.dimension_semantics<arbitrary>], iteration_bounds = array<i64: 8>, scalar_prefetch = 0 : i64, scratch_operands = 0 : i64, tpu.core_type = #tpu.core_type<tc>, window_params = [{transform_indices = @transform_0, window_bounds = array<i64: 512, 128>}, {transform_indices = @transform_1, window_bounds = array<i64: 1024, 128>}, {transform_indices = @transform_2, window_bounds = array<i64: 1024, 128>}, {transform_indices = @transform_3, window_bounds = array<i64: 512, 128>}, {transform_indices = @transform_4, window_bounds = array<i64: 512, 128>}]} {
    %get3A = arith.constant 0 : index
    %get3A_0 = arith.constant 0 : index
    %get3A_1 = vector.load %arg1[%get3A, %get3A_0] : memref<512x128xbf16, #tpu.memory_space<vmem>>, vector<512x128xbf16>
    %get3A_2 = arith.constant 0 : index
    %get3A_3 = arith.constant 0 : index
    %get3A_4 = vector.load %arg2[%get3A_2, %get3A_3] : memref<1024x128xbf16, #tpu.memory_space<vmem>>, vector<1024x128xbf16>
    %get3A_5 = arith.constant 0 : index
    %get3A_6 = arith.constant 0 : index
    %get3A_7 = vector.load %arg3[%get3A_5, %get3A_6] : memref<1024x128xbf16, #tpu.memory_space<vmem>>, vector<1024x128xbf16>
    %iota3A = tpu.iota {dimensions = array<i32: 0>} : vector<512x1024xi32>
    %add3A = arith.constant 512 : i32
    %add3A_8 = vector.broadcast %add3A : i32 to vector<512x1024xi32>
    %add3A_9 = arith.addi %add3A_8, %iota3A : vector<512x1024xi32>
    %iota3A_10 = tpu.iota {dimensions = array<i32: 1>} : vector<512x1024xi32>
    %ge3A = arith.cmpi sge, %add3A_9, %iota3A_10 : vector<512x1024xi32>
    %slice3A = vector.extract_strided_slice %get3A_1 {offsets = [0, 0], sizes = [512, 64], strides = [1, 1]} : vector<512x128xbf16> to vector<512x64xbf16>
    %slice3A_11 = vector.extract_strided_slice %get3A_4 {offsets = [0, 0], sizes = [1024, 64], strides = [1, 1]} : vector<1024x128xbf16> to vector<1024x64xbf16>
    %slice3A_12 = vector.extract_strided_slice %get3A_7 {offsets = [0, 0], sizes = [1024, 64], strides = [1, 1]} : vector<1024x128xbf16> to vector<1024x64xbf16>
    %dot_general3A = arith.constant dense<0.000000e+00> : vector<512x1024xf32>
    %dot_general3A_13 = tpu.matmul %slice3A, %slice3A_11, %dot_general3A {dimension_numbers = #tpu.dot_dimension_numbers<[1], [1], [0], [0], [0, 0, 1, 0], [], []>, transpose_lhs_hint = false} : vector<512x64xbf16>, vector<1024x64xbf16>, vector<512x1024xf32> -> vector<512x1024xf32>
    %mul3A = arith.constant 1.250000e-01 : f32
    %mul3A_14 = vector.broadcast %mul3A : f32 to vector<512x1024xf32>
    %mul3A_15 = arith.mulf %dot_general3A_13, %mul3A_14 : vector<512x1024xf32>
    %jit3A = arith.constant -1.000000e+09 : f32
    %broadcast_in_dim3A = vector.broadcast %jit3A : f32 to vector<512x1024xf32>
    %select_n3A = arith.select %ge3A, %mul3A_15, %broadcast_in_dim3A : vector<512x1024xi1>, vector<512x1024xf32>
    %reduce_max3A = arith.constant dense<0xFF800000> : vector<512xf32>
    %reduce_max3A_16 = vector.multi_reduction <maximumf>, %select_n3A, %reduce_max3A [1] : vector<512x1024xf32> to vector<512xf32>
    %broadcast_in_dim3A_17 = vector.shape_cast %reduce_max3A_16 : vector<512xf32> to vector<512x1xf32>
    %sub3A = vector.broadcast %broadcast_in_dim3A_17 : vector<512x1xf32> to vector<512x1024xf32>
    %sub3A_18 = arith.subf %select_n3A, %sub3A : vector<512x1024xf32>
    %exp3A = math.exp %sub3A_18 : vector<512x1024xf32>
    %reduce_sum3A = arith.constant dense<0.000000e+00> : vector<512xf32>
    %reduce_sum3A_19 = vector.multi_reduction <add>, %exp3A, %reduce_sum3A [1] : vector<512x1024xf32> to vector<512xf32>
    %broadcast_in_dim3A_20 = vector.shape_cast %reduce_sum3A_19 : vector<512xf32> to vector<512x1xf32>
    %div3A = vector.broadcast %broadcast_in_dim3A_20 : vector<512x1xf32> to vector<512x1024xf32>
    %div3A_21 = arith.divf %exp3A, %div3A : vector<512x1024xf32>
    %convert_element_type3A = arith.truncf %div3A_21 : vector<512x1024xf32> to vector<512x1024xbf16>
    %dot_general3A_22 = arith.constant dense<0.000000e+00> : vector<512x64xf32>
    %dot_general3A_23 = tpu.matmul %convert_element_type3A, %slice3A_12, %dot_general3A_22 {dimension_numbers = #tpu.dot_dimension_numbers<[1], [0], [0], [1], [0, 0, 1, 1], [], []>, transpose_lhs_hint = false} : vector<512x1024xbf16>, vector<1024x64xbf16>, vector<512x64xf32> -> vector<512x64xf32>
    %slice3A_24 = vector.extract_strided_slice %get3A_1 {offsets = [0, 64], sizes = [512, 64], strides = [1, 1]} : vector<512x128xbf16> to vector<512x64xbf16>
    %slice3A_25 = vector.extract_strided_slice %get3A_4 {offsets = [0, 64], sizes = [1024, 64], strides = [1, 1]} : vector<1024x128xbf16> to vector<1024x64xbf16>
    %slice3A_26 = vector.extract_strided_slice %get3A_7 {offsets = [0, 64], sizes = [1024, 64], strides = [1, 1]} : vector<1024x128xbf16> to vector<1024x64xbf16>
    %dot_general3A_27 = arith.constant dense<0.000000e+00> : vector<512x1024xf32>
    %dot_general3A_28 = tpu.matmul %slice3A_24, %slice3A_25, %dot_general3A_27 {dimension_numbers = #tpu.dot_dimension_numbers<[1], [1], [0], [0], [0, 0, 1, 0], [], []>, transpose_lhs_hint = false} : vector<512x64xbf16>, vector<1024x64xbf16>, vector<512x1024xf32> -> vector<512x1024xf32>
    %mul3A_29 = arith.constant 1.250000e-01 : f32
    %mul3A_30 = vector.broadcast %mul3A_29 : f32 to vector<512x1024xf32>
    %mul3A_31 = arith.mulf %dot_general3A_28, %mul3A_30 : vector<512x1024xf32>
    %jit3A_32 = arith.constant -1.000000e+09 : f32
    %broadcast_in_dim3A_33 = vector.broadcast %jit3A_32 : f32 to vector<512x1024xf32>
    %select_n3A_34 = arith.select %ge3A, %mul3A_31, %broadcast_in_dim3A_33 : vector<512x1024xi1>, vector<512x1024xf32>
    %reduce_max3A_35 = arith.constant dense<0xFF800000> : vector<512xf32>
    %reduce_max3A_36 = vector.multi_reduction <maximumf>, %select_n3A_34, %reduce_max3A_35 [1] : vector<512x1024xf32> to vector<512xf32>
    %broadcast_in_dim3A_37 = vector.shape_cast %reduce_max3A_36 : vector<512xf32> to vector<512x1xf32>
    %sub3A_38 = vector.broadcast %broadcast_in_dim3A_37 : vector<512x1xf32> to vector<512x1024xf32>
    %sub3A_39 = arith.subf %select_n3A_34, %sub3A_38 : vector<512x1024xf32>
    %exp3A_40 = math.exp %sub3A_39 : vector<512x1024xf32>
    %reduce_sum3A_41 = arith.constant dense<0.000000e+00> : vector<512xf32>
    %reduce_sum3A_42 = vector.multi_reduction <add>, %exp3A_40, %reduce_sum3A_41 [1] : vector<512x1024xf32> to vector<512xf32>
    %broadcast_in_dim3A_43 = vector.shape_cast %reduce_sum3A_42 : vector<512xf32> to vector<512x1xf32>
    %div3A_44 = vector.broadcast %broadcast_in_dim3A_43 : vector<512x1xf32> to vector<512x1024xf32>
    %div3A_45 = arith.divf %exp3A_40, %div3A_44 : vector<512x1024xf32>
    %convert_element_type3A_46 = arith.truncf %div3A_45 : vector<512x1024xf32> to vector<512x1024xbf16>
    %dot_general3A_47 = arith.constant dense<0.000000e+00> : vector<512x64xf32>
    %dot_general3A_48 = tpu.matmul %convert_element_type3A_46, %slice3A_26, %dot_general3A_47 {dimension_numbers = #tpu.dot_dimension_numbers<[1], [0], [0], [1], [0, 0, 1, 1], [], []>, transpose_lhs_hint = false} : vector<512x1024xbf16>, vector<1024x64xbf16>, vector<512x64xf32> -> vector<512x64xf32>
    %concatenate3A = tpu.concatenate %dot_general3A_23, %dot_general3A_48 in 1 : vector<512x64xf32>, vector<512x64xf32> -> vector<512x128xf32>
    %convert_element_type3A_49 = arith.truncf %concatenate3A : vector<512x128xf32> to vector<512x128xbf16>
    %swap3A = arith.constant 0 : index
    %swap3A_50 = arith.constant 0 : index
    %swap3A_51 = vector.load %arg5[%swap3A, %swap3A_50] : memref<512x128xbf16, #tpu.memory_space<vmem>>, vector<512x128xbf16>
    tpu.vector_store %arg5[%swap3A, %swap3A_50], %convert_element_type3A_49 {strides = array<i32>} : memref<512x128xbf16, #tpu.memory_space<vmem>>, vector<512x128xbf16>,
    return
  }
  func.func @transform_0(%arg0: i32) -> (i32, i32) {
    %c1_i32 = arith.constant 1 : i32
    %c0_i32 = arith.constant 0 : i32
    return %c1_i32, %arg0 : i32, i32
  }
  func.func @transform_1(%arg0: i32) -> (i32, i32) {
    %c0_i32 = arith.constant 0 : i32
    %c0_i32_0 = arith.constant 0 : i32
    return %c0_i32, %arg0 : i32, i32
  }
  func.func @transform_2(%arg0: i32) -> (i32, i32) {
    %c0_i32 = arith.constant 0 : i32
    %c0_i32_0 = arith.constant 0 : i32
    return %c0_i32, %arg0 : i32, i32
  }
  func.func @transform_3(%arg0: i32) -> (i32, i32) {
    %c1_i32 = arith.constant 1 : i32
    %c0_i32 = arith.constant 0 : i32
    return %c1_i32, %arg0 : i32, i32
  }
  func.func @transform_4(%arg0: i32) -> (i32, i32) {
    %c1_i32 = arith.constant 1 : i32
    %c0_i32 = arith.constant 0 : i32
    return %c1_i32, %arg0 : i32, i32
  }
}

module attributes {stable_mosaic.version = 14 : i64} {
  func.func @_k2_body(%arg0: i32, %arg1: memref<512x128xbf16, #tpu.memory_space<vmem>>, %arg2: memref<1536x128xbf16, #tpu.memory_space<vmem>>, %arg3: memref<1536x128xbf16, #tpu.memory_space<vmem>>, %arg4: memref<512x128xbf16, #tpu.memory_space<vmem>>, %arg5: memref<512x128xbf16, #tpu.memory_space<vmem>>) attributes {dimension_semantics = [#tpu.dimension_semantics<arbitrary>], iteration_bounds = array<i64: 8>, scalar_prefetch = 0 : i64, scratch_operands = 0 : i64, tpu.core_type = #tpu.core_type<tc>, window_params = [{transform_indices = @transform_0, window_bounds = array<i64: 512, 128>}, {transform_indices = @transform_1, window_bounds = array<i64: 1536, 128>}, {transform_indices = @transform_2, window_bounds = array<i64: 1536, 128>}, {transform_indices = @transform_3, window_bounds = array<i64: 512, 128>}, {transform_indices = @transform_4, window_bounds = array<i64: 512, 128>}]} {
    %get3A = arith.constant 0 : index
    %get3A_0 = arith.constant 0 : index
    %get3A_1 = vector.load %arg1[%get3A, %get3A_0] : memref<512x128xbf16, #tpu.memory_space<vmem>>, vector<512x128xbf16>
    %get3A_2 = arith.constant 0 : index
    %get3A_3 = arith.constant 0 : index
    %get3A_4 = vector.load %arg2[%get3A_2, %get3A_3] : memref<1536x128xbf16, #tpu.memory_space<vmem>>, vector<1536x128xbf16>
    %get3A_5 = arith.constant 0 : index
    %get3A_6 = arith.constant 0 : index
    %get3A_7 = vector.load %arg3[%get3A_5, %get3A_6] : memref<1536x128xbf16, #tpu.memory_space<vmem>>, vector<1536x128xbf16>
    %iota3A = tpu.iota {dimensions = array<i32: 0>} : vector<512x1536xi32>
    %add3A = arith.constant 1024 : i32
    %add3A_8 = vector.broadcast %add3A : i32 to vector<512x1536xi32>
    %add3A_9 = arith.addi %add3A_8, %iota3A : vector<512x1536xi32>
    %iota3A_10 = tpu.iota {dimensions = array<i32: 1>} : vector<512x1536xi32>
    %ge3A = arith.cmpi sge, %add3A_9, %iota3A_10 : vector<512x1536xi32>
    %slice3A = vector.extract_strided_slice %get3A_1 {offsets = [0, 0], sizes = [512, 64], strides = [1, 1]} : vector<512x128xbf16> to vector<512x64xbf16>
    %slice3A_11 = vector.extract_strided_slice %get3A_4 {offsets = [0, 0], sizes = [1536, 64], strides = [1, 1]} : vector<1536x128xbf16> to vector<1536x64xbf16>
    %slice3A_12 = vector.extract_strided_slice %get3A_7 {offsets = [0, 0], sizes = [1536, 64], strides = [1, 1]} : vector<1536x128xbf16> to vector<1536x64xbf16>
    %dot_general3A = arith.constant dense<0.000000e+00> : vector<512x1536xf32>
    %dot_general3A_13 = tpu.matmul %slice3A, %slice3A_11, %dot_general3A {dimension_numbers = #tpu.dot_dimension_numbers<[1], [1], [0], [0], [0, 0, 1, 0], [], []>, transpose_lhs_hint = false} : vector<512x64xbf16>, vector<1536x64xbf16>, vector<512x1536xf32> -> vector<512x1536xf32>
    %mul3A = arith.constant 1.250000e-01 : f32
    %mul3A_14 = vector.broadcast %mul3A : f32 to vector<512x1536xf32>
    %mul3A_15 = arith.mulf %dot_general3A_13, %mul3A_14 : vector<512x1536xf32>
    %jit3A = arith.constant -1.000000e+09 : f32
    %broadcast_in_dim3A = vector.broadcast %jit3A : f32 to vector<512x1536xf32>
    %select_n3A = arith.select %ge3A, %mul3A_15, %broadcast_in_dim3A : vector<512x1536xi1>, vector<512x1536xf32>
    %reduce_max3A = arith.constant dense<0xFF800000> : vector<512xf32>
    %reduce_max3A_16 = vector.multi_reduction <maximumf>, %select_n3A, %reduce_max3A [1] : vector<512x1536xf32> to vector<512xf32>
    %broadcast_in_dim3A_17 = vector.shape_cast %reduce_max3A_16 : vector<512xf32> to vector<512x1xf32>
    %sub3A = vector.broadcast %broadcast_in_dim3A_17 : vector<512x1xf32> to vector<512x1536xf32>
    %sub3A_18 = arith.subf %select_n3A, %sub3A : vector<512x1536xf32>
    %exp3A = math.exp %sub3A_18 : vector<512x1536xf32>
    %reduce_sum3A = arith.constant dense<0.000000e+00> : vector<512xf32>
    %reduce_sum3A_19 = vector.multi_reduction <add>, %exp3A, %reduce_sum3A [1] : vector<512x1536xf32> to vector<512xf32>
    %broadcast_in_dim3A_20 = vector.shape_cast %reduce_sum3A_19 : vector<512xf32> to vector<512x1xf32>
    %div3A = vector.broadcast %broadcast_in_dim3A_20 : vector<512x1xf32> to vector<512x1536xf32>
    %div3A_21 = arith.divf %exp3A, %div3A : vector<512x1536xf32>
    %convert_element_type3A = arith.truncf %div3A_21 : vector<512x1536xf32> to vector<512x1536xbf16>
    %dot_general3A_22 = arith.constant dense<0.000000e+00> : vector<512x64xf32>
    %dot_general3A_23 = tpu.matmul %convert_element_type3A, %slice3A_12, %dot_general3A_22 {dimension_numbers = #tpu.dot_dimension_numbers<[1], [0], [0], [1], [0, 0, 1, 1], [], []>, transpose_lhs_hint = false} : vector<512x1536xbf16>, vector<1536x64xbf16>, vector<512x64xf32> -> vector<512x64xf32>
    %slice3A_24 = vector.extract_strided_slice %get3A_1 {offsets = [0, 64], sizes = [512, 64], strides = [1, 1]} : vector<512x128xbf16> to vector<512x64xbf16>
    %slice3A_25 = vector.extract_strided_slice %get3A_4 {offsets = [0, 64], sizes = [1536, 64], strides = [1, 1]} : vector<1536x128xbf16> to vector<1536x64xbf16>
    %slice3A_26 = vector.extract_strided_slice %get3A_7 {offsets = [0, 64], sizes = [1536, 64], strides = [1, 1]} : vector<1536x128xbf16> to vector<1536x64xbf16>
    %dot_general3A_27 = arith.constant dense<0.000000e+00> : vector<512x1536xf32>
    %dot_general3A_28 = tpu.matmul %slice3A_24, %slice3A_25, %dot_general3A_27 {dimension_numbers = #tpu.dot_dimension_numbers<[1], [1], [0], [0], [0, 0, 1, 0], [], []>, transpose_lhs_hint = false} : vector<512x64xbf16>, vector<1536x64xbf16>, vector<512x1536xf32> -> vector<512x1536xf32>
    %mul3A_29 = arith.constant 1.250000e-01 : f32
    %mul3A_30 = vector.broadcast %mul3A_29 : f32 to vector<512x1536xf32>
    %mul3A_31 = arith.mulf %dot_general3A_28, %mul3A_30 : vector<512x1536xf32>
    %jit3A_32 = arith.constant -1.000000e+09 : f32
    %broadcast_in_dim3A_33 = vector.broadcast %jit3A_32 : f32 to vector<512x1536xf32>
    %select_n3A_34 = arith.select %ge3A, %mul3A_31, %broadcast_in_dim3A_33 : vector<512x1536xi1>, vector<512x1536xf32>
    %reduce_max3A_35 = arith.constant dense<0xFF800000> : vector<512xf32>
    %reduce_max3A_36 = vector.multi_reduction <maximumf>, %select_n3A_34, %reduce_max3A_35 [1] : vector<512x1536xf32> to vector<512xf32>
    %broadcast_in_dim3A_37 = vector.shape_cast %reduce_max3A_36 : vector<512xf32> to vector<512x1xf32>
    %sub3A_38 = vector.broadcast %broadcast_in_dim3A_37 : vector<512x1xf32> to vector<512x1536xf32>
    %sub3A_39 = arith.subf %select_n3A_34, %sub3A_38 : vector<512x1536xf32>
    %exp3A_40 = math.exp %sub3A_39 : vector<512x1536xf32>
    %reduce_sum3A_41 = arith.constant dense<0.000000e+00> : vector<512xf32>
    %reduce_sum3A_42 = vector.multi_reduction <add>, %exp3A_40, %reduce_sum3A_41 [1] : vector<512x1536xf32> to vector<512xf32>
    %broadcast_in_dim3A_43 = vector.shape_cast %reduce_sum3A_42 : vector<512xf32> to vector<512x1xf32>
    %div3A_44 = vector.broadcast %broadcast_in_dim3A_43 : vector<512x1xf32> to vector<512x1536xf32>
    %div3A_45 = arith.divf %exp3A_40, %div3A_44 : vector<512x1536xf32>
    %convert_element_type3A_46 = arith.truncf %div3A_45 : vector<512x1536xf32> to vector<512x1536xbf16>
    %dot_general3A_47 = arith.constant dense<0.000000e+00> : vector<512x64xf32>
    %dot_general3A_48 = tpu.matmul %convert_element_type3A_46, %slice3A_26, %dot_general3A_47 {dimension_numbers = #tpu.dot_dimension_numbers<[1], [0], [0], [1], [0, 0, 1, 1], [], []>, transpose_lhs_hint = false} : vector<512x1536xbf16>, vector<1536x64xbf16>, vector<512x64xf32> -> vector<512x64xf32>
    %concatenate3A = tpu.concatenate %dot_general3A_23, %dot_general3A_48 in 1 : vector<512x64xf32>, vector<512x64xf32> -> vector<512x128xf32>
    %convert_element_type3A_49 = arith.truncf %concatenate3A : vector<512x128xf32> to vector<512x128xbf16>
    %swap3A = arith.constant 0 : index
    %swap3A_50 = arith.constant 0 : index
    %swap3A_51 = vector.load %arg5[%swap3A, %swap3A_50] : memref<512x128xbf16, #tpu.memory_space<vmem>>, vector<512x128xbf16>
    tpu.vector_store %arg5[%swap3A, %swap3A_50], %convert_element_type3A_49 {strides = array<i32>} : memref<512x128xbf16, #tpu.memory_space<vmem>>, vector<512x128xbf16>,
    return
  }
  func.func @transform_0(%arg0: i32) -> (i32, i32) {
    %c2_i32 = arith.constant 2 : i32
    %c0_i32 = arith.constant 0 : i32
    return %c2_i32, %arg0 : i32, i32
  }
  func.func @transform_1(%arg0: i32) -> (i32, i32) {
    %c0_i32 = arith.constant 0 : i32
    %c0_i32_0 = arith.constant 0 : i32
    return %c0_i32, %arg0 : i32, i32
  }
  func.func @transform_2(%arg0: i32) -> (i32, i32) {
    %c0_i32 = arith.constant 0 : i32
    %c0_i32_0 = arith.constant 0 : i32
    return %c0_i32, %arg0 : i32, i32
  }
  func.func @transform_3(%arg0: i32) -> (i32, i32) {
    %c2_i32 = arith.constant 2 : i32
    %c0_i32 = arith.constant 0 : i32
    return %c2_i32, %arg0 : i32, i32
  }
  func.func @transform_4(%arg0: i32) -> (i32, i32) {
    %c2_i32 = arith.constant 2 : i32
    %c0_i32 = arith.constant 0 : i32
    return %c2_i32, %arg0 : i32, i32
  }
}

module attributes {stable_mosaic.version = 14 : i64} {
  func.func @_k2_body(%arg0: i32, %arg1: memref<512x128xbf16, #tpu.memory_space<vmem>>, %arg2: memref<2048x128xbf16, #tpu.memory_space<vmem>>, %arg3: memref<2048x128xbf16, #tpu.memory_space<vmem>>, %arg4: memref<512x128xbf16, #tpu.memory_space<vmem>>, %arg5: memref<512x128xbf16, #tpu.memory_space<vmem>>) attributes {dimension_semantics = [#tpu.dimension_semantics<arbitrary>], iteration_bounds = array<i64: 8>, scalar_prefetch = 0 : i64, scratch_operands = 0 : i64, tpu.core_type = #tpu.core_type<tc>, window_params = [{transform_indices = @transform_0, window_bounds = array<i64: 512, 128>}, {transform_indices = @transform_1, window_bounds = array<i64: 2048, 128>}, {transform_indices = @transform_2, window_bounds = array<i64: 2048, 128>}, {transform_indices = @transform_3, window_bounds = array<i64: 512, 128>}, {transform_indices = @transform_4, window_bounds = array<i64: 512, 128>}]} {
    %get3A = arith.constant 0 : index
    %get3A_0 = arith.constant 0 : index
    %get3A_1 = vector.load %arg1[%get3A, %get3A_0] : memref<512x128xbf16, #tpu.memory_space<vmem>>, vector<512x128xbf16>
    %get3A_2 = arith.constant 0 : index
    %get3A_3 = arith.constant 0 : index
    %get3A_4 = vector.load %arg2[%get3A_2, %get3A_3] : memref<2048x128xbf16, #tpu.memory_space<vmem>>, vector<2048x128xbf16>
    %get3A_5 = arith.constant 0 : index
    %get3A_6 = arith.constant 0 : index
    %get3A_7 = vector.load %arg3[%get3A_5, %get3A_6] : memref<2048x128xbf16, #tpu.memory_space<vmem>>, vector<2048x128xbf16>
    %iota3A = tpu.iota {dimensions = array<i32: 0>} : vector<512x2048xi32>
    %add3A = arith.constant 1536 : i32
    %add3A_8 = vector.broadcast %add3A : i32 to vector<512x2048xi32>
    %add3A_9 = arith.addi %add3A_8, %iota3A : vector<512x2048xi32>
    %iota3A_10 = tpu.iota {dimensions = array<i32: 1>} : vector<512x2048xi32>
    %ge3A = arith.cmpi sge, %add3A_9, %iota3A_10 : vector<512x2048xi32>
    %slice3A = vector.extract_strided_slice %get3A_1 {offsets = [0, 0], sizes = [512, 64], strides = [1, 1]} : vector<512x128xbf16> to vector<512x64xbf16>
    %slice3A_11 = vector.extract_strided_slice %get3A_4 {offsets = [0, 0], sizes = [2048, 64], strides = [1, 1]} : vector<2048x128xbf16> to vector<2048x64xbf16>
    %slice3A_12 = vector.extract_strided_slice %get3A_7 {offsets = [0, 0], sizes = [2048, 64], strides = [1, 1]} : vector<2048x128xbf16> to vector<2048x64xbf16>
    %dot_general3A = arith.constant dense<0.000000e+00> : vector<512x2048xf32>
    %dot_general3A_13 = tpu.matmul %slice3A, %slice3A_11, %dot_general3A {dimension_numbers = #tpu.dot_dimension_numbers<[1], [1], [0], [0], [0, 0, 1, 0], [], []>, transpose_lhs_hint = false} : vector<512x64xbf16>, vector<2048x64xbf16>, vector<512x2048xf32> -> vector<512x2048xf32>
    %mul3A = arith.constant 1.250000e-01 : f32
    %mul3A_14 = vector.broadcast %mul3A : f32 to vector<512x2048xf32>
    %mul3A_15 = arith.mulf %dot_general3A_13, %mul3A_14 : vector<512x2048xf32>
    %jit3A = arith.constant -1.000000e+09 : f32
    %broadcast_in_dim3A = vector.broadcast %jit3A : f32 to vector<512x2048xf32>
    %select_n3A = arith.select %ge3A, %mul3A_15, %broadcast_in_dim3A : vector<512x2048xi1>, vector<512x2048xf32>
    %reduce_max3A = arith.constant dense<0xFF800000> : vector<512xf32>
    %reduce_max3A_16 = vector.multi_reduction <maximumf>, %select_n3A, %reduce_max3A [1] : vector<512x2048xf32> to vector<512xf32>
    %broadcast_in_dim3A_17 = vector.shape_cast %reduce_max3A_16 : vector<512xf32> to vector<512x1xf32>
    %sub3A = vector.broadcast %broadcast_in_dim3A_17 : vector<512x1xf32> to vector<512x2048xf32>
    %sub3A_18 = arith.subf %select_n3A, %sub3A : vector<512x2048xf32>
    %exp3A = math.exp %sub3A_18 : vector<512x2048xf32>
    %reduce_sum3A = arith.constant dense<0.000000e+00> : vector<512xf32>
    %reduce_sum3A_19 = vector.multi_reduction <add>, %exp3A, %reduce_sum3A [1] : vector<512x2048xf32> to vector<512xf32>
    %broadcast_in_dim3A_20 = vector.shape_cast %reduce_sum3A_19 : vector<512xf32> to vector<512x1xf32>
    %div3A = vector.broadcast %broadcast_in_dim3A_20 : vector<512x1xf32> to vector<512x2048xf32>
    %div3A_21 = arith.divf %exp3A, %div3A : vector<512x2048xf32>
    %convert_element_type3A = arith.truncf %div3A_21 : vector<512x2048xf32> to vector<512x2048xbf16>
    %dot_general3A_22 = arith.constant dense<0.000000e+00> : vector<512x64xf32>
    %dot_general3A_23 = tpu.matmul %convert_element_type3A, %slice3A_12, %dot_general3A_22 {dimension_numbers = #tpu.dot_dimension_numbers<[1], [0], [0], [1], [0, 0, 1, 1], [], []>, transpose_lhs_hint = false} : vector<512x2048xbf16>, vector<2048x64xbf16>, vector<512x64xf32> -> vector<512x64xf32>
    %slice3A_24 = vector.extract_strided_slice %get3A_1 {offsets = [0, 64], sizes = [512, 64], strides = [1, 1]} : vector<512x128xbf16> to vector<512x64xbf16>
    %slice3A_25 = vector.extract_strided_slice %get3A_4 {offsets = [0, 64], sizes = [2048, 64], strides = [1, 1]} : vector<2048x128xbf16> to vector<2048x64xbf16>
    %slice3A_26 = vector.extract_strided_slice %get3A_7 {offsets = [0, 64], sizes = [2048, 64], strides = [1, 1]} : vector<2048x128xbf16> to vector<2048x64xbf16>
    %dot_general3A_27 = arith.constant dense<0.000000e+00> : vector<512x2048xf32>
    %dot_general3A_28 = tpu.matmul %slice3A_24, %slice3A_25, %dot_general3A_27 {dimension_numbers = #tpu.dot_dimension_numbers<[1], [1], [0], [0], [0, 0, 1, 0], [], []>, transpose_lhs_hint = false} : vector<512x64xbf16>, vector<2048x64xbf16>, vector<512x2048xf32> -> vector<512x2048xf32>
    %mul3A_29 = arith.constant 1.250000e-01 : f32
    %mul3A_30 = vector.broadcast %mul3A_29 : f32 to vector<512x2048xf32>
    %mul3A_31 = arith.mulf %dot_general3A_28, %mul3A_30 : vector<512x2048xf32>
    %jit3A_32 = arith.constant -1.000000e+09 : f32
    %broadcast_in_dim3A_33 = vector.broadcast %jit3A_32 : f32 to vector<512x2048xf32>
    %select_n3A_34 = arith.select %ge3A, %mul3A_31, %broadcast_in_dim3A_33 : vector<512x2048xi1>, vector<512x2048xf32>
    %reduce_max3A_35 = arith.constant dense<0xFF800000> : vector<512xf32>
    %reduce_max3A_36 = vector.multi_reduction <maximumf>, %select_n3A_34, %reduce_max3A_35 [1] : vector<512x2048xf32> to vector<512xf32>
    %broadcast_in_dim3A_37 = vector.shape_cast %reduce_max3A_36 : vector<512xf32> to vector<512x1xf32>
    %sub3A_38 = vector.broadcast %broadcast_in_dim3A_37 : vector<512x1xf32> to vector<512x2048xf32>
    %sub3A_39 = arith.subf %select_n3A_34, %sub3A_38 : vector<512x2048xf32>
    %exp3A_40 = math.exp %sub3A_39 : vector<512x2048xf32>
    %reduce_sum3A_41 = arith.constant dense<0.000000e+00> : vector<512xf32>
    %reduce_sum3A_42 = vector.multi_reduction <add>, %exp3A_40, %reduce_sum3A_41 [1] : vector<512x2048xf32> to vector<512xf32>
    %broadcast_in_dim3A_43 = vector.shape_cast %reduce_sum3A_42 : vector<512xf32> to vector<512x1xf32>
    %div3A_44 = vector.broadcast %broadcast_in_dim3A_43 : vector<512x1xf32> to vector<512x2048xf32>
    %div3A_45 = arith.divf %exp3A_40, %div3A_44 : vector<512x2048xf32>
    %convert_element_type3A_46 = arith.truncf %div3A_45 : vector<512x2048xf32> to vector<512x2048xbf16>
    %dot_general3A_47 = arith.constant dense<0.000000e+00> : vector<512x64xf32>
    %dot_general3A_48 = tpu.matmul %convert_element_type3A_46, %slice3A_26, %dot_general3A_47 {dimension_numbers = #tpu.dot_dimension_numbers<[1], [0], [0], [1], [0, 0, 1, 1], [], []>, transpose_lhs_hint = false} : vector<512x2048xbf16>, vector<2048x64xbf16>, vector<512x64xf32> -> vector<512x64xf32>
    %concatenate3A = tpu.concatenate %dot_general3A_23, %dot_general3A_48 in 1 : vector<512x64xf32>, vector<512x64xf32> -> vector<512x128xf32>
    %convert_element_type3A_49 = arith.truncf %concatenate3A : vector<512x128xf32> to vector<512x128xbf16>
    %swap3A = arith.constant 0 : index
    %swap3A_50 = arith.constant 0 : index
    %swap3A_51 = vector.load %arg5[%swap3A, %swap3A_50] : memref<512x128xbf16, #tpu.memory_space<vmem>>, vector<512x128xbf16>
    tpu.vector_store %arg5[%swap3A, %swap3A_50], %convert_element_type3A_49 {strides = array<i32>} : memref<512x128xbf16, #tpu.memory_space<vmem>>, vector<512x128xbf16>,
    return
  }
  func.func @transform_0(%arg0: i32) -> (i32, i32) {
    %c3_i32 = arith.constant 3 : i32
    %c0_i32 = arith.constant 0 : i32
    return %c3_i32, %arg0 : i32, i32
  }
  func.func @transform_1(%arg0: i32) -> (i32, i32) {
    %c0_i32 = arith.constant 0 : i32
    %c0_i32_0 = arith.constant 0 : i32
    return %c0_i32, %arg0 : i32, i32
  }
  func.func @transform_2(%arg0: i32) -> (i32, i32) {
    %c0_i32 = arith.constant 0 : i32
    %c0_i32_0 = arith.constant 0 : i32
    return %c0_i32, %arg0 : i32, i32
  }
  func.func @transform_3(%arg0: i32) -> (i32, i32) {
    %c3_i32 = arith.constant 3 : i32
    %c0_i32 = arith.constant 0 : i32
    return %c3_i32, %arg0 : i32, i32
  }
  func.func @transform_4(%arg0: i32) -> (i32, i32) {
    %c3_i32 = arith.constant 3 : i32
    %c0_i32 = arith.constant 0 : i32
    return %c3_i32, %arg0 : i32, i32
  }
}

module attributes {stable_mosaic.version = 14 : i64} {
  func.func @_k3_body(%arg0: i32, %arg1: memref<512x1024xbf16, #tpu.memory_space<vmem>>, %arg2: memref<1024x1024xbf16, #tpu.memory_space<vmem>>, %arg3: memref<512x1024xf32, #tpu.memory_space<vmem>>, %arg4: memref<1x1024xf32, #tpu.memory_space<vmem>>, %arg5: memref<1024x128xbf16, #tpu.memory_space<vmem>>, %arg6: memref<512x1024xf32, #tpu.memory_space<vmem>>, %arg7: memref<2048x256xf32, #tpu.memory_space<vmem>>, %arg8: memref<512x128xf32, #tpu.memory_space<vmem>>) attributes {dimension_semantics = [#tpu.dimension_semantics<arbitrary>], iteration_bounds = array<i64: 4>, scalar_prefetch = 0 : i64, scratch_operands = 0 : i64, tpu.core_type = #tpu.core_type<tc>, window_params = [{transform_indices = @transform_0, window_bounds = array<i64: 512, 1024>}, {pipeline_mode = #tpu.pipeline_mode<synchronous>, transform_indices = @transform_1, window_bounds = array<i64: 1024, 1024>}, {transform_indices = @transform_2, window_bounds = array<i64: 512, 1024>}, {pipeline_mode = #tpu.pipeline_mode<synchronous>, transform_indices = @transform_3, window_bounds = array<i64: 1, 1024>}, {pipeline_mode = #tpu.pipeline_mode<synchronous>, transform_indices = @transform_4, window_bounds = array<i64: 1024, 128>}, {transform_indices = @transform_5, window_bounds = array<i64: 512, 1024>}, {transform_indices = @transform_6, window_bounds = array<i64: 2048, 256>}, {transform_indices = @transform_7, window_bounds = array<i64: 512, 128>}]} {
    %get3A = arith.constant 0 : index
    %get3A_0 = arith.constant 0 : index
    %get3A_1 = vector.load %arg1[%get3A, %get3A_0] : memref<512x1024xbf16, #tpu.memory_space<vmem>>, vector<512x1024xbf16>
    %get3A_2 = arith.constant 0 : index
    %get3A_3 = arith.constant 0 : index
    %get3A_4 = vector.load %arg2[%get3A_2, %get3A_3] : memref<1024x1024xbf16, #tpu.memory_space<vmem>>, vector<1024x1024xbf16>
    %dot_general3A = arith.constant dense<0.000000e+00> : vector<512x1024xf32>
    %dot_general3A_5 = tpu.matmul %get3A_1, %get3A_4, %dot_general3A {dimension_numbers = #tpu.dot_dimension_numbers<[1], [0], [0], [1], [0, 0, 1, 1], [], []>, transpose_lhs_hint = false} : vector<512x1024xbf16>, vector<1024x1024xbf16>, vector<512x1024xf32> -> vector<512x1024xf32>
    %get3A_6 = arith.constant 0 : index
    %get3A_7 = arith.constant 0 : index
    %get3A_8 = vector.load %arg3[%get3A_6, %get3A_7] : memref<512x1024xf32, #tpu.memory_space<vmem>>, vector<512x1024xf32>
    %add3A = arith.addf %get3A_8, %dot_general3A_5 : vector<512x1024xf32>
    %swap3A = arith.constant 0 : index
    %swap3A_9 = arith.constant 0 : index
    %swap3A_10 = vector.load %arg6[%swap3A, %swap3A_9] : memref<512x1024xf32, #tpu.memory_space<vmem>>, vector<512x1024xf32>
    tpu.vector_store %arg6[%swap3A, %swap3A_9], %add3A {strides = array<i32>} : memref<512x1024xf32, #tpu.memory_space<vmem>>, vector<512x1024xf32>,
    %mul3A = arith.mulf %add3A, %add3A : vector<512x1024xf32>
    %reduce_sum3A = arith.constant dense<0.000000e+00> : vector<512xf32>
    %reduce_sum3A_11 = vector.multi_reduction <add>, %mul3A, %reduce_sum3A [1] : vector<512x1024xf32> to vector<512xf32>
    %broadcast_in_dim3A = vector.shape_cast %reduce_sum3A_11 : vector<512xf32> to vector<512x1xf32>
    %div3A = arith.constant 1.024000e+03 : f32
    %div3A_12 = vector.broadcast %div3A : f32 to vector<512x1xf32>
    %div3A_13 = arith.divf %broadcast_in_dim3A, %div3A_12 : vector<512x1xf32>
    %add3A_14 = arith.constant 9.99999997E-7 : f32
    %add3A_15 = vector.broadcast %add3A_14 : f32 to vector<512x1xf32>
    %add3A_16 = arith.addf %div3A_13, %add3A_15 : vector<512x1xf32>
    %rsqrt3A = math.rsqrt %add3A_16 : vector<512x1xf32>
    %mul3A_17 = vector.broadcast %rsqrt3A : vector<512x1xf32> to vector<512x1024xf32>
    %mul3A_18 = arith.mulf %add3A, %mul3A_17 : vector<512x1024xf32>
    %get3A_19 = arith.constant 0 : index
    %get3A_20 = arith.constant 0 : index
    %get3A_21 = vector.load %arg4[%get3A_19, %get3A_20] : memref<1x1024xf32, #tpu.memory_space<vmem>>, vector<1x1024xf32>
    %mul3A_22 = vector.broadcast %get3A_21 : vector<1x1024xf32> to vector<512x1024xf32>
    %mul3A_23 = arith.mulf %mul3A_18, %mul3A_22 : vector<512x1024xf32>
    %reshape3A = vector.shape_cast %mul3A_23 : vector<512x1024xf32> to vector<2048x256xf32>
    %swap3A_24 = arith.constant 0 : index
    %swap3A_25 = arith.constant 0 : index
    %swap3A_26 = vector.load %arg7[%swap3A_24, %swap3A_25] : memref<2048x256xf32, #tpu.memory_space<vmem>>, vector<2048x256xf32>
    tpu.vector_store %arg7[%swap3A_24, %swap3A_25], %reshape3A {strides = array<i32>} : memref<2048x256xf32, #tpu.memory_space<vmem>>, vector<2048x256xf32>,
    %convert_element_type3A = arith.truncf %mul3A_23 : vector<512x1024xf32> to vector<512x1024xbf16>
    %get3A_27 = arith.constant 0 : index
    %get3A_28 = arith.constant 0 : index
    %get3A_29 = vector.load %arg5[%get3A_27, %get3A_28] : memref<1024x128xbf16, #tpu.memory_space<vmem>>, vector<1024x128xbf16>
    %dot_general3A_30 = arith.constant dense<0.000000e+00> : vector<512x128xf32>
    %dot_general3A_31 = tpu.matmul %convert_element_type3A, %get3A_29, %dot_general3A_30 {dimension_numbers = #tpu.dot_dimension_numbers<[1], [0], [0], [1], [0, 0, 1, 1], [], []>, transpose_lhs_hint = false} : vector<512x1024xbf16>, vector<1024x128xbf16>, vector<512x128xf32> -> vector<512x128xf32>
    %swap3A_32 = arith.constant 0 : index
    %swap3A_33 = arith.constant 0 : index
    %swap3A_34 = vector.load %arg8[%swap3A_32, %swap3A_33] : memref<512x128xf32, #tpu.memory_space<vmem>>, vector<512x128xf32>
    tpu.vector_store %arg8[%swap3A_32, %swap3A_33], %dot_general3A_31 {strides = array<i32>} : memref<512x128xf32, #tpu.memory_space<vmem>>, vector<512x128xf32>,
    return
  }
  func.func @transform_0(%arg0: i32) -> (i32, i32) {
    %c0_i32 = arith.constant 0 : i32
    %c0_i32_0 = arith.constant 0 : i32
    return %arg0, %c0_i32 : i32, i32
  }
  func.func @transform_1(%arg0: i32) -> (i32, i32) {
    %c0_i32 = arith.constant 0 : i32
    %c0_i32_0 = arith.constant 0 : i32
    %c0_i32_1 = arith.constant 0 : i32
    return %c0_i32, %c0_i32_0 : i32, i32
  }
  func.func @transform_2(%arg0: i32) -> (i32, i32) {
    %c0_i32 = arith.constant 0 : i32
    %c0_i32_0 = arith.constant 0 : i32
    return %arg0, %c0_i32 : i32, i32
  }
  func.func @transform_3(%arg0: i32) -> (i32, i32) {
    %c0_i32 = arith.constant 0 : i32
    %c0_i32_0 = arith.constant 0 : i32
    %c0_i32_1 = arith.constant 0 : i32
    return %c0_i32, %c0_i32_0 : i32, i32
  }
  func.func @transform_4(%arg0: i32) -> (i32, i32) {
    %c0_i32 = arith.constant 0 : i32
    %c0_i32_0 = arith.constant 0 : i32
    %c0_i32_1 = arith.constant 0 : i32
    return %c0_i32, %c0_i32_0 : i32, i32
  }
  func.func @transform_5(%arg0: i32) -> (i32, i32) {
    %c0_i32 = arith.constant 0 : i32
    %c0_i32_0 = arith.constant 0 : i32
    return %arg0, %c0_i32 : i32, i32
  }
  func.func @transform_6(%arg0: i32) -> (i32, i32) {
    %c0_i32 = arith.constant 0 : i32
    %c0_i32_0 = arith.constant 0 : i32
    return %arg0, %c0_i32 : i32, i32
  }
  func.func @transform_7(%arg0: i32) -> (i32, i32) {
    %c0_i32 = arith.constant 0 : i32
    %c0_i32_0 = arith.constant 0 : i32
    return %arg0, %c0_i32 : i32, i32
  }
}

module attributes {stable_mosaic.version = 14 : i64} {
  func.func @_k4_body(%arg0: memref<2048x128xf32, #tpu.memory_space<vmem>>, %arg1: memref<2048x2xf32, #tpu.memory_space<vmem>>, %arg2: memref<4096x4xi32, #tpu.memory_space<vmem>>, %arg3: memref<128x1xi32, #tpu.memory_space<vmem>>) attributes {dimension_semantics = [], scalar_prefetch = 0 : i64, scratch_operands = 0 : i64, tpu.core_type = #tpu.core_type<tc>} {
    %iota3A = tpu.iota {dimensions = array<i32: 1>} : vector<2048x128xi32>
    %lt3A = arith.constant 8 : i32
    %lt3A_0 = vector.broadcast %lt3A : i32 to vector<2048x128xi32>
    %lt3A_1 = arith.cmpi slt, %iota3A, %lt3A_0 : vector<2048x128xi32>
    %get3A = arith.constant 0 : index
    %get3A_2 = arith.constant 0 : index
    %get3A_3 = vector.load %arg0[%get3A, %get3A_2] : memref<2048x128xf32, #tpu.memory_space<vmem>>, vector<2048x128xf32>
    %jit3A = arith.constant -1.000000e+30 : f32
    %broadcast_in_dim3A = vector.broadcast %jit3A : f32 to vector<2048x128xf32>
    %select_n3A = arith.select %lt3A_1, %get3A_3, %broadcast_in_dim3A : vector<2048x128xi1>, vector<2048x128xf32>
    %reduce_max3A = arith.constant dense<0xFF800000> : vector<2048xf32>
    %reduce_max3A_4 = vector.multi_reduction <maximumf>, %select_n3A, %reduce_max3A [1] : vector<2048x128xf32> to vector<2048xf32>
    %broadcast_in_dim3A_5 = vector.shape_cast %reduce_max3A_4 : vector<2048xf32> to vector<2048x1xf32>
    %sub3A = vector.broadcast %broadcast_in_dim3A_5 : vector<2048x1xf32> to vector<2048x128xf32>
    %sub3A_6 = arith.subf %select_n3A, %sub3A : vector<2048x128xf32>
    %exp3A = math.exp %sub3A_6 : vector<2048x128xf32>
    %reduce_sum3A = arith.constant dense<0.000000e+00> : vector<2048xf32>
    %reduce_sum3A_7 = vector.multi_reduction <add>, %exp3A, %reduce_sum3A [1] : vector<2048x128xf32> to vector<2048xf32>
    %broadcast_in_dim3A_8 = vector.shape_cast %reduce_sum3A_7 : vector<2048xf32> to vector<2048x1xf32>
    %div3A = vector.broadcast %broadcast_in_dim3A_8 : vector<2048x1xf32> to vector<2048x128xf32>
    %div3A_9 = arith.divf %exp3A, %div3A : vector<2048x128xf32>
    %reduce_max3A_10 = arith.constant dense<0xFF800000> : vector<2048xf32>
    %reduce_max3A_11 = vector.multi_reduction <maximumf>, %div3A_9, %reduce_max3A_10 [1] : vector<2048x128xf32> to vector<2048xf32>
    %broadcast_in_dim3A_12 = vector.shape_cast %reduce_max3A_11 : vector<2048xf32> to vector<2048x1xf32>
    %eq3A = vector.broadcast %broadcast_in_dim3A_12 : vector<2048x1xf32> to vector<2048x128xf32>
    %eq3A_13 = arith.cmpf oeq, %div3A_9, %eq3A : vector<2048x128xf32>
    %jit3A_14 = arith.constant 127 : i32
    %broadcast_in_dim3A_15 = vector.broadcast %jit3A_14 : i32 to vector<2048x128xi32>
    %select_n3A_16 = arith.select %eq3A_13, %iota3A, %broadcast_in_dim3A_15 : vector<2048x128xi1>, vector<2048x128xi32>
    %reduce_min3A = arith.constant dense<2147483647> : vector<2048xi32>
    %reduce_min3A_17 = vector.multi_reduction <minsi>, %select_n3A_16, %reduce_min3A [1] : vector<2048x128xi32> to vector<2048xi32>
    %broadcast_in_dim3A_18 = vector.shape_cast %reduce_min3A_17 : vector<2048xi32> to vector<2048x1xi32>
    %eq3A_19 = vector.broadcast %broadcast_in_dim3A_18 : vector<2048x1xi32> to vector<2048x128xi32>
    %eq3A_20 = arith.cmpi eq, %iota3A, %eq3A_19 : vector<2048x128xi32>
    %jit3A_21 = arith.constant -1.000000e+00 : f32
    %broadcast_in_dim3A_22 = vector.broadcast %jit3A_21 : f32 to vector<2048x128xf32>
    %select_n3A_23 = arith.select %eq3A_20, %broadcast_in_dim3A_22, %div3A_9 : vector<2048x128xi1>, vector<2048x128xf32>
    %reduce_max3A_24 = arith.constant dense<0xFF800000> : vector<2048xf32>
    %reduce_max3A_25 = vector.multi_reduction <maximumf>, %select_n3A_23, %reduce_max3A_24 [1] : vector<2048x128xf32> to vector<2048xf32>
    %broadcast_in_dim3A_26 = vector.shape_cast %reduce_max3A_25 : vector<2048xf32> to vector<2048x1xf32>
    %eq3A_27 = vector.broadcast %broadcast_in_dim3A_26 : vector<2048x1xf32> to vector<2048x128xf32>
    %eq3A_28 = arith.cmpf oeq, %select_n3A_23, %eq3A_27 : vector<2048x128xf32>
    %jit3A_29 = arith.constant 127 : i32
    %broadcast_in_dim3A_30 = vector.broadcast %jit3A_29 : i32 to vector<2048x128xi32>
    %select_n3A_31 = arith.select %eq3A_28, %iota3A, %broadcast_in_dim3A_30 : vector<2048x128xi1>, vector<2048x128xi32>
    %reduce_min3A_32 = arith.constant dense<2147483647> : vector<2048xi32>
    %reduce_min3A_33 = vector.multi_reduction <minsi>, %select_n3A_31, %reduce_min3A_32 [1] : vector<2048x128xi32> to vector<2048xi32>
    %broadcast_in_dim3A_34 = vector.shape_cast %reduce_min3A_33 : vector<2048xi32> to vector<2048x1xi32>
    %add3A = arith.addf %broadcast_in_dim3A_12, %broadcast_in_dim3A_26 : vector<2048x1xf32>
    %div3A_35 = arith.divf %broadcast_in_dim3A_12, %add3A : vector<2048x1xf32>
    %div3A_36 = arith.divf %broadcast_in_dim3A_26, %add3A : vector<2048x1xf32>
    %concatenate3A = tpu.concatenate %div3A_35, %div3A_36 in 1 : vector<2048x1xf32>, vector<2048x1xf32> -> vector<2048x2xf32>
    %swap3A = arith.constant 0 : index
    %swap3A_37 = arith.constant 0 : index
    %swap3A_38 = vector.load %arg1[%swap3A, %swap3A_37] : memref<2048x2xf32, #tpu.memory_space<vmem>>, vector<2048x2xf32>
    tpu.vector_store %arg1[%swap3A, %swap3A_37], %concatenate3A {strides = array<i32>} : memref<2048x2xf32, #tpu.memory_space<vmem>>, vector<2048x2xf32>,
    %iota3A_39 = tpu.iota {dimensions = array<i32: 1>} : vector<2048x8xi32>
    %eq3A_40 = vector.broadcast %broadcast_in_dim3A_18 : vector<2048x1xi32> to vector<2048x8xi32>
    %eq3A_41 = arith.cmpi eq, %iota3A_39, %eq3A_40 : vector<2048x8xi32>
    %convert_element_type3A = arith.extui %eq3A_41 : vector<2048x8xi1> to vector<2048x8xi32>
    %convert_element_type3A_42 = arith.sitofp %convert_element_type3A : vector<2048x8xi32> to vector<2048x8xf32>
    %eq3A_43 = vector.broadcast %broadcast_in_dim3A_34 : vector<2048x1xi32> to vector<2048x8xi32>
    %eq3A_44 = arith.cmpi eq, %iota3A_39, %eq3A_43 : vector<2048x8xi32>
    %convert_element_type3A_45 = arith.extui %eq3A_44 : vector<2048x8xi1> to vector<2048x8xi32>
    %convert_element_type3A_46 = arith.sitofp %convert_element_type3A_45 : vector<2048x8xi32> to vector<2048x8xf32>
    %concatenate3A_47 = tpu.concatenate %convert_element_type3A_42, %convert_element_type3A_46 in 0 : vector<2048x8xf32>, vector<2048x8xf32> -> vector<4096x8xf32>
    %reduce_sum3A_48 = arith.constant dense<0.000000e+00> : vector<8xf32>
    %reduce_sum3A_49 = vector.multi_reduction <add>, %concatenate3A_47, %reduce_sum3A_48 [0] : vector<4096x8xf32> to vector<8xf32>
    %broadcast_in_dim3A_50 = vector.shape_cast %reduce_sum3A_49 : vector<8xf32> to vector<1x8xf32>
    %convert_element_type3A_51 = arith.fptosi %broadcast_in_dim3A_50 : vector<1x8xf32> to vector<1x8xi32>
    %add3A_52 = arith.constant 255 : i32
    %add3A_53 = vector.broadcast %add3A_52 : i32 to vector<1x8xi32>
    %add3A_54 = arith.addi %convert_element_type3A_51, %add3A_53 : vector<1x8xi32>
    %jit3A_55 = arith.constant 256 : i32
    %div3A_56 = vector.broadcast %jit3A_55 : i32 to vector<1x8xi32>
    %div3A_57 = arith.divsi %add3A_54, %div3A_56 : vector<1x8xi32>
    %sign3A = arith.constant 0 : i32
    %sign3A_58 = vector.broadcast %sign3A : i32 to vector<1x8xi32>
    %sign3A_59 = arith.cmpi sgt, %add3A_54, %sign3A_58 : vector<1x8xi32>
    %sign3A_60 = arith.extui %sign3A_59 : vector<1x8xi1> to vector<1x8xi32>
    %sign3A_61 = arith.constant 0 : i32
    %sign3A_62 = vector.broadcast %sign3A_61 : i32 to vector<1x8xi32>
    %sign3A_63 = arith.cmpi slt, %add3A_54, %sign3A_62 : vector<1x8xi32>
    %sign3A_64 = arith.extui %sign3A_63 : vector<1x8xi1> to vector<1x8xi32>
    %sign3A_65 = arith.subi %sign3A_60, %sign3A_64 : vector<1x8xi32>
    %sign3A_66 = arith.constant 0 : i32
    %sign3A_67 = arith.cmpi sgt, %jit3A_55, %sign3A_66 : i32
    %sign3A_68 = arith.extui %sign3A_67 : i1 to i32
    %sign3A_69 = arith.constant 0 : i32
    %sign3A_70 = arith.cmpi slt, %jit3A_55, %sign3A_69 : i32
    %sign3A_71 = arith.extui %sign3A_70 : i1 to i32
    %sign3A_72 = arith.subi %sign3A_68, %sign3A_71 : i32
    %ne3A = vector.broadcast %sign3A_72 : i32 to vector<1x8xi32>
    %ne3A_73 = arith.cmpi ne, %sign3A_65, %ne3A : vector<1x8xi32>
    %rem3A = vector.broadcast %jit3A_55 : i32 to vector<1x8xi32>
    %rem3A_74 = arith.remsi %add3A_54, %rem3A : vector<1x8xi32>
    %ne3A_75 = arith.constant 0 : i32
    %ne3A_76 = vector.broadcast %ne3A_75 : i32 to vector<1x8xi32>
    %ne3A_77 = arith.cmpi ne, %rem3A_74, %ne3A_76 : vector<1x8xi32>
    %and3A = arith.andi %ne3A_73, %ne3A_77 : vector<1x8xi1>
    %sub3A_78 = arith.constant 1 : i32
    %sub3A_79 = vector.broadcast %sub3A_78 : i32 to vector<1x8xi32>
    %sub3A_80 = arith.subi %div3A_57, %sub3A_79 : vector<1x8xi32>
    %select_n3A_81 = arith.select %and3A, %sub3A_80, %div3A_57 : vector<1x8xi1>, vector<1x8xi32>
    %mul3A = arith.constant 256 : i32
    %mul3A_82 = vector.broadcast %mul3A : i32 to vector<1x8xi32>
    %mul3A_83 = arith.muli %select_n3A_81, %mul3A_82 : vector<1x8xi32>
    %iota3A_84 = tpu.iota {dimensions = array<i32: 0>} : vector<8x8xi32>
    %iota3A_85 = tpu.iota {dimensions = array<i32: 1>} : vector<8x8xi32>
    %lt3A_86 = arith.cmpi slt, %iota3A_84, %iota3A_85 : vector<8x8xi32>
    %convert_element_type3A_87 = arith.extui %lt3A_86 : vector<8x8xi1> to vector<8x8xi32>
    %convert_element_type3A_88 = arith.sitofp %convert_element_type3A_87 : vector<8x8xi32> to vector<8x8xf32>
    %convert_element_type3A_89 = arith.sitofp %mul3A_83 : vector<1x8xi32> to vector<1x8xf32>
    %dot_general3A = arith.constant dense<0.000000e+00> : vector<1x8xf32>
    %dot_general3A_90 = tpu.matmul %convert_element_type3A_89, %convert_element_type3A_88, %dot_general3A {dimension_numbers = #tpu.dot_dimension_numbers<[1], [0], [0], [1], [0, 0, 1, 1], [], []>, transpose_lhs_hint = false} : vector<1x8xf32>, vector<8x8xf32>, vector<1x8xf32> -> vector<1x8xf32>
    %broadcast_in_dim3A_91 = arith.constant 0.000000e+00 : f32
    %broadcast_in_dim3A_92 = vector.broadcast %broadcast_in_dim3A_91 : f32 to vector<1x8xf32>
    %slice3A = vector.extract_strided_slice %concatenate3A_47 {offsets = [0, 0], sizes = [4095, 8], strides = [1, 1]} : vector<4096x8xf32> to vector<4095x8xf32>
    %concatenate3A_93 = tpu.concatenate %broadcast_in_dim3A_92, %slice3A in 0 : vector<1x8xf32>, vector<4095x8xf32> -> vector<4096x8xf32>
    %add3A_94 = arith.addf %concatenate3A_47, %concatenate3A_93 : vector<4096x8xf32>
    %broadcast_in_dim3A_95 = arith.constant 0.000000e+00 : f32
    %broadcast_in_dim3A_96 = vector.broadcast %broadcast_in_dim3A_95 : f32 to vector<2x8xf32>
    %slice3A_97 = vector.extract_strided_slice %add3A_94 {offsets = [0, 0], sizes = [4094, 8], strides = [1, 1]} : vector<4096x8xf32> to vector<4094x8xf32>
    %concatenate3A_98 = tpu.concatenate %broadcast_in_dim3A_96, %slice3A_97 in 0 : vector<2x8xf32>, vector<4094x8xf32> -> vector<4096x8xf32>
    %add3A_99 = arith.addf %add3A_94, %concatenate3A_98 : vector<4096x8xf32>
    %broadcast_in_dim3A_100 = arith.constant 0.000000e+00 : f32
    %broadcast_in_dim3A_101 = vector.broadcast %broadcast_in_dim3A_100 : f32 to vector<4x8xf32>
    %slice3A_102 = vector.extract_strided_slice %add3A_99 {offsets = [0, 0], sizes = [4092, 8], strides = [1, 1]} : vector<4096x8xf32> to vector<4092x8xf32>
    %concatenate3A_103 = tpu.concatenate %broadcast_in_dim3A_101, %slice3A_102 in 0 : vector<4x8xf32>, vector<4092x8xf32> -> vector<4096x8xf32>
    %add3A_104 = arith.addf %add3A_99, %concatenate3A_103 : vector<4096x8xf32>
    %broadcast_in_dim3A_105 = arith.constant 0.000000e+00 : f32
    %broadcast_in_dim3A_106 = vector.broadcast %broadcast_in_dim3A_105 : f32 to vector<8x8xf32>
    %slice3A_107 = vector.extract_strided_slice %add3A_104 {offsets = [0, 0], sizes = [4088, 8], strides = [1, 1]} : vector<4096x8xf32> to vector<4088x8xf32>
    %concatenate3A_108 = tpu.concatenate %broadcast_in_dim3A_106, %slice3A_107 in 0 : vector<8x8xf32>, vector<4088x8xf32> -> vector<4096x8xf32>
    %add3A_109 = arith.addf %add3A_104, %concatenate3A_108 : vector<4096x8xf32>
    %broadcast_in_dim3A_110 = arith.constant 0.000000e+00 : f32
    %broadcast_in_dim3A_111 = vector.broadcast %broadcast_in_dim3A_110 : f32 to vector<16x8xf32>
    %slice3A_112 = vector.extract_strided_slice %add3A_109 {offsets = [0, 0], sizes = [4080, 8], strides = [1, 1]} : vector<4096x8xf32> to vector<4080x8xf32>
    %concatenate3A_113 = tpu.concatenate %broadcast_in_dim3A_111, %slice3A_112 in 0 : vector<16x8xf32>, vector<4080x8xf32> -> vector<4096x8xf32>
    %add3A_114 = arith.addf %add3A_109, %concatenate3A_113 : vector<4096x8xf32>
    %broadcast_in_dim3A_115 = arith.constant 0.000000e+00 : f32
    %broadcast_in_dim3A_116 = vector.broadcast %broadcast_in_dim3A_115 : f32 to vector<32x8xf32>
    %slice3A_117 = vector.extract_strided_slice %add3A_114 {offsets = [0, 0], sizes = [4064, 8], strides = [1, 1]} : vector<4096x8xf32> to vector<4064x8xf32>
    %concatenate3A_118 = tpu.concatenate %broadcast_in_dim3A_116, %slice3A_117 in 0 : vector<32x8xf32>, vector<4064x8xf32> -> vector<4096x8xf32>
    %add3A_119 = arith.addf %add3A_114, %concatenate3A_118 : vector<4096x8xf32>
    %broadcast_in_dim3A_120 = arith.constant 0.000000e+00 : f32
    %broadcast_in_dim3A_121 = vector.broadcast %broadcast_in_dim3A_120 : f32 to vector<64x8xf32>
    %slice3A_122 = vector.extract_strided_slice %add3A_119 {offsets = [0, 0], sizes = [4032, 8], strides = [1, 1]} : vector<4096x8xf32> to vector<4032x8xf32>
    %concatenate3A_123 = tpu.concatenate %broadcast_in_dim3A_121, %slice3A_122 in 0 : vector<64x8xf32>, vector<4032x8xf32> -> vector<4096x8xf32>
    %add3A_124 = arith.addf %add3A_119, %concatenate3A_123 : vector<4096x8xf32>
    %broadcast_in_dim3A_125 = arith.constant 0.000000e+00 : f32
    %broadcast_in_dim3A_126 = vector.broadcast %broadcast_in_dim3A_125 : f32 to vector<128x8xf32>
    %slice3A_127 = vector.extract_strided_slice %add3A_124 {offsets = [0, 0], sizes = [3968, 8], strides = [1, 1]} : vector<4096x8xf32> to vector<3968x8xf32>
    %concatenate3A_128 = tpu.concatenate %broadcast_in_dim3A_126, %slice3A_127 in 0 : vector<128x8xf32>, vector<3968x8xf32> -> vector<4096x8xf32>
    %add3A_129 = arith.addf %add3A_124, %concatenate3A_128 : vector<4096x8xf32>
    %broadcast_in_dim3A_130 = arith.constant 0.000000e+00 : f32
    %broadcast_in_dim3A_131 = vector.broadcast %broadcast_in_dim3A_130 : f32 to vector<256x8xf32>
    %slice3A_132 = vector.extract_strided_slice %add3A_129 {offsets = [0, 0], sizes = [3840, 8], strides = [1, 1]} : vector<4096x8xf32> to vector<3840x8xf32>
    %concatenate3A_133 = tpu.concatenate %broadcast_in_dim3A_131, %slice3A_132 in 0 : vector<256x8xf32>, vector<3840x8xf32> -> vector<4096x8xf32>
    %add3A_134 = arith.addf %add3A_129, %concatenate3A_133 : vector<4096x8xf32>
    %broadcast_in_dim3A_135 = arith.constant 0.000000e+00 : f32
    %broadcast_in_dim3A_136 = vector.broadcast %broadcast_in_dim3A_135 : f32 to vector<512x8xf32>
    %slice3A_137 = vector.extract_strided_slice %add3A_134 {offsets = [0, 0], sizes = [3584, 8], strides = [1, 1]} : vector<4096x8xf32> to vector<3584x8xf32>
    %concatenate3A_138 = tpu.concatenate %broadcast_in_dim3A_136, %slice3A_137 in 0 : vector<512x8xf32>, vector<3584x8xf32> -> vector<4096x8xf32>
    %add3A_139 = arith.addf %add3A_134, %concatenate3A_138 : vector<4096x8xf32>
    %broadcast_in_dim3A_140 = arith.constant 0.000000e+00 : f32
    %broadcast_in_dim3A_141 = vector.broadcast %broadcast_in_dim3A_140 : f32 to vector<1024x8xf32>
    %slice3A_142 = vector.extract_strided_slice %add3A_139 {offsets = [0, 0], sizes = [3072, 8], strides = [1, 1]} : vector<4096x8xf32> to vector<3072x8xf32>
    %concatenate3A_143 = tpu.concatenate %broadcast_in_dim3A_141, %slice3A_142 in 0 : vector<1024x8xf32>, vector<3072x8xf32> -> vector<4096x8xf32>
    %add3A_144 = arith.addf %add3A_139, %concatenate3A_143 : vector<4096x8xf32>
    %broadcast_in_dim3A_145 = arith.constant 0.000000e+00 : f32
    %broadcast_in_dim3A_146 = vector.broadcast %broadcast_in_dim3A_145 : f32 to vector<2048x8xf32>
    %slice3A_147 = vector.extract_strided_slice %add3A_144 {offsets = [0, 0], sizes = [2048, 8], strides = [1, 1]} : vector<4096x8xf32> to vector<2048x8xf32>
    %concatenate3A_148 = tpu.concatenate %broadcast_in_dim3A_146, %slice3A_147 in 0 : vector<2048x8xf32>, vector<2048x8xf32> -> vector<4096x8xf32>
    %add3A_149 = arith.addf %add3A_144, %concatenate3A_148 : vector<4096x8xf32>
    %sub3A_150 = arith.subf %add3A_149, %concatenate3A_47 : vector<4096x8xf32>
    %add3A_151 = vector.broadcast %dot_general3A_90 : vector<1x8xf32> to vector<4096x8xf32>
    %add3A_152 = arith.addf %sub3A_150, %add3A_151 : vector<4096x8xf32>
    %mul3A_153 = arith.mulf %concatenate3A_47, %add3A_152 : vector<4096x8xf32>
    %reduce_sum3A_154 = arith.constant dense<0.000000e+00> : vector<4096xf32>
    %reduce_sum3A_155 = vector.multi_reduction <add>, %mul3A_153, %reduce_sum3A_154 [1] : vector<4096x8xf32> to vector<4096xf32>
    %broadcast_in_dim3A_156 = vector.shape_cast %reduce_sum3A_155 : vector<4096xf32> to vector<4096x1xf32>
    %convert_element_type3A_157 = arith.fptosi %broadcast_in_dim3A_156 : vector<4096x1xf32> to vector<4096x1xi32>
    %mul3A_158 = arith.constant 4 : i32
    %mul3A_159 = vector.broadcast %mul3A_158 : i32 to vector<4096x1xi32>
    %mul3A_160 = arith.muli %mul3A_159, %convert_element_type3A_157 : vector<4096x1xi32>
    %add3A_161 = arith.constant 1 : i32
    %add3A_162 = vector.broadcast %add3A_161 : i32 to vector<4096x1xi32>
    %add3A_163 = arith.addi %mul3A_160, %add3A_162 : vector<4096x1xi32>
    %add3A_164 = arith.constant 2 : i32
    %add3A_165 = vector.broadcast %add3A_164 : i32 to vector<4096x1xi32>
    %add3A_166 = arith.addi %mul3A_160, %add3A_165 : vector<4096x1xi32>
    %add3A_167 = arith.constant 3 : i32
    %add3A_168 = vector.broadcast %add3A_167 : i32 to vector<4096x1xi32>
    %add3A_169 = arith.addi %mul3A_160, %add3A_168 : vector<4096x1xi32>
    %concatenate3A_170 = tpu.concatenate %mul3A_160, %add3A_163, %add3A_166, %add3A_169 in 1 : vector<4096x1xi32>, vector<4096x1xi32>, vector<4096x1xi32>, vector<4096x1xi32> -> vector<4096x4xi32>
    %swap3A_171 = arith.constant 0 : index
    %swap3A_172 = arith.constant 0 : index
    %swap3A_173 = vector.load %arg2[%swap3A_171, %swap3A_172] : memref<4096x4xi32, #tpu.memory_space<vmem>>, vector<4096x4xi32>
    tpu.vector_store %arg2[%swap3A_171, %swap3A_172], %concatenate3A_170 {strides = array<i32>} : memref<4096x4xi32, #tpu.memory_space<vmem>>, vector<4096x4xi32>,
    %convert_element_type3A_174 = arith.sitofp %mul3A_83 : vector<1x8xi32> to vector<1x8xf32>
    %reduce_sum3A_175 = vector.shape_cast %convert_element_type3A_174 : vector<1x8xf32> to vector<1x1x8xf32>
    %reduce_sum3A_176 = arith.constant dense<0.000000e+00> : vector<1xf32>
    %reduce_sum3A_177 = vector.multi_reduction <add>, %reduce_sum3A_175, %reduce_sum3A_176 [1, 2] : vector<1x1x8xf32> to vector<1xf32>
    %reduce_sum3A_178 = vector.shape_cast %reduce_sum3A_177 : vector<1xf32> to vector<1x1x1xf32>
    %reduce_sum3A_179 = vector.extract %reduce_sum3A_178[0, 0, 0] : f32 from vector<1x1x1xf32>
    %mul3A_180 = arith.constant 3.906250e-03 : f32
    %mul3A_181 = arith.mulf %reduce_sum3A_179, %mul3A_180 : f32
    %iota3A_182 = tpu.iota {dimensions = array<i32: 0>} : vector<128x8xi32>
    %mul3A_183 = arith.constant 3.906250e-03 : f32
    %mul3A_184 = vector.broadcast %mul3A_183 : f32 to vector<1x8xf32>
    %mul3A_185 = arith.mulf %dot_general3A_90, %mul3A_184 : vector<1x8xf32>
    %broadcast_in_dim3A_186 = vector.shape_cast %mul3A_185 : vector<1x8xf32> to vector<1x8xf32>
    %broadcast_in_dim3A_187 = vector.broadcast %broadcast_in_dim3A_186 : vector<1x8xf32> to vector<128x8xf32>
    %convert_element_type3A_188 = arith.sitofp %iota3A_182 : vector<128x8xi32> to vector<128x8xf32>
    %ge3A = arith.cmpf oge, %convert_element_type3A_188, %broadcast_in_dim3A_187 : vector<128x8xf32>
    %convert_element_type3A_189 = arith.extui %ge3A : vector<128x8xi1> to vector<128x8xi32>
    %convert_element_type3A_190 = arith.sitofp %convert_element_type3A_189 : vector<128x8xi32> to vector<128x8xf32>
    %reduce_sum3A_191 = arith.constant dense<0.000000e+00> : vector<128xf32>
    %reduce_sum3A_192 = vector.multi_reduction <add>, %convert_element_type3A_190, %reduce_sum3A_191 [1] : vector<128x8xf32> to vector<128xf32>
    %broadcast_in_dim3A_193 = vector.shape_cast %reduce_sum3A_192 : vector<128xf32> to vector<128x1xf32>
    %sub3A_194 = arith.constant 1.000000e+00 : f32
    %sub3A_195 = vector.broadcast %sub3A_194 : f32 to vector<128x1xf32>
    %sub3A_196 = arith.subf %broadcast_in_dim3A_193, %sub3A_195 : vector<128x1xf32>
    %iota3A_197 = tpu.iota {dimensions = array<i32: 0>} : vector<128x1xi32>
    %convert_element_type3A_198 = arith.sitofp %iota3A_197 : vector<128x1xi32> to vector<128x1xf32>
    %lt3A_199 = vector.broadcast %mul3A_181 : f32 to vector<128x1xf32>
    %lt3A_200 = arith.cmpf olt, %convert_element_type3A_198, %lt3A_199 : vector<128x1xf32>
    %jit3A_201 = arith.constant -1.000000e+00 : f32
    %broadcast_in_dim3A_202 = vector.broadcast %jit3A_201 : f32 to vector<128x1xf32>
    %select_n3A_203 = arith.select %lt3A_200, %sub3A_196, %broadcast_in_dim3A_202 : vector<128x1xi1>, vector<128x1xf32>
    %convert_element_type3A_204 = arith.fptosi %select_n3A_203 : vector<128x1xf32> to vector<128x1xi32>
    %swap3A_205 = arith.constant 0 : index
    %swap3A_206 = arith.constant 0 : index
    %swap3A_207 = vector.load %arg3[%swap3A_205, %swap3A_206] : memref<128x1xi32, #tpu.memory_space<vmem>>, vector<128x1xi32>
    tpu.vector_store %arg3[%swap3A_205, %swap3A_206], %convert_element_type3A_204 {strides = array<i32>} : memref<128x1xi32, #tpu.memory_space<vmem>>, vector<128x1xi32>,
    return
  }
}

module attributes {stable_mosaic.version = 14 : i64} {
  func.func @_k6_body(%arg0: i32, %arg1: memref<24xi32, #tpu.memory_space<smem>>, %arg2: memref<1024x256xf32, #tpu.memory_space<vmem>>, %arg3: memref<1x1024x1024xbf16, #tpu.memory_space<vmem>>, %arg4: memref<1x512x1024xbf16, #tpu.memory_space<vmem>>, %arg5: memref<1024x256xf32, #tpu.memory_space<vmem>>) attributes {dimension_semantics = [#tpu.dimension_semantics<arbitrary>], iteration_bounds = array<i64: 24>, scalar_prefetch = 1 : i64, scratch_operands = 0 : i64, tpu.core_type = #tpu.core_type<tc>, window_params = [{transform_indices = @transform_0, window_bounds = array<i64: 1024, 256>}, {transform_indices = @transform_1, window_bounds = array<i64: 1, 1024, 1024>}, {transform_indices = @transform_2, window_bounds = array<i64: 1, 512, 1024>}, {transform_indices = @transform_3, window_bounds = array<i64: 1024, 256>}]} {
    %get3A = arith.index_cast %arg0 : i32 to index
    %get3A_0 = memref.load %arg1[%get3A] : memref<24xi32, #tpu.memory_space<smem>>
    %ge3A = arith.constant 0 : i32
    %ge3A_1 = arith.cmpi sge, %get3A_0, %ge3A : i32
    %convert_element_type3A = arith.extui %ge3A_1 : i1 to i32
    %cond3A = arith.constant 0 : i32
    %cond3A_2 = arith.cmpi ne, %convert_element_type3A, %cond3A : i32
    scf.if %cond3A_2 {
      %get3A_3 = arith.constant 0 : index
      %get3A_4 = arith.constant 0 : index
      %get3A_5 = vector.load %arg2[%get3A_3, %get3A_4] : memref<1024x256xf32, #tpu.memory_space<vmem>>, vector<1024x256xf32>
      %reshape3A = vector.shape_cast %get3A_5 : vector<1024x256xf32> to vector<256x1024xf32>
      %convert_element_type3A_6 = arith.truncf %reshape3A : vector<256x1024xf32> to vector<256x1024xbf16>
      %get3A_7 = arith.constant 0 : index
      %get3A_8 = arith.constant 0 : index
      %get3A_9 = arith.constant 0 : index
      %get3A_10 = vector.load %arg3[%get3A_7, %get3A_8, %get3A_9] : memref<1x1024x1024xbf16, #tpu.memory_space<vmem>>, vector<1x1024x1024xbf16>
      %get3A_11 = vector.shape_cast %get3A_10 : vector<1x1024x1024xbf16> to vector<1024x1024xbf16>
      %dot_general3A = arith.constant dense<0.000000e+00> : vector<256x1024xf32>
      %dot_general3A_12 = tpu.matmul %convert_element_type3A_6, %get3A_11, %dot_general3A {dimension_numbers = #tpu.dot_dimension_numbers<[1], [0], [0], [1], [0, 0, 1, 1], [], []>, transpose_lhs_hint = false} : vector<256x1024xbf16>, vector<1024x1024xbf16>, vector<256x1024xf32> -> vector<256x1024xf32>
      %slice3A = vector.extract_strided_slice %dot_general3A_12 {offsets = [0, 0], sizes = [256, 512], strides = [1, 1]} : vector<256x1024xf32> to vector<256x512xf32>
      %slice3A_13 = vector.extract_strided_slice %dot_general3A_12 {offsets = [0, 512], sizes = [256, 512], strides = [1, 1]} : vector<256x1024xf32> to vector<256x512xf32>
      %logistic3A = arith.negf %slice3A : vector<256x512xf32>
      %logistic3A_14 = math.exp %logistic3A : vector<256x512xf32>
      %logistic3A_15 = arith.constant 1.000000e+00 : f32
      %logistic3A_16 = vector.broadcast %logistic3A_15 : f32 to vector<256x512xf32>
      %logistic3A_17 = arith.addf %logistic3A_16, %logistic3A_14 : vector<256x512xf32>
      %logistic3A_18 = arith.divf %logistic3A_16, %logistic3A_17 : vector<256x512xf32>
      %mul3A = arith.mulf %slice3A, %logistic3A_18 : vector<256x512xf32>
      %mul3A_19 = arith.mulf %mul3A, %slice3A_13 : vector<256x512xf32>
      %convert_element_type3A_20 = arith.truncf %mul3A_19 : vector<256x512xf32> to vector<256x512xbf16>
      %get3A_21 = arith.constant 0 : index
      %get3A_22 = arith.constant 0 : index
      %get3A_23 = arith.constant 0 : index
      %get3A_24 = vector.load %arg4[%get3A_21, %get3A_22, %get3A_23] : memref<1x512x1024xbf16, #tpu.memory_space<vmem>>, vector<1x512x1024xbf16>
      %get3A_25 = vector.shape_cast %get3A_24 : vector<1x512x1024xbf16> to vector<512x1024xbf16>
      %dot_general3A_26 = arith.constant dense<0.000000e+00> : vector<256x1024xf32>
      %dot_general3A_27 = tpu.matmul %convert_element_type3A_20, %get3A_25, %dot_general3A_26 {dimension_numbers = #tpu.dot_dimension_numbers<[1], [0], [0], [1], [0, 0, 1, 1], [], []>, transpose_lhs_hint = false} : vector<256x512xbf16>, vector<512x1024xbf16>, vector<256x1024xf32> -> vector<256x1024xf32>
      %reshape3A_28 = vector.shape_cast %dot_general3A_27 : vector<256x1024xf32> to vector<1024x256xf32>
      %swap3A = arith.constant 0 : index
      %swap3A_29 = arith.constant 0 : index
      %swap3A_30 = vector.load %arg5[%swap3A, %swap3A_29] : memref<1024x256xf32, #tpu.memory_space<vmem>>, vector<1024x256xf32>
      tpu.vector_store %arg5[%swap3A, %swap3A_29], %reshape3A_28 {strides = array<i32>} : memref<1024x256xf32, #tpu.memory_space<vmem>>, vector<1024x256xf32>,
    } else {
    }
    return
  }
  func.func @transform_0(%arg0: i32, %arg1: memref<24xi32, #tpu.memory_space<smem>>) -> (i32, i32) {
    %c0_i32 = arith.constant 0 : i32
    %c0_i32_0 = arith.constant 0 : i32
    return %arg0, %c0_i32 : i32, i32
  }
  func.func @transform_1(%arg0: i32, %arg1: memref<24xi32, #tpu.memory_space<smem>>) -> (i32, i32, i32) {
    %get3A = arith.index_cast %arg0 : i32 to index
    %get3A_0 = memref.load %arg1[%get3A] : memref<24xi32, #tpu.memory_space<smem>>
    %max3A = arith.constant 0 : i32
    %max3A_1 = arith.maxsi %get3A_0, %max3A : i32
    %c0_i32 = arith.constant 0 : i32
    %c0_i32_2 = arith.constant 0 : i32
    %c0_i32_3 = arith.constant 0 : i32
    return %max3A_1, %c0_i32, %c0_i32_2 : i32, i32, i32
  }
  func.func @transform_2(%arg0: i32, %arg1: memref<24xi32, #tpu.memory_space<smem>>) -> (i32, i32, i32) {
    %get3A = arith.index_cast %arg0 : i32 to index
    %get3A_0 = memref.load %arg1[%get3A] : memref<24xi32, #tpu.memory_space<smem>>
    %max3A = arith.constant 0 : i32
    %max3A_1 = arith.maxsi %get3A_0, %max3A : i32
    %c0_i32 = arith.constant 0 : i32
    %c0_i32_2 = arith.constant 0 : i32
    %c0_i32_3 = arith.constant 0 : i32
    return %max3A_1, %c0_i32, %c0_i32_2 : i32, i32, i32
  }
  func.func @transform_3(%arg0: i32, %arg1: memref<24xi32, #tpu.memory_space<smem>>) -> (i32, i32) {
    %c0_i32 = arith.constant 0 : i32
    %c0_i32_0 = arith.constant 0 : i32
    return %arg0, %c0_i32 : i32, i32
  }
}

module attributes {stable_mosaic.version = 14 : i64} {
  func.func @_k8_body(%arg0: i32, %arg1: memref<512x1024xf32, #tpu.memory_space<vmem>>, %arg2: memref<2048x256xf32, #tpu.memory_space<vmem>>, %arg3: memref<2048x256xf32, #tpu.memory_space<vmem>>, %arg4: memref<512x2xf32, #tpu.memory_space<vmem>>, %arg5: memref<512x1024xf32, #tpu.memory_space<vmem>>) attributes {dimension_semantics = [#tpu.dimension_semantics<arbitrary>], iteration_bounds = array<i64: 4>, scalar_prefetch = 0 : i64, scratch_operands = 0 : i64, tpu.core_type = #tpu.core_type<tc>, window_params = [{transform_indices = @transform_0, window_bounds = array<i64: 512, 1024>}, {transform_indices = @transform_1, window_bounds = array<i64: 2048, 256>}, {transform_indices = @transform_2, window_bounds = array<i64: 2048, 256>}, {transform_indices = @transform_3, window_bounds = array<i64: 512, 2>}, {transform_indices = @transform_4, window_bounds = array<i64: 512, 1024>}]} {
    %get3A = arith.constant 0 : index
    %get3A_0 = arith.constant 0 : index
    %get3A_1 = vector.load %arg4[%get3A, %get3A_0] : memref<512x2xf32, #tpu.memory_space<vmem>>, vector<512x1xf32>
    %get3A_2 = arith.constant 0 : index
    %get3A_3 = arith.constant 1 : index
    %get3A_4 = vector.load %arg4[%get3A_2, %get3A_3] : memref<512x2xf32, #tpu.memory_space<vmem>>, vector<512x1xf32>
    %get3A_5 = arith.constant 0 : index
    %get3A_6 = arith.constant 0 : index
    %get3A_7 = vector.load %arg2[%get3A_5, %get3A_6] : memref<2048x256xf32, #tpu.memory_space<vmem>>, vector<2048x256xf32>
    %reshape3A = vector.shape_cast %get3A_7 : vector<2048x256xf32> to vector<512x1024xf32>
    %get3A_8 = arith.constant 0 : index
    %get3A_9 = arith.constant 0 : index
    %get3A_10 = vector.load %arg3[%get3A_8, %get3A_9] : memref<2048x256xf32, #tpu.memory_space<vmem>>, vector<2048x256xf32>
    %reshape3A_11 = vector.shape_cast %get3A_10 : vector<2048x256xf32> to vector<512x1024xf32>
    %get3A_12 = arith.constant 0 : index
    %get3A_13 = arith.constant 0 : index
    %get3A_14 = vector.load %arg1[%get3A_12, %get3A_13] : memref<512x1024xf32, #tpu.memory_space<vmem>>, vector<512x1024xf32>
    %mul3A = vector.broadcast %get3A_1 : vector<512x1xf32> to vector<512x1024xf32>
    %mul3A_15 = arith.mulf %mul3A, %reshape3A : vector<512x1024xf32>
    %add3A = arith.addf %get3A_14, %mul3A_15 : vector<512x1024xf32>
    %mul3A_16 = vector.broadcast %get3A_4 : vector<512x1xf32> to vector<512x1024xf32>
    %mul3A_17 = arith.mulf %mul3A_16, %reshape3A_11 : vector<512x1024xf32>
    %add3A_18 = arith.addf %add3A, %mul3A_17 : vector<512x1024xf32>
    %swap3A = arith.constant 0 : index
    %swap3A_19 = arith.constant 0 : index
    %swap3A_20 = vector.load %arg5[%swap3A, %swap3A_19] : memref<512x1024xf32, #tpu.memory_space<vmem>>, vector<512x1024xf32>
    tpu.vector_store %arg5[%swap3A, %swap3A_19], %add3A_18 {strides = array<i32>} : memref<512x1024xf32, #tpu.memory_space<vmem>>, vector<512x1024xf32>,
    return
  }
  func.func @transform_0(%arg0: i32) -> (i32, i32) {
    %c0_i32 = arith.constant 0 : i32
    %c0_i32_0 = arith.constant 0 : i32
    return %arg0, %c0_i32 : i32, i32
  }
  func.func @transform_1(%arg0: i32) -> (i32, i32) {
    %c0_i32 = arith.constant 0 : i32
    %c0_i32_0 = arith.constant 0 : i32
    return %arg0, %c0_i32 : i32, i32
  }
  func.func @transform_2(%arg0: i32) -> (i32, i32) {
    %add3A = arith.constant 4 : i32
    %add3A_0 = arith.addi %add3A, %arg0 : i32
    %c0_i32 = arith.constant 0 : i32
    %c0_i32_1 = arith.constant 0 : i32
    return %add3A_0, %c0_i32 : i32, i32
  }
  func.func @transform_3(%arg0: i32) -> (i32, i32) {
    %c0_i32 = arith.constant 0 : i32
    %c0_i32_0 = arith.constant 0 : i32
    return %arg0, %c0_i32 : i32, i32
  }
  func.func @transform_4(%arg0: i32) -> (i32, i32) {
    %c0_i32 = arith.constant 0 : i32
    %c0_i32_0 = arith.constant 0 : i32
    return %arg0, %c0_i32 : i32, i32
  }
}

</mosaic_0001>

<sc_bundles>
// kernel: kernel.13.cloned.1.call-start
scs
__scs_entry_jumppad:
0x0: {  	(pc) =	sbr.rel $0x88, $3  }
0x1: {  	(tag) =	ssettag $0x0;
	lr =	simm.s32 $0x1  }
0x2: {  	[smem:$0x3F97] =	sst lr;
	_ =	strace $0xD0000000  }
0x3: {  	_ = 	snop  }
0x4: {  	_ = 	snop  }
0x5: {  	_ = 	snop  }
0x6: {  	_ = 	snop  }
0x7: {  	_ = 	snop  }
__scs_overlays_trampoline_lowered:
0x8: {  	[smem:$0x3FA6] =	sst s0  }
0x9: {  	[smem:$0x3FA7] =	sst s1  }
0xa: {  	[smem:$0x3FA8] =	sst s2  }
0xb: {  	[smem:$0x3FA9] =	sst s3  }
0xc: {  	[smem:$0x3FAA] =	sst s4  }
0xd: {  	[smem:$0x3FAB] =	sst s5  }
0xe: {  	[smem:$0x3FAC] =	sst s6  }
0xf: {  	[smem:$0x3FAD] =	sst s7  }
0x10: {  	[smem:$0x3FAE] =	sst s8  }
0x11: {  	[smem:$0x3FAF] =	sst s9;
	s0 =	simm.s32 @!p0 $0x0  }
0x12: {  	s1 =	sld [smem:$0x3F95];
	s0 =	simm.s32 @p0 $0x1  }
0x13: {  	[smem:$0x3FB0] =	sst s0;
	s0 =	simm.s32 @!p1 $0x0  }
0x14: {  	s2 =	sld [smem:$0x3F94];
	s0 =	simm.s32 @p1 $0x1  }
0x15: {  	[smem:$0x3FB1] =	sst s0;
	s0 =	simm.s32 @!p2 $0x0  }
0x16: {  	s3 =	sld [smem:$0x3FDB];
	s0 =	simm.s32 @p2 $0x1  }
0x17: {  	s4 =	simm.s32 $0x1BF5;
	[smem:$0x3FB3] =	sst s0  }
0x18: {  	s0 =	sld [smem:$0x3F96];
	_ =	swait.ge [sflag:s4], $0x0  }
0x19: {  	s7 =	sld [smem:$0x3F97]  }
0x1a: {  	s8 =	sadd.s32 $0xFFFFE003, lr  }
0x1b: {  	s9 =	sadd.s32 $0xFFFFFEF7, lr;
	s5 =	simm.s32 $0xFFFFFFFF;
	p2 =	slt.u32 s8, $0xFFFFF086  }
0x1c: {  	p1 =	slt.u32 s9, $0xF7A;
	s5 =	simm.s32 @!p2 $0x0  }
0x1d: {  	s5 =	simm.s32 @p1 $0x1;
	p0 =	seq.s32 s7, s2  }
0x1e: {  	s7 =	smul.u32 @!p0 $0xF7A, s2;
	p2 =	seq.s32 @!p0 s5, $0x0  }
0x1f: {  	s9 =	smul.u32 $0xF7A, s1;
	s8 =	simm.s32 @!p0 $0x1BF5;
	p2 =	por !p2, p0  }
0x20: {  	[sflag:s8] =	ssyncset.s32 @!p0 $0xFFFFF086;
	s6 =	sadd.s32 @!p0 s3, s7;
	s7 =	simm.s32 @!p0 $0x108  }
0x21: {  	s3 =	sadd.s32 s3, s9;
	s6 =	sadd.s32 @!p0 $0x88, s6;
	s7 =	simm.s32 @p2 $0x1082  }
0x22: {  	[simem:s7], [sflag:s8] =	dma.local @!p0 [hbm:s6], $0xF7A  }
0x23: {  	s9 =	sor.u32 $0xD0000000, s2;
	s6 =	simm.s32 $0x108;
	_ =	swait.ge @!p0 [sflag:s8], $0x0  }
0x24: {  	s3 =	sadd.s32 $0x88, s3;
	s6 =	simm.s32 @!p1 $0x1082;
	[sflag:s4] =	ssyncset.s32 $0xFFFFF086  }
0x25: {  	[simem:s6], [sflag:s4] =	dma.local [hbm:s3], $0xF7A  }
0x26: {  	[smem:$0x3F97] =	sst s1;
	(tag) =	ssettag s2;
	_ =	strace s9  }
0x27: {  	s1 =	sld [smem:$0x3FA7]  }
0x28: {  	s2 =	sld [smem:$0x3FA8]  }
0x29: {  	s4 =	sld [smem:$0x3FAA]  }
0x2a: {  	p0 =	seq.s32 s5, $0x0;
	s5 =	sld [smem:$0x3FAB]  }
0x2b: {  	s6 =	sld [smem:$0x3FAC]  }
0x2c: {  	s7 =	sld [smem:$0x3FAD]  }
0x2d: {  	s3 =	simm.s32 $0x108;
	s8 =	sld [smem:$0x3FAE]  }
0x2e: {  	s3 =	simm.s32 @!p0 $0x1082;
	s9 =	sld [smem:$0x3FAF]  }
0x2f: {  	lr =	sadd.s32 s0, s3;
	s0 =	sld [smem:$0x3FA6]  }
0x30: {  	s3 =	sld [smem:$0x3FA9]  }
0x31: {  	[smem:$0x3FB2] =	sst s10  }
0x32: {  	s10 =	sld [smem:$0x3FB0];
	_ =	sdelay $0x3  }
0x33: {  	p0 =	seq.s32 s10, $0x1;
	s10 =	sld [smem:$0x3FB2];
	_ =	sdelay $0x3  }
0x34: {  	[smem:$0x3FB2] =	sst s10  }
0x35: {  	s10 =	sld [smem:$0x3FB1];
	_ =	sdelay $0x3  }
0x36: {  	p1 =	seq.s32 s10, $0x1;
	s10 =	sld [smem:$0x3FB2];
	_ =	sdelay $0x3  }
0x37: {  	[smem:$0x3FB2] =	sst s10  }
0x38: {  	s10 =	sld [smem:$0x3FB3]  }
0x39: {  	_ = 	snop;
	(pc) =	sbr.ind lr, $3  }
0x3a: {  	_ = 	snop  }
0x3b: {  	_ = 	snop  }
0x3c: {  	p2 =	seq.s32 s10, $0x1;
	s10 =	sld [smem:$0x3FB2]  }
0x3d: {  	_ =	shalt  }
0x3e: {  	_ =	shalt  }
0x3f: {  	_ =	shalt  }
0x40: {  	_ =	shalt  }
0x41: {  	_ =	shalt  }
0x42: {  	_ =	shalt  }
0x43: {  	_ =	shalt  }
0x44: {  	_ =	shalt  }
0x45: {  	_ =	shalt  }
0x46: {  	_ =	shalt  }
0x47: {  	_ =	shalt  }
0x48: {  	_ =	shalt  }
0x49: {  	_ =	shalt  }
0x4a: {  	_ =	shalt  }
0x4b: {  	_ =	shalt  }
0x4c: {  	_ =	shalt  }
0x4d: {  	_ =	shalt  }
0x4e: {  	_ =	shalt  }
0x4f: {  	_ =	shalt  }
0x50: {  	_ =	shalt  }
0x51: {  	_ =	shalt  }
0x52: {  	_ =	shalt  }
0x53: {  	_ =	shalt  }
0x54: {  	_ =	shalt  }
0x55: {  	_ =	shalt  }
0x56: {  	_ =	shalt  }
0x57: {  	_ =	shalt  }
0x58: {  	_ =	shalt  }
0x59: {  	_ =	shalt  }
0x5a: {  	_ =	shalt  }
0x5b: {  	_ =	shalt  }
0x5c: {  	_ =	shalt  }
0x5d: {  	_ =	shalt  }
0x5e: {  	_ =	shalt  }
0x5f: {  	_ =	shalt  }
0x60: {  	_ =	shalt  }
0x61: {  	_ =	shalt  }
0x62: {  	_ =	shalt  }
0x63: {  	_ =	shalt  }
0x64: {  	_ =	shalt  }
0x65: {  	_ =	shalt  }
0x66: {  	_ =	shalt  }
0x67: {  	_ =	shalt  }
0x68: {  	_ =	shalt  }
0x69: {  	_ =	shalt  }
0x6a: {  	_ =	shalt  }
0x6b: {  	_ =	shalt  }
0x6c: {  	_ =	shalt  }
0x6d: {  	_ =	shalt  }
0x6e: {  	_ =	shalt  }
0x6f: {  	_ =	shalt  }
0x70: {  	_ =	shalt  }
0x71: {  	_ =	shalt  }
0x72: {  	_ =	shalt  }
0x73: {  	_ =	shalt  }
0x74: {  	_ =	shalt  }
0x75: {  	_ =	shalt  }
0x76: {  	_ =	shalt  }
0x77: {  	_ =	shalt  }
0x78: {  	_ =	shalt  }
0x79: {  	_ =	shalt  }
0x7a: {  	_ =	shalt  }
0x7b: {  	_ =	shalt  }
0x7c: {  	_ =	shalt  }
0x7d: {  	_ =	shalt  }
0x7e: {  	_ =	shalt  }
0x7f: {  	_ =	shalt  }
0x80: {  	_ =	shalt  }
0x81: {  	_ =	shalt  }
0x82: {  	_ =	shalt  }
0x83: {  	_ =	shalt  }
0x84: {  	_ =	shalt  }
0x85: {  	_ =	shalt  }
0x86: {  	_ =	shalt  }
0x87: {  	_ =	shalt  }
.Lfunc_end0:
.L_simem_size_0:
called_computation_lowered:
.L_overlay_start_0:
0x88: {  	s2 =	sld [smem:$0x3FD9]  }
0x89: {  	s3 =	sld [smem:$0x3FFE];
	_ =	sdelay $0x1  }
0x8a: {  	s1 =	srdreg.scid  }
0x8b: {  	s0 =	sand.u32 $0x1, s1  }
0x8c: {  	s17 =	sshll.u32 s0, $0xA;
	s2 =	sadd.s32 s3, s2  }
0x8d: {  	s2 =	sadd.s32 s2, s17  }
0x8e: {  	[smem:$0x3FBE] =	sst s2  }
0x8f: {  	_ = 	snop  }
0x90: {  	s2 =	sld [smem:$0x3FD0];
	(tm) =	ssettm $0x1  }
0x91: {  	s18 =	sld [smem:$0x3FFB];
	_ =	sdelay $0x3  }
0x92: {  	_ =	strace s18  }
0x93: {  	s3 =	sld [smem:$0x3FFC];
	_ =	sdelay $0x3  }
0x94: {  	_ =	strace s3  }
0x95: {  	s3 =	sld [smem:$0x3FFD];
	_ =	sdelay $0x3  }
0x96: {  	_ =	strace s3  }
0x97: {  	_ =	strace $0x8FFFFFFF  }
0x98: {  	s19 =	sld [smem:$0x3FDB];
	_ =	sdelay $0x1  }
0x99: {  	s4 =	simm.s32 $_scs_section_size  }
0x9a: {  	s5 =	simm.s32 $_size__tile_overlayer_lowered;
	s6 =	simm.s32 $_tile_overlayer_lowered  }
0x9b: {  	s22 =	simm.s32 $0x1BFF;
	s21 =	sshll.u32 s6, $0x1;
	s3 =	sadd.s32 s4, s19  }
0x9c: {  	s7 =	simm.s32 $0x0;
	s20 =	sshll.u32 s5, $0x1;
	s5 =	sadd.s32 s21, s3  }
0x9d: {  	[timem:s7], [sflag:s22] =	dma.local [hbm:s5], s20  }
0x9e: {  	_ =	swait.ge [sflag:s22], s20  }
0x9f: {  	s4 =	ssub.s32 $0x0, s20;
	[sflag:s22] =	ssyncset.done $0x0  }
0xa0: {  	[sflag:s22] =	ssyncadd.s32 s4;
	_ =	sdelay $0x1  }
0xa1: {  	s23 =	simm.s32 $0x1B8B  }
0xa2: {  	_ =	swait.ge [sflag:s23], $0x1  }
0xa3: {  	[sflag:s23] =	ssyncset.done $0x0  }
0xa4: {  	s25 =	simm.s32 $0x1B8E;
	s24 =	sld [smem:$0x3FFE];
	[sflag:s23] =	ssyncadd.s32 $0xFFFFFFFF  }
0xa5: {  	s26 =	simm.s32 $execute0_lowered;
	[smem:$0x3FD2] =	sst s25  }
0xa6: {  	s5 =	sshll.u32 s26, $0x1;
	_ =	strace $0x80000046;
	[dreg:$0x1] =	wrdreg $0xFFFFFFFF  }
0xa7: {  	s28 =	simm.s32 $_size_execute0_lowered;
	s3 =	sadd.s32 s3, s5;
	[dreg:$0x0] =	wrdreg $0x0  }
0xa8: {  	s5 =	sshll.u32 s28, $0x1;
	[dreg:$0x2] =	wrdreg s3  }
0xa9: {  	[dreg:$0x3] =	wrdreg s5  }
0xaa: {  	[dreg:$0x4] =	wrdreg $0xC0  }
0xab: {  	_ =	task [dreg:s7], $0x5FFFF  }
0xac: {  	[dreg:$0x1] =	wrdreg $0xFFFFFFFF  }
0xad: {  	[dreg:$0x0] =	wrdreg $0x60  }
0xae: {  	[dreg:$0x2] =	wrdreg s2  }
0xaf: {  	[dreg:$0x3] =	wrdreg s24  }
0xb0: {  	[dreg:$0x4] =	wrdreg $0x9  }
0xb1: {  	_ =	task.clear_ibuf [dreg:s7], $0x5FFFF;
	_ =	strace $0x90000046  }
0xb2: {  	s29 =	simm.s32 $0x9;
	_ =	strace $0x8000004E  }
0xb3: {  	_ =	swait.ge [sflag:s29], $0x1  }
0xb4: {  	[sflag:s29] =	ssyncadd.s32 $0xFFFFFFFF  }
0xb5: {  	_ =	strace $0x9000004E  }
0xb6: {  	_ =	sfence  }
0xb7: {  	s30 =	sld [smem:$0x0];
	_ =	sdelay $0x2  }
0xb8: {  	s31 =	sshll.u32 s1, $0xD;
	s1 =	sshrl.u32 s1, $0x2  }
0xb9: {  	s3 =	sand.u32 $0x4000, s31;
	s1 =	sadd.s32 s1, s30  }
0xba: {  	s0 =	sor.u32 s3, s0;
	s1 =	sshll.u32 s1, $0x11  }
0xbb: {  	s0 =	sor.u32 s1, s0  }
0xbc: {  	s0 =	sadd.s32 $0x8F2B, s0  }
0xbd: {  	[sflag:s0] =	ssyncadd.remote.s32 $0x1  }
0xbe: {  	_ =	sfence.sel $0xFFFF  }
0xbf: {  	[dreg:$0x0] =	wrdreg $0xFFFFFFFF;
	(pc) =	sbr.abs _section_cstart, $3  }
0xc0: {  	[dreg:$0x1] =	wrdreg $0xFFFFFFFF  }
0xc1: {  	_ =	task.clear_ibuf [dreg:s7], $0x2FFFF;
	_ =	strace $0x9FFFFFFF  }
0xc2: {  	(tm) =	ssettm $0x7FFFFFFF  }
0xc3: {  	_ =	shalt  }
tec
execute0_lowered:
.L_overlay_start_1:
0x0: {  	(tag) =	ssettag $0x1  }
0x1: {  	s1 =	rddreg [dreg:$0x0]  }
0x2: {  	s5 =	rddreg [dreg:$0x1]  }
0x3: {  	s0 =	rddreg [dreg:$0x2];
	s2 =	simm.s32 $0x0;
	s3 =	srdreg.scid  }
0x4: {  	s9 =	simm.s32 $0x10000;
	s10 =	simm.s32 $0x5;
	s11 =	simm.s32 $0x0  }
0x5: {  	[smem:$0x7FF] =	sst s2;
	s4 =	sand.u32 $0x1, s3;
	s3 =	stileid.u32  }
0x6: {  	_ =	strace $0x80000047;
	s6 =	ssub.s32 $0x2, s4;
	s7 =	sshll.u32 s4, $0x4  }
0x7: {  	s4 =	sadd.s32 $0x1400, s5;
	s8 =	sshrl.u32 s6, $0x1;
	s7 =	sor.u32 s3, s7  }
0x8: {  	v2 =	vlaneseq.u32;
	s5 =	sadd.s32 $0x1C00, s5;
	s8 =	ssub.s32 s6, s8;
	s30 =	sshll.u32 s7, $0x1  }
0x9: {  	vm0 =	vmmov $0xffff;
	v1 =	vshrl.u32 v2, $0x3;
	s31 =	sshll.u32 s7, $0xD;
	s7 =	sshll.u32 s7, $0x6;
	[dreg:$0x3] =	wrdreg s30  }
0xa: {  	v0 =	vand.u32 $0x7, v2;
	v2 =	vor.u32 $0x8, v2;
	v1 =	vmul.u32 $0x8, v1;
	s6 =	sadd.s32 s1, s31;
	s7 =	sadd.s32 s4, s7;
	s8 =	smax.u32 s8, $0x1  }
.LBB2_1:
0xb: {  	_ =	strace $0x80000048;
	s12 =	simm.s32 $0x4;
	s13 =	simm.s32 $0x0  }
0xc: {  	[tilespmem:s2], [sflag:$0x1] =	stream.linear.gather [hbm4b:s6+s2], $0x8000, $0x200038;
	[tilespmem:$0x10100] =	vst v63  }
0xd: {  	s17 =	simm.s32 $0x0;
	s14 =	simm.s32 $0x0;
	s15 =	simm.s32 $0x1  }
0xe: {  	[tilespmem:s9], [sflag:$0x3] =	stream.linear.gather [hbm4b:s7+s2], $0x80, $0x200038;
	[tilespmem:$0x10100] =	vst v63  }
0xf: {  	s16 =	simm.s32 $0x0;
	s18 =	simm.s32 $0x1;
	_ =	strace $0x90000048  }
.LBB2_2:
0x10: {  	s19 =	smov.u32 s13;
	s13 =	sadd.s32 $0x1, s13  }
0x11: {  	p0 =	seq.s32 s13, $0x2  }
0x12: {  	s20 =	simm.s32 $0x1;
	s21 =	rddreg [dreg:$0x3];
	s13 =	simm.s32 @p0 $0x0  }
0x13: {  	p3 =	sne.s32 s12, $0x1;
	s20 =	simm.s32 @!p0 $0x0;
	p0 =	sne.s32 s19, s13  }
0x14: {  	s22 =	smov.u32 s17;
	s17 =	sadd.s32 s20, s17;
	p1 =	por !p3, !p0  }
0x15: {  	s19 =	sadd.s32 s21, s13;
	p4 =	seq.s32 s17, $0x2;
	p2 =	por !p1, !p1  }
0x16: {  	s17 =	simm.s32 @p4 $0x0;
	s20 =	sand.u32 @p2 $0x1, s18;
	s21 =	sshll.u32 @p2 s19, $0xC  }
0x17: {  	_ =	strace @p2 $0x80000049;
	s24 =	simm.s32 @p2 $0x0;
	p5 =	sne.s32 s22, s17  }
0x18: {  	s23 =	sshll.u32 @p2 s20, $0xF;
	s21 =	sand.u32 @p2 $0x1FFFF000, s21;
	p1 =	por p0, p5  }
0x19: {  	s20 =	sadd.s32 @p2 $0x1, s20;
	s21 =	sadd.s32 @p2 s1, s21;
	p3 =	por !p3, !p1  }
0x1a: {  	[tilespmem:s23], [sflag:s20] =	stream.linear.gather @p2 [hbm4b:s21+s24], $0x8000, $0x200038;
	[tilespmem:$0x10100] =	vst v63  }
0x1b: {  	p3 =	por !p3, !p3  }
0x1c: {  	s20 =	sshll.u32 @p3 s17, $0xD  }
0x1d: {  	s19 =	sshll.u32 @p3 s19, $0x8;
	s21 =	sshll.u32 @p3 s17, $0x7;
	s20 =	sand.u32 @p3 $0xFFFFC000, s20  }
0x1e: {  	_ =	strace @p2 $0x90000049;
	s19 =	sadd.s32 @p3 s19, s20;
	s20 =	sand.u32 @p3 $0x80, s21  }
0x1f: {  	s22 =	simm.s32 @p3 $0x0;
	s21 =	sand.u32 @p3 $0x1, s15;
	s19 =	sor.u32 @p3 s20, s19  }
0x20: {  	_ =	strace @p3 $0x8000004A;
	s20 =	sshll.u32 @p3 s21, $0x7;
	s19 =	sshrl.u32 @p3 s19, $0x3  }
0x21: {  	s21 =	sadd.s32 @p3 $0x3, s21;
	s20 =	sor.u32 @p3 $0x10000, s20;
	s19 =	sadd.s32 @p3 s4, s19  }
0x22: {  	[tilespmem:s20], [sflag:s21] =	stream.linear.gather @p3 [hbm4b:s19+s22], $0x80, $0x200038;
	[tilespmem:$0x10100] =	vst v63  }
0x23: {  	s22 =	sand.u32 $0x1, s16;
	_ =	strace @p3 $0x9000004A  }
0x24: {  	s19 =	sadd.s32 $0x1, s22;
	_ =	strace $0x8000004B  }
0x25: {  	_ =	swait.ge [sflag:s19], $0x8000  }
0x26: {  	[sflag:s19] =	ssyncset.done $0x0  }
0x27: {  	[sflag:s19] =	ssyncadd.s32 $0xFFFF8000  }
0x28: {  	s23 =	sand.u32 $0x1, s14;
	_ =	strace $0x9000004B  }
0x29: {  	s19 =	sadd.s32 $0x3, s23;
	_ =	strace $0x8000004C  }
0x2a: {  	_ =	swait.ge [sflag:s19], $0x80  }
0x2b: {  	[sflag:s19] =	ssyncset.done $0x0  }
0x2c: {  	[sflag:s19] =	ssyncadd.s32 $0xFFFFFF80  }
0x2d: {  	s24 =	sshll.u32 s14, $0x7;
	_ =	strace $0x9000004C  }
0x2e: {  	s20 =	sand.u32 $0x80, s24;
	_ =	strace $0x8000004D  }
0x2f: {  	v3 =	vld [tilespmem:s20+$0x10000];
	_ =	sdelay $0x4  }
0x30: {  	v4 =	vshll.u32 v3, $0x1  }
0x31: {  	v3 =	vand.u32 $0x7, v3;
	v4 =	vand.u32 $0xFFFFFFF0, v4  }
0x32: {  	v3 =	vor.u32 v3, v4  }
0x33: {  	v4 =	vperm.xlane v3, v0;
	_ =	sdelay $0x1  }
0x34: {  	v3 =	vperm.xlane v3, v2;
	v4 =	vadd.s32 v1, v4;
	_ =	sdelay $0x1  }
0x35: {  	v3 =	vadd.s32 v1, v3  }
0x36: {  	s25 =	sshll.u32 s16, $0xF  }
0x37: {  	s19 =	sand.u32 $0x8000, s25  }
0x38: {  	[hbm4b:s5+s2] =	stream.indirect_vreg.scatter [tilespmem:s19], [sflag:$0x5], $0x80, v4, vm0, $0x2000b8;
	[tilespmem:$0x10100] =	vst v63  }
0x39: {  	s26 =	sor.u32 $0x800, s19  }
0x3a: {  	[hbm4b:s5+s2] =	stream.indirect_vreg.scatter [tilespmem:s26], [sflag:$0x5], $0x80, v3, vm0, $0x2000b8;
	[tilespmem:$0x10100] =	vst v63  }
0x3b: {  	v3 =	vld [tilespmem:s20+$0x10010];
	_ =	sdelay $0x4  }
0x3c: {  	v57 =	vshll.u32 v3, $0x1  }
0x3d: {  	v3 =	vand.u32 $0x7, v3;
	v4 =	vand.u32 $0xFFFFFFF0, v57  }
0x3e: {  	v3 =	vor.u32 v3, v4  }
0x3f: {  	v4 =	vperm.xlane v3, v0;
	_ =	sdelay $0x1  }
0x40: {  	v3 =	vperm.xlane v3, v2;
	v4 =	vadd.s32 v1, v4;
	_ =	sdelay $0x1  }
0x41: {  	v3 =	vadd.s32 v1, v3;
	_ =	sdelay $0x1  }
0x42: {  	s28 =	sor.u32 $0x1000, s19  }
0x43: {  	[hbm4b:s5+s2] =	stream.indirect_vreg.scatter [tilespmem:s28], [sflag:$0x5], $0x80, v4, vm0, $0x2000b8;
	[tilespmem:$0x10100] =	vst v63  }
0x44: {  	s29 =	sor.u32 $0x1800, s19  }
0x45: {  	[hbm4b:s5+s2] =	stream.indirect_vreg.scatter [tilespmem:s29], [sflag:$0x5], $0x80, v3, vm0, $0x2000b8;
	[tilespmem:$0x10100] =	vst v63  }
0x46: {  	v3 =	vld [tilespmem:s20+$0x10020];
	_ =	sdelay $0x4  }
0x47: {  	v58 =	vshll.u32 v3, $0x1  }
0x48: {  	v3 =	vand.u32 $0x7, v3;
	v4 =	vand.u32 $0xFFFFFFF0, v58  }
0x49: {  	v3 =	vor.u32 v3, v4  }
0x4a: {  	v4 =	vperm.xlane v3, v0;
	_ =	sdelay $0x1  }
0x4b: {  	v3 =	vperm.xlane v3, v2;
	v4 =	vadd.s32 v1, v4;
	_ =	sdelay $0x1  }
0x4c: {  	v3 =	vadd.s32 v1, v3;
	_ =	sdelay $0x1  }
0x4d: {  	s30 =	sor.u32 $0x2000, s19  }
0x4e: {  	[hbm4b:s5+s2] =	stream.indirect_vreg.scatter [tilespmem:s30], [sflag:$0x5], $0x80, v4, vm0, $0x2000b8;
	[tilespmem:$0x10100] =	vst v63  }
0x4f: {  	s31 =	sor.u32 $0x2800, s19  }
0x50: {  	[hbm4b:s5+s2] =	stream.indirect_vreg.scatter [tilespmem:s31], [sflag:$0x5], $0x80, v3, vm0, $0x2000b8;
	[tilespmem:$0x10100] =	vst v63  }
0x51: {  	v3 =	vld [tilespmem:s20+$0x10030];
	_ =	sdelay $0x4  }
0x52: {  	v59 =	vshll.u32 v3, $0x1  }
0x53: {  	v3 =	vand.u32 $0x7, v3;
	v4 =	vand.u32 $0xFFFFFFF0, v59  }
0x54: {  	v3 =	vor.u32 v3, v4  }
0x55: {  	v4 =	vperm.xlane v3, v0;
	_ =	sdelay $0x1  }
0x56: {  	v3 =	vperm.xlane v3, v2;
	v4 =	vadd.s32 v1, v4;
	_ =	sdelay $0x1  }
0x57: {  	v3 =	vadd.s32 v1, v3;
	_ =	sdelay $0x1  }
0x58: {  	s22 =	sor.u32 $0x3000, s19  }
0x59: {  	[hbm4b:s5+s2] =	stream.indirect_vreg.scatter [tilespmem:s22], [sflag:$0x5], $0x80, v4, vm0, $0x2000b8;
	[tilespmem:$0x10100] =	vst v63  }
0x5a: {  	s23 =	sor.u32 $0x3800, s19  }
0x5b: {  	[hbm4b:s5+s2] =	stream.indirect_vreg.scatter [tilespmem:s23], [sflag:$0x5], $0x80, v3, vm0, $0x2000b8;
	[tilespmem:$0x10100] =	vst v63  }
0x5c: {  	v3 =	vld [tilespmem:s20+$0x10040];
	_ =	sdelay $0x4  }
0x5d: {  	v60 =	vshll.u32 v3, $0x1  }
0x5e: {  	v3 =	vand.u32 $0x7, v3;
	v4 =	vand.u32 $0xFFFFFFF0, v60  }
0x5f: {  	v3 =	vor.u32 v3, v4  }
0x60: {  	v4 =	vperm.xlane v3, v0;
	_ =	sdelay $0x1  }
0x61: {  	v3 =	vperm.xlane v3, v2;
	v4 =	vadd.s32 v1, v4;
	_ =	sdelay $0x1  }
0x62: {  	v3 =	vadd.s32 v1, v3;
	_ =	sdelay $0x1  }
0x63: {  	s24 =	sor.u32 $0x4000, s19  }
0x64: {  	[hbm4b:s5+s2] =	stream.indirect_vreg.scatter [tilespmem:s24], [sflag:$0x5], $0x80, v4, vm0, $0x2000b8;
	[tilespmem:$0x10100] =	vst v63  }
0x65: {  	s25 =	sor.u32 $0x4800, s19  }
0x66: {  	[hbm4b:s5+s2] =	stream.indirect_vreg.scatter [tilespmem:s25], [sflag:$0x5], $0x80, v3, vm0, $0x2000b8;
	[tilespmem:$0x10100] =	vst v63  }
0x67: {  	v3 =	vld [tilespmem:s20+$0x10050];
	_ =	sdelay $0x4  }
0x68: {  	v61 =	vshll.u32 v3, $0x1  }
0x69: {  	v3 =	vand.u32 $0x7, v3;
	v4 =	vand.u32 $0xFFFFFFF0, v61  }
0x6a: {  	v3 =	vor.u32 v3, v4  }
0x6b: {  	v4 =	vperm.xlane v3, v0;
	_ =	sdelay $0x1  }
0x6c: {  	v3 =	vperm.xlane v3, v2;
	v4 =	vadd.s32 v1, v4;
	_ =	sdelay $0x1  }
0x6d: {  	v3 =	vadd.s32 v1, v3;
	_ =	sdelay $0x1  }
0x6e: {  	s26 =	sor.u32 $0x5000, s19  }
0x6f: {  	[hbm4b:s5+s2] =	stream.indirect_vreg.scatter [tilespmem:s26], [sflag:$0x5], $0x80, v4, vm0, $0x2000b8;
	[tilespmem:$0x10100] =	vst v63  }
0x70: {  	s28 =	sor.u32 $0x5800, s19  }
0x71: {  	[hbm4b:s5+s2] =	stream.indirect_vreg.scatter [tilespmem:s28], [sflag:$0x5], $0x80, v3, vm0, $0x2000b8;
	[tilespmem:$0x10100] =	vst v63  }
0x72: {  	v3 =	vld [tilespmem:s20+$0x10060];
	_ =	sdelay $0x4  }
0x73: {  	v62 =	vshll.u32 v3, $0x1  }
0x74: {  	v3 =	vand.u32 $0x7, v3;
	v4 =	vand.u32 $0xFFFFFFF0, v62  }
0x75: {  	v3 =	vor.u32 v3, v4  }
0x76: {  	v4 =	vperm.xlane v3, v0;
	_ =	sdelay $0x1  }
0x77: {  	v3 =	vperm.xlane v3, v2;
	v4 =	vadd.s32 v1, v4;
	_ =	sdelay $0x1  }
0x78: {  	v3 =	vadd.s32 v1, v3;
	_ =	sdelay $0x1  }
0x79: {  	s29 =	sor.u32 $0x6000, s19  }
0x7a: {  	[hbm4b:s5+s2] =	stream.indirect_vreg.scatter [tilespmem:s29], [sflag:$0x5], $0x80, v4, vm0, $0x2000b8;
	[tilespmem:$0x10100] =	vst v63  }
0x7b: {  	s30 =	sor.u32 $0x6800, s19  }
0x7c: {  	[hbm4b:s5+s2] =	stream.indirect_vreg.scatter [tilespmem:s30], [sflag:$0x5], $0x80, v3, vm0, $0x2000b8;
	[tilespmem:$0x10100] =	vst v63  }
0x7d: {  	v3 =	vld [tilespmem:s20+$0x10070];
	_ =	sdelay $0x4  }
0x7e: {  	v63 =	vshll.u32 v3, $0x1  }
0x7f: {  	v3 =	vand.u32 $0x7, v3;
	v4 =	vand.u32 $0xFFFFFFF0, v63  }
0x80: {  	v3 =	vor.u32 v3, v4  }
0x81: {  	v4 =	vperm.xlane v3, v0;
	_ =	sdelay $0x1  }
0x82: {  	v3 =	vperm.xlane v3, v2;
	v4 =	vadd.s32 v1, v4;
	_ =	sdelay $0x1  }
0x83: {  	v3 =	vadd.s32 v1, v3;
	_ =	sdelay $0x1  }
0x84: {  	s31 =	sor.u32 $0x7000, s19  }
0x85: {  	[hbm4b:s5+s2] =	stream.indirect_vreg.scatter [tilespmem:s31], [sflag:$0x5], $0x80, v4, vm0, $0x2000b8;
	[tilespmem:$0x10100] =	vst v63  }
0x86: {  	p6 =	seq.s32 s12, $0x1;
	s19 =	sor.u32 $0x7800, s19  }
0x87: {  	[hbm4b:s5+s2] =	stream.indirect_vreg.scatter [tilespmem:s19], [sflag:$0x5], $0x80, v3, vm0, $0x2000b8;
	[tilespmem:$0x10100] =	vst v63  }
0x88: {  	s12 =	sadd.s32 $0xFFFFFFFF, s12;
	p0 =	por p6, p0;
	s19 =	simm.s32 $0x1  }
0x89: {  	p1 =	por p6, p1;
	s19 =	simm.s32 @!p0 $0x0;
	p0 =	sne.s32 s12, $0x0  }
.Ltmp0:
0x8a: {  	s21 =	simm.s32 $0x1;
	s20 =	simm.s32 $0x1;
	(pc) =	sbr.rel @p0 .LBB2_2-.Ltmp0, $4  }
0x8b: {  	s21 =	simm.s32 @!p3 $0x0;
	s20 =	simm.s32 @!p2 $0x0;
	_ =	swait.ge [sflag:s10], $0x8000  }
0x8c: {  	s18 =	sadd.s32 s20, s18;
	s20 =	simm.s32 $0x1;
	[sflag:s10] =	ssyncset.done $0x0  }
0x8d: {  	s15 =	sadd.s32 s21, s15;
	s20 =	simm.s32 @!p1 $0x0;
	[sflag:s10] =	ssyncadd.s32 $0xFFFF8000  }
0x8e: {  	s14 =	sadd.s32 s20, s14;
	s16 =	sadd.s32 s19, s16;
	_ =	strace $0x9000004D  }
0x8f: {  	s11 =	sadd.s32 $0x1, s11  }
0x90: {  	p0 =	sne.s32 s11, s8  }
.Ltmp1:
0x91: {  	_ = 	snop;
	(pc) =	sbr.rel @p0 .LBB2_1-.Ltmp1, $1  }
0x92: {  	_ =	sdelay $0x3  }
0x93: {  	_ =	sfence.sel $0x180000  }
0x94: {  	[bflag:$0x0] =	sbarrier.arrive $0xFFFF  }
0x95: {  	p0 =	sne.s32 s3, $0x0;
	_ =	strace $0x90000047  }
0x96: {  	s0 =	sadd.s32 @!p0 $0x100000, s0;
	[bflag:$0x2] =	sbarrier.arrive $0xFFFF  }
0x97: {  	[sflag:s0] =	ssyncadd.tile.s32 @!p0 $0x1;
	_ =	shalt  }
.Lfunc_end2:
_tile_overlayer_lowered:
.L_overlay_start_2:
0x98: {  	(tag) =	ssettag $0x2  }
0x99: {  	s0 =	rddreg [dreg:$0x0];
	s2 =	stileid.u32  }
0x9a: {  	s1 =	rddreg [dreg:$0x1];
	p0 =	sne.s32 s2, $0x0  }
0x9b: {  	s3 =	rddreg [dreg:$0x2];
	[bflag:$0x3] =	sbarrier.arrive $0xFFFF;
	s2 =	simm.s32 @!p0 $0x1C01  }
0x9c: {  	[timem:s3], [sflag:s2] =	dma.local @!p0 [hbm:s0], s1  }
0x9d: {  	s0 =	simm.s32 @!p0 $0x1  }
0x9e: {  	_ =	swait.ge @!p0 [sflag:s0], s1  }
0x9f: {  	s1 =	ssub.s32 @!p0 $0x0, s1;
	[sflag:s0] =	ssyncset.done @!p0 $0x0  }
0xa0: {  	[sflag:s0] =	ssyncadd.s32 @!p0 s1  }
0xa1: {  	[bflag:$0x3] =	sbarrier.arrive $0xFFFF  }
0xa2: {  	_ =	shalt  }

// kernel: kernel.16.cloned.1.call-start
scs
__scs_entry_jumppad:
0x0: {  	(pc) =	sbr.rel $0x88, $3  }
0x1: {  	(tag) =	ssettag $0x0;
	lr =	simm.s32 $0x1  }
0x2: {  	[smem:$0x3F97] =	sst lr;
	_ =	strace $0xD0000000  }
0x3: {  	_ = 	snop  }
0x4: {  	_ = 	snop  }
0x5: {  	_ = 	snop  }
0x6: {  	_ = 	snop  }
0x7: {  	_ = 	snop  }
__scs_overlays_trampoline_lowered:
0x8: {  	[smem:$0x3FA6] =	sst s0  }
0x9: {  	[smem:$0x3FA7] =	sst s1  }
0xa: {  	[smem:$0x3FA8] =	sst s2  }
0xb: {  	[smem:$0x3FA9] =	sst s3  }
0xc: {  	[smem:$0x3FAA] =	sst s4  }
0xd: {  	[smem:$0x3FAB] =	sst s5  }
0xe: {  	[smem:$0x3FAC] =	sst s6  }
0xf: {  	[smem:$0x3FAD] =	sst s7  }
0x10: {  	[smem:$0x3FAE] =	sst s8  }
0x11: {  	[smem:$0x3FAF] =	sst s9;
	s0 =	simm.s32 @!p0 $0x0  }
0x12: {  	s1 =	sld [smem:$0x3F95];
	s0 =	simm.s32 @p0 $0x1  }
0x13: {  	[smem:$0x3FB0] =	sst s0;
	s0 =	simm.s32 @!p1 $0x0  }
0x14: {  	s2 =	sld [smem:$0x3F94];
	s0 =	simm.s32 @p1 $0x1  }
0x15: {  	[smem:$0x3FB1] =	sst s0;
	s0 =	simm.s32 @!p2 $0x0  }
0x16: {  	s3 =	sld [smem:$0x3FDB];
	s0 =	simm.s32 @p2 $0x1  }
0x17: {  	s4 =	simm.s32 $0x1BF5;
	[smem:$0x3FB3] =	sst s0  }
0x18: {  	s0 =	sld [smem:$0x3F96];
	_ =	swait.ge [sflag:s4], $0x0  }
0x19: {  	s7 =	sld [smem:$0x3F97]  }
0x1a: {  	s8 =	sadd.s32 $0xFFFFE003, lr  }
0x1b: {  	s9 =	sadd.s32 $0xFFFFFEF7, lr;
	s5 =	simm.s32 $0xFFFFFFFF;
	p2 =	slt.u32 s8, $0xFFFFF086  }
0x1c: {  	p1 =	slt.u32 s9, $0xF7A;
	s5 =	simm.s32 @!p2 $0x0  }
0x1d: {  	s5 =	simm.s32 @p1 $0x1;
	p0 =	seq.s32 s7, s2  }
0x1e: {  	s7 =	smul.u32 @!p0 $0xF7A, s2;
	p2 =	seq.s32 @!p0 s5, $0x0  }
0x1f: {  	s9 =	smul.u32 $0xF7A, s1;
	s8 =	simm.s32 @!p0 $0x1BF5;
	p2 =	por !p2, p0  }
0x20: {  	[sflag:s8] =	ssyncset.s32 @!p0 $0xFFFFF086;
	s6 =	sadd.s32 @!p0 s3, s7;
	s7 =	simm.s32 @!p0 $0x108  }
0x21: {  	s3 =	sadd.s32 s3, s9;
	s6 =	sadd.s32 @!p0 $0x88, s6;
	s7 =	simm.s32 @p2 $0x1082  }
0x22: {  	[simem:s7], [sflag:s8] =	dma.local @!p0 [hbm:s6], $0xF7A  }
0x23: {  	s9 =	sor.u32 $0xD0000000, s2;
	s6 =	simm.s32 $0x108;
	_ =	swait.ge @!p0 [sflag:s8], $0x0  }
0x24: {  	s3 =	sadd.s32 $0x88, s3;
	s6 =	simm.s32 @!p1 $0x1082;
	[sflag:s4] =	ssyncset.s32 $0xFFFFF086  }
0x25: {  	[simem:s6], [sflag:s4] =	dma.local [hbm:s3], $0xF7A  }
0x26: {  	[smem:$0x3F97] =	sst s1;
	(tag) =	ssettag s2;
	_ =	strace s9  }
0x27: {  	s1 =	sld [smem:$0x3FA7]  }
0x28: {  	s2 =	sld [smem:$0x3FA8]  }
0x29: {  	s4 =	sld [smem:$0x3FAA]  }
0x2a: {  	p0 =	seq.s32 s5, $0x0;
	s5 =	sld [smem:$0x3FAB]  }
0x2b: {  	s6 =	sld [smem:$0x3FAC]  }
0x2c: {  	s7 =	sld [smem:$0x3FAD]  }
0x2d: {  	s3 =	simm.s32 $0x108;
	s8 =	sld [smem:$0x3FAE]  }
0x2e: {  	s3 =	simm.s32 @!p0 $0x1082;
	s9 =	sld [smem:$0x3FAF]  }
0x2f: {  	lr =	sadd.s32 s0, s3;
	s0 =	sld [smem:$0x3FA6]  }
0x30: {  	s3 =	sld [smem:$0x3FA9]  }
0x31: {  	[smem:$0x3FB2] =	sst s10  }
0x32: {  	s10 =	sld [smem:$0x3FB0];
	_ =	sdelay $0x3  }
0x33: {  	p0 =	seq.s32 s10, $0x1;
	s10 =	sld [smem:$0x3FB2];
	_ =	sdelay $0x3  }
0x34: {  	[smem:$0x3FB2] =	sst s10  }
0x35: {  	s10 =	sld [smem:$0x3FB1];
	_ =	sdelay $0x3  }
0x36: {  	p1 =	seq.s32 s10, $0x1;
	s10 =	sld [smem:$0x3FB2];
	_ =	sdelay $0x3  }
0x37: {  	[smem:$0x3FB2] =	sst s10  }
0x38: {  	s10 =	sld [smem:$0x3FB3]  }
0x39: {  	_ = 	snop;
	(pc) =	sbr.ind lr, $3  }
0x3a: {  	_ = 	snop  }
0x3b: {  	_ = 	snop  }
0x3c: {  	p2 =	seq.s32 s10, $0x1;
	s10 =	sld [smem:$0x3FB2]  }
0x3d: {  	_ =	shalt  }
0x3e: {  	_ =	shalt  }
0x3f: {  	_ =	shalt  }
0x40: {  	_ =	shalt  }
0x41: {  	_ =	shalt  }
0x42: {  	_ =	shalt  }
0x43: {  	_ =	shalt  }
0x44: {  	_ =	shalt  }
0x45: {  	_ =	shalt  }
0x46: {  	_ =	shalt  }
0x47: {  	_ =	shalt  }
0x48: {  	_ =	shalt  }
0x49: {  	_ =	shalt  }
0x4a: {  	_ =	shalt  }
0x4b: {  	_ =	shalt  }
0x4c: {  	_ =	shalt  }
0x4d: {  	_ =	shalt  }
0x4e: {  	_ =	shalt  }
0x4f: {  	_ =	shalt  }
0x50: {  	_ =	shalt  }
0x51: {  	_ =	shalt  }
0x52: {  	_ =	shalt  }
0x53: {  	_ =	shalt  }
0x54: {  	_ =	shalt  }
0x55: {  	_ =	shalt  }
0x56: {  	_ =	shalt  }
0x57: {  	_ =	shalt  }
0x58: {  	_ =	shalt  }
0x59: {  	_ =	shalt  }
0x5a: {  	_ =	shalt  }
0x5b: {  	_ =	shalt  }
0x5c: {  	_ =	shalt  }
0x5d: {  	_ =	shalt  }
0x5e: {  	_ =	shalt  }
0x5f: {  	_ =	shalt  }
0x60: {  	_ =	shalt  }
0x61: {  	_ =	shalt  }
0x62: {  	_ =	shalt  }
0x63: {  	_ =	shalt  }
0x64: {  	_ =	shalt  }
0x65: {  	_ =	shalt  }
0x66: {  	_ =	shalt  }
0x67: {  	_ =	shalt  }
0x68: {  	_ =	shalt  }
0x69: {  	_ =	shalt  }
0x6a: {  	_ =	shalt  }
0x6b: {  	_ =	shalt  }
0x6c: {  	_ =	shalt  }
0x6d: {  	_ =	shalt  }
0x6e: {  	_ =	shalt  }
0x6f: {  	_ =	shalt  }
0x70: {  	_ =	shalt  }
0x71: {  	_ =	shalt  }
0x72: {  	_ =	shalt  }
0x73: {  	_ =	shalt  }
0x74: {  	_ =	shalt  }
0x75: {  	_ =	shalt  }
0x76: {  	_ =	shalt  }
0x77: {  	_ =	shalt  }
0x78: {  	_ =	shalt  }
0x79: {  	_ =	shalt  }
0x7a: {  	_ =	shalt  }
0x7b: {  	_ =	shalt  }
0x7c: {  	_ =	shalt  }
0x7d: {  	_ =	shalt  }
0x7e: {  	_ =	shalt  }
0x7f: {  	_ =	shalt  }
0x80: {  	_ =	shalt  }
0x81: {  	_ =	shalt  }
0x82: {  	_ =	shalt  }
0x83: {  	_ =	shalt  }
0x84: {  	_ =	shalt  }
0x85: {  	_ =	shalt  }
0x86: {  	_ =	shalt  }
0x87: {  	_ =	shalt  }
.Lfunc_end0:
.L_simem_size_0:
called_computation.1_lowered:
.L_overlay_start_0:
0x88: {  	s2 =	sld [smem:$0x3FD9]  }
0x89: {  	s3 =	sld [smem:$0x3FFE];
	_ =	sdelay $0x1  }
0x8a: {  	s1 =	srdreg.scid  }
0x8b: {  	s0 =	sand.u32 $0x1, s1  }
0x8c: {  	s16 =	sshll.u32 s0, $0xA;
	s2 =	sadd.s32 s3, s2  }
0x8d: {  	s2 =	sadd.s32 s2, s16  }
0x8e: {  	[smem:$0x3FBE] =	sst s2  }
0x8f: {  	_ = 	snop  }
0x90: {  	(tm) =	ssettm $0x1  }
0x91: {  	s17 =	sld [smem:$0x3FFB];
	_ =	sdelay $0x3  }
0x92: {  	_ =	strace s17  }
0x93: {  	s2 =	sld [smem:$0x3FFC];
	_ =	sdelay $0x3  }
0x94: {  	_ =	strace s2  }
0x95: {  	s2 =	sld [smem:$0x3FFD];
	_ =	sdelay $0x3  }
0x96: {  	_ =	strace s2  }
0x97: {  	_ =	strace $0x8FFFFFFF  }
0x98: {  	s18 =	sld [smem:$0x3FDB];
	_ =	sdelay $0x1  }
0x99: {  	s19 =	simm.s32 $_scs_section_size  }
0x9a: {  	s4 =	simm.s32 $_size__tile_overlayer_lowered;
	s5 =	simm.s32 $_tile_overlayer_lowered  }
0x9b: {  	s22 =	simm.s32 $0x1BFF;
	s21 =	sshll.u32 s5, $0x1;
	s2 =	sadd.s32 s19, s18  }
0x9c: {  	s6 =	simm.s32 $0x0;
	s20 =	sshll.u32 s4, $0x1;
	s4 =	sadd.s32 s21, s2  }
0x9d: {  	[timem:s6], [sflag:s22] =	dma.local [hbm:s4], s20  }
0x9e: {  	_ =	swait.ge [sflag:s22], s20  }
0x9f: {  	s3 =	ssub.s32 $0x0, s20;
	[sflag:s22] =	ssyncset.done $0x0  }
0xa0: {  	[sflag:s22] =	ssyncadd.s32 s3;
	_ =	sdelay $0x1  }
0xa1: {  	s23 =	simm.s32 $0x1B8B  }
0xa2: {  	_ =	swait.ge [sflag:s23], $0x1  }
0xa3: {  	[sflag:s23] =	ssyncset.done $0x0  }
0xa4: {  	s25 =	simm.s32 $0x1B8E;
	s24 =	sld [smem:$0x3FFE];
	[sflag:s23] =	ssyncadd.s32 $0xFFFFFFFF  }
0xa5: {  	s26 =	simm.s32 $execute0_lowered;
	[smem:$0x3FD2] =	sst s25  }
0xa6: {  	s4 =	sshll.u32 s26, $0x1;
	_ =	strace $0x8000004F;
	[dreg:$0x1] =	wrdreg $0xFFFFFFFF  }
0xa7: {  	s28 =	simm.s32 $_size_execute0_lowered;
	s2 =	sadd.s32 s2, s4;
	[dreg:$0x0] =	wrdreg $0x0  }
0xa8: {  	s4 =	sshll.u32 s28, $0x1;
	[dreg:$0x2] =	wrdreg s2  }
0xa9: {  	[dreg:$0x3] =	wrdreg s4  }
0xaa: {  	[dreg:$0x4] =	wrdreg $0xC0  }
0xab: {  	_ =	task [dreg:s6], $0x5FFFF  }
0xac: {  	[dreg:$0x1] =	wrdreg $0xFFFFFFFF  }
0xad: {  	[dreg:$0x0] =	wrdreg $0x60  }
0xae: {  	[dreg:$0x2] =	wrdreg s24  }
0xaf: {  	[dreg:$0x3] =	wrdreg $0x9  }
0xb0: {  	_ =	task.clear_ibuf [dreg:s6], $0x4FFFF;
	_ =	strace $0x9000004F  }
0xb1: {  	s29 =	simm.s32 $0x9;
	_ =	strace $0x80000058  }
0xb2: {  	_ =	swait.ge [sflag:s29], $0x1  }
0xb3: {  	[sflag:s29] =	ssyncadd.s32 $0xFFFFFFFF  }
0xb4: {  	_ =	strace $0x90000058  }
0xb5: {  	_ =	sfence  }
0xb6: {  	s30 =	sld [smem:$0x0];
	_ =	sdelay $0x2  }
0xb7: {  	s31 =	sshll.u32 s1, $0xD;
	s1 =	sshrl.u32 s1, $0x2  }
0xb8: {  	s3 =	sand.u32 $0x4000, s31;
	s1 =	sadd.s32 s1, s30  }
0xb9: {  	s0 =	sor.u32 s3, s0;
	s1 =	sshll.u32 s1, $0x11  }
0xba: {  	s0 =	sor.u32 s1, s0  }
0xbb: {  	s0 =	sadd.s32 $0x8F2B, s0  }
0xbc: {  	[sflag:s0] =	ssyncadd.remote.s32 $0x1  }
0xbd: {  	_ =	sfence.sel $0xFFFF  }
0xbe: {  	[dreg:$0x0] =	wrdreg $0xFFFFFFFF;
	(pc) =	sbr.abs _section_cstart, $3  }
0xbf: {  	[dreg:$0x1] =	wrdreg $0xFFFFFFFF  }
0xc0: {  	_ =	task.clear_ibuf [dreg:s6], $0x2FFFF;
	_ =	strace $0x9FFFFFFF  }
0xc1: {  	(tm) =	ssettm $0x7FFFFFFF  }
tec
execute0_lowered:
.L_overlay_start_1:
0x0: {  	(tag) =	ssettag $0x1  }
0x1: {  	s5 =	rddreg [dreg:$0x0]  }
0x2: {  	s0 =	rddreg [dreg:$0x1];
	s1 =	simm.s32 $0x0  }
0x3: {  	s2 =	srdreg.scid;
	s9 =	simm.s32 $0x4;
	s10 =	simm.s32 $0x0  }
0x4: {  	[smem:$0x7FF] =	sst s1;
	s3 =	sadd.s32 $0x142400, s5;
	s4 =	sadd.s32 $0xC1C00, s5  }
0x5: {  	s6 =	sand.u32 $0x1, s2;
	s2 =	stileid.u32;
	s5 =	sadd.s32 $0xC2400, s5  }
0x6: {  	_ =	strace $0x80000050;
	s7 =	ssub.s32 $0x2, s6;
	s6 =	sshll.u32 s6, $0x4  }
0x7: {  	v2 =	vlaneseq.u32;
	[dreg:$0x2] =	wrdreg s5;
	s8 =	sshrl.u32 s7, $0x1;
	s6 =	sor.u32 s2, s6  }
0x8: {  	vm0 =	vmmov $0xffff;
	v1 =	vshrl.u32 v2, $0x3;
	s7 =	ssub.s32 s7, s8;
	s31 =	sshll.u32 s6, $0x6;
	s5 =	sshll.u32 s6, $0x2  }
0x9: {  	v0 =	vand.u32 $0x7, v2;
	v2 =	vor.u32 $0x8, v2;
	v1 =	vmul.u32 $0x8, v1;
	s8 =	simm.s32 $0x5;
	s6 =	sadd.s32 s4, s31;
	s7 =	smax.u32 s7, $0x1  }
.LBB2_1:
0xa: {  	_ =	strace $0x80000051;
	s11 =	simm.s32 $0x4  }
0xb: {  	s12 =	simm.s32 $0x0;
	s13 =	simm.s32 $0x0;
	s14 =	simm.s32 $0x0  }
0xc: {  	[tilespmem:s1], [sflag:$0x1] =	stream.linear.gather [hbm4b:s6+s1], $0x80, $0x200038;
	[tilespmem:$0x10100] =	vst v63  }
0xd: {  	s15 =	simm.s32 $0x0;
	s16 =	simm.s32 $0x1;
	_ =	strace $0x90000051  }
.LBB2_2:
0xe: {  	s17 =	smov.u32 s12;
	s12 =	sadd.s32 $0x1, s12  }
0xf: {  	p0 =	seq.s32 s12, $0x4  }
0x10: {  	s12 =	simm.s32 @p0 $0x0  }
0x11: {  	p6 =	sne.s32 s11, $0x1;
	p1 =	sne.s32 s17, s12  }
0x12: {  	p0 =	por !p6, !p1  }
0x13: {  	p0 =	por !p0, !p0  }
0x14: {  	s18 =	sadd.s32 @p0 s5, s12  }
0x15: {  	s19 =	sand.u32 @p0 $0x1, s16;
	s18 =	sshll.u32 @p0 s18, $0x4  }
0x16: {  	_ =	strace @p0 $0x80000052;
	s21 =	simm.s32 @p0 $0x0;
	s18 =	sand.u32 @p0 $0x1FFFFFF0, s18  }
0x17: {  	s20 =	sshll.u32 @p0 s19, $0x7;
	s19 =	sadd.s32 @p0 $0x1, s19;
	s18 =	sadd.s32 @p0 s4, s18  }
0x18: {  	[tilespmem:s20], [sflag:s19] =	stream.linear.gather @p0 [hbm4b:s18+s21], $0x80, $0x200038;
	[tilespmem:$0x10100] =	vst v63  }
0x19: {  	s24 =	sand.u32 $0x1, s15;
	_ =	strace @p0 $0x90000052  }
0x1a: {  	s18 =	sadd.s32 $0x1, s24;
	_ =	strace $0x80000053  }
0x1b: {  	_ =	swait.ge [sflag:s18], $0x80  }
0x1c: {  	[sflag:s18] =	ssyncset.done $0x0  }
0x1d: {  	[sflag:s18] =	ssyncadd.s32 $0xFFFFFF80  }
0x1e: {  	s25 =	sshll.u32 s15, $0x7;
	_ =	strace $0x90000053  }
0x1f: {  	s21 =	sand.u32 $0x80, s25;
	_ =	strace $0x80000054  }
0x20: {  	v3 =	vld [tilespmem:s21+$0x0];
	_ =	sdelay $0x4  }
0x21: {  	v4 =	vshll.u32 v3, $0x1  }
0x22: {  	v3 =	vand.u32 $0x7, v3;
	v4 =	vand.u32 $0xFFFFFFF0, v4  }
0x23: {  	v3 =	vor.u32 v3, v4  }
0x24: {  	v4 =	vperm.xlane v3, v0;
	_ =	sdelay $0x1  }
0x25: {  	v3 =	vperm.xlane v3, v2;
	v4 =	vadd.s32 v1, v4;
	_ =	sdelay $0x1  }
0x26: {  	s18 =	sand.u32 $0x1, s14;
	v3 =	vadd.s32 v1, v3  }
0x27: {  	s20 =	sshll.u32 s18, $0xF  }
0x28: {  	s19 =	sor.u32 $0x100, s20  }
0x29: {  	[tilespmem:s19], [sflag:$0x5] =	stream.indirect_vreg.gather [hbm4b:s3+s1], $0x80, v4, vm0, $0x2000b8;
	[tilespmem:$0x10100] =	vst v63  }
0x2a: {  	s22 =	sor.u32 $0x900, s20  }
0x2b: {  	[tilespmem:s22], [sflag:$0x5] =	stream.indirect_vreg.gather [hbm4b:s3+s1], $0x80, v3, vm0, $0x2000b8;
	[tilespmem:$0x10100] =	vst v63  }
0x2c: {  	v3 =	vld [tilespmem:s21+$0x10];
	_ =	sdelay $0x4  }
0x2d: {  	v57 =	vshll.u32 v3, $0x1  }
0x2e: {  	v3 =	vand.u32 $0x7, v3;
	v4 =	vand.u32 $0xFFFFFFF0, v57  }
0x2f: {  	v3 =	vor.u32 v3, v4  }
0x30: {  	v4 =	vperm.xlane v3, v0;
	_ =	sdelay $0x1  }
0x31: {  	v3 =	vperm.xlane v3, v2;
	v4 =	vadd.s32 v1, v4;
	_ =	sdelay $0x1  }
0x32: {  	v3 =	vadd.s32 v1, v3;
	_ =	sdelay $0x1  }
0x33: {  	s26 =	sor.u32 $0x1100, s20  }
0x34: {  	[tilespmem:s26], [sflag:$0x5] =	stream.indirect_vreg.gather [hbm4b:s3+s1], $0x80, v4, vm0, $0x2000b8;
	[tilespmem:$0x10100] =	vst v63  }
0x35: {  	s28 =	sor.u32 $0x1900, s20  }
0x36: {  	[tilespmem:s28], [sflag:$0x5] =	stream.indirect_vreg.gather [hbm4b:s3+s1], $0x80, v3, vm0, $0x2000b8;
	[tilespmem:$0x10100] =	vst v63  }
0x37: {  	v3 =	vld [tilespmem:s21+$0x20];
	_ =	sdelay $0x4  }
0x38: {  	v58 =	vshll.u32 v3, $0x1  }
0x39: {  	v3 =	vand.u32 $0x7, v3;
	v4 =	vand.u32 $0xFFFFFFF0, v58  }
0x3a: {  	v3 =	vor.u32 v3, v4  }
0x3b: {  	v4 =	vperm.xlane v3, v0;
	_ =	sdelay $0x1  }
0x3c: {  	v3 =	vperm.xlane v3, v2;
	v4 =	vadd.s32 v1, v4;
	_ =	sdelay $0x1  }
0x3d: {  	v3 =	vadd.s32 v1, v3;
	_ =	sdelay $0x1  }
0x3e: {  	s29 =	sor.u32 $0x2100, s20  }
0x3f: {  	[tilespmem:s29], [sflag:$0x5] =	stream.indirect_vreg.gather [hbm4b:s3+s1], $0x80, v4, vm0, $0x2000b8;
	[tilespmem:$0x10100] =	vst v63  }
0x40: {  	s30 =	sor.u32 $0x2900, s20  }
0x41: {  	[tilespmem:s30], [sflag:$0x5] =	stream.indirect_vreg.gather [hbm4b:s3+s1], $0x80, v3, vm0, $0x2000b8;
	[tilespmem:$0x10100] =	vst v63  }
0x42: {  	v3 =	vld [tilespmem:s21+$0x30];
	_ =	sdelay $0x4  }
0x43: {  	v59 =	vshll.u32 v3, $0x1  }
0x44: {  	v3 =	vand.u32 $0x7, v3;
	v4 =	vand.u32 $0xFFFFFFF0, v59  }
0x45: {  	v3 =	vor.u32 v3, v4  }
0x46: {  	v4 =	vperm.xlane v3, v0;
	_ =	sdelay $0x1  }
0x47: {  	v3 =	vperm.xlane v3, v2;
	v4 =	vadd.s32 v1, v4;
	_ =	sdelay $0x1  }
0x48: {  	v3 =	vadd.s32 v1, v3;
	_ =	sdelay $0x1  }
0x49: {  	s31 =	sor.u32 $0x3100, s20  }
0x4a: {  	[tilespmem:s31], [sflag:$0x5] =	stream.indirect_vreg.gather [hbm4b:s3+s1], $0x80, v4, vm0, $0x2000b8;
	[tilespmem:$0x10100] =	vst v63  }
0x4b: {  	s23 =	sor.u32 $0x3900, s20  }
0x4c: {  	[tilespmem:s23], [sflag:$0x5] =	stream.indirect_vreg.gather [hbm4b:s3+s1], $0x80, v3, vm0, $0x2000b8;
	[tilespmem:$0x10100] =	vst v63  }
0x4d: {  	v3 =	vld [tilespmem:s21+$0x40];
	_ =	sdelay $0x4  }
0x4e: {  	v60 =	vshll.u32 v3, $0x1  }
0x4f: {  	v3 =	vand.u32 $0x7, v3;
	v4 =	vand.u32 $0xFFFFFFF0, v60  }
0x50: {  	v3 =	vor.u32 v3, v4  }
0x51: {  	v4 =	vperm.xlane v3, v0;
	_ =	sdelay $0x1  }
0x52: {  	v3 =	vperm.xlane v3, v2;
	v4 =	vadd.s32 v1, v4;
	_ =	sdelay $0x1  }
0x53: {  	v3 =	vadd.s32 v1, v3;
	_ =	sdelay $0x1  }
0x54: {  	s24 =	sor.u32 $0x4100, s20  }
0x55: {  	[tilespmem:s24], [sflag:$0x5] =	stream.indirect_vreg.gather [hbm4b:s3+s1], $0x80, v4, vm0, $0x2000b8;
	[tilespmem:$0x10100] =	vst v63  }
0x56: {  	s25 =	sor.u32 $0x4900, s20  }
0x57: {  	[tilespmem:s25], [sflag:$0x5] =	stream.indirect_vreg.gather [hbm4b:s3+s1], $0x80, v3, vm0, $0x2000b8;
	[tilespmem:$0x10100] =	vst v63  }
0x58: {  	v3 =	vld [tilespmem:s21+$0x50];
	_ =	sdelay $0x4  }
0x59: {  	v61 =	vshll.u32 v3, $0x1  }
0x5a: {  	v3 =	vand.u32 $0x7, v3;
	v4 =	vand.u32 $0xFFFFFFF0, v61  }
0x5b: {  	v3 =	vor.u32 v3, v4  }
0x5c: {  	v4 =	vperm.xlane v3, v0;
	_ =	sdelay $0x1  }
0x5d: {  	v3 =	vperm.xlane v3, v2;
	v4 =	vadd.s32 v1, v4;
	_ =	sdelay $0x1  }
0x5e: {  	v3 =	vadd.s32 v1, v3;
	_ =	sdelay $0x1  }
0x5f: {  	s26 =	sor.u32 $0x5100, s20  }
0x60: {  	[tilespmem:s26], [sflag:$0x5] =	stream.indirect_vreg.gather [hbm4b:s3+s1], $0x80, v4, vm0, $0x2000b8;
	[tilespmem:$0x10100] =	vst v63  }
0x61: {  	s28 =	sor.u32 $0x5900, s20  }
0x62: {  	[tilespmem:s28], [sflag:$0x5] =	stream.indirect_vreg.gather [hbm4b:s3+s1], $0x80, v3, vm0, $0x2000b8;
	[tilespmem:$0x10100] =	vst v63  }
0x63: {  	v3 =	vld [tilespmem:s21+$0x60];
	_ =	sdelay $0x4  }
0x64: {  	v62 =	vshll.u32 v3, $0x1  }
0x65: {  	v3 =	vand.u32 $0x7, v3;
	v4 =	vand.u32 $0xFFFFFFF0, v62  }
0x66: {  	v3 =	vor.u32 v3, v4  }
0x67: {  	v4 =	vperm.xlane v3, v0;
	_ =	sdelay $0x1  }
0x68: {  	v3 =	vperm.xlane v3, v2;
	v4 =	vadd.s32 v1, v4;
	_ =	sdelay $0x1  }
0x69: {  	v3 =	vadd.s32 v1, v3;
	_ =	sdelay $0x1  }
0x6a: {  	s29 =	sor.u32 $0x6100, s20  }
0x6b: {  	[tilespmem:s29], [sflag:$0x5] =	stream.indirect_vreg.gather [hbm4b:s3+s1], $0x80, v4, vm0, $0x2000b8;
	[tilespmem:$0x10100] =	vst v63  }
0x6c: {  	s30 =	sor.u32 $0x6900, s20  }
0x6d: {  	[tilespmem:s30], [sflag:$0x5] =	stream.indirect_vreg.gather [hbm4b:s3+s1], $0x80, v3, vm0, $0x2000b8;
	[tilespmem:$0x10100] =	vst v63  }
0x6e: {  	v3 =	vld [tilespmem:s21+$0x70];
	_ =	sdelay $0x4  }
0x6f: {  	v63 =	vshll.u32 v3, $0x1  }
0x70: {  	v3 =	vand.u32 $0x7, v3;
	v4 =	vand.u32 $0xFFFFFFF0, v63  }
0x71: {  	v3 =	vor.u32 v3, v4  }
0x72: {  	v4 =	vperm.xlane v3, v0;
	_ =	sdelay $0x1  }
0x73: {  	v3 =	vperm.xlane v3, v2;
	v4 =	vadd.s32 v1, v4;
	_ =	sdelay $0x1  }
0x74: {  	v3 =	vadd.s32 v1, v3;
	_ =	sdelay $0x1  }
0x75: {  	s31 =	sor.u32 $0x7100, s20  }
0x76: {  	[tilespmem:s31], [sflag:$0x5] =	stream.indirect_vreg.gather [hbm4b:s3+s1], $0x80, v4, vm0, $0x2000b8;
	[tilespmem:$0x10100] =	vst v63  }
0x77: {  	s20 =	sor.u32 $0x7900, s20  }
0x78: {  	[tilespmem:s20], [sflag:$0x5] =	stream.indirect_vreg.gather [hbm4b:s3+s1], $0x80, v3, vm0, $0x2000b8;
	[tilespmem:$0x10100] =	vst v63  }
0x79: {  	_ =	swait.ge [sflag:s8], $0x8000  }
0x7a: {  	p2 =	seq.s32 s11, $0x1;
	[sflag:s8] =	ssyncset.done $0x0  }
0x7b: {  	s17 =	sadd.s32 s5, s17;
	p1 =	por p2, p1;
	[sflag:s8] =	ssyncadd.s32 $0xFFFF8000  }
0x7c: {  	s17 =	sshll.u32 @p1 s17, $0xC;
	_ =	strace $0x90000054  }
0x7d: {  	s17 =	sand.u32 @p1 $0x1FFFF000, s17;
	s21 =	simm.s32 $0x1;
	_ =	strace @p1 $0x80000055  }
0x7e: {  	s18 =	sadd.s32 @p1 $0x3, s18;
	s21 =	simm.s32 @!p0 $0x0;
	s20 =	rddreg [dreg:$0x2]  }
0x7f: {  	p0 =	seq.s32 s11, $0x4;
	s17 =	sadd.s32 @p1 s20, s17;
	s20 =	simm.s32 @p1 $0x0  }
0x80: {  	[hbm4b:s17+s20] =	stream.linear.scatter @p1 [tilespmem:s19], [sflag:s18], $0x8000, $0x200038;
	[tilespmem:$0x10100] =	vst v63  }
0x81: {  	s17 =	simm.s32 $0x1;
	s19 =	simm.s32 $0x1;
	_ =	strace @p1 $0x90000055  }
0x82: {  	s17 =	simm.s32 @!p1 $0x0;
	p1 =	sne.s32 s11, $0x4;
	s11 =	sadd.s32 $0xFFFFFFFF, s11  }
0x83: {  	s18 =	sand.u32 @!p0 $0x1, s13;
	s19 =	simm.s32 @!p1 $0x0;
	p1 =	sne.s32 s11, $0x0  }
.Ltmp0:
0x84: {  	s18 =	sadd.s32 @!p0 $0x3, s18;
	_ =	strace @!p0 $0x80000056;
	(pc) =	sbr.rel @p1 .LBB2_2-.Ltmp0, $4  }
0x85: {  	_ =	swait.ge @!p0 [sflag:s18], $0x8000  }
0x86: {  	[sflag:s18] =	ssyncset.done @!p0 $0x0  }
0x87: {  	s16 =	sadd.s32 s21, s16;
	s14 =	sadd.s32 s17, s14;
	[sflag:s18] =	ssyncadd.s32 @!p0 $0xFFFF8000  }
0x88: {  	s15 =	sadd.s32 s17, s15;
	s13 =	sadd.s32 s19, s13;
	_ =	strace @!p0 $0x90000056  }
0x89: {  	s10 =	sadd.s32 $0x1, s10  }
0x8a: {  	p0 =	sne.s32 s10, s7  }
.Ltmp1:
0x8b: {  	_ =	strace $0x80000057;
	(pc) =	sbr.rel @p0 .LBB2_1-.Ltmp1, $4  }
0x8c: {  	_ =	swait.ge [sflag:s9], $0x8000  }
0x8d: {  	[sflag:s9] =	ssyncset.done $0x0  }
0x8e: {  	[sflag:s9] =	ssyncadd.s32 $0xFFFF8000  }
0x8f: {  	_ =	strace $0x90000057  }
0x90: {  	_ =	sfence.sel $0x180000  }
0x91: {  	[bflag:$0x0] =	sbarrier.arrive $0xFFFF  }
0x92: {  	p0 =	sne.s32 s2, $0x0;
	_ =	strace $0x90000050  }
0x93: {  	s0 =	sadd.s32 @!p0 $0x100000, s0;
	[bflag:$0x2] =	sbarrier.arrive $0xFFFF  }
0x94: {  	[sflag:s0] =	ssyncadd.tile.s32 @!p0 $0x1;
	_ =	shalt  }
.Lfunc_end2:
_tile_overlayer_lowered:
.L_overlay_start_2:
0x95: {  	(tag) =	ssettag $0x2  }
0x96: {  	s0 =	rddreg [dreg:$0x0];
	s2 =	stileid.u32  }
0x97: {  	s1 =	rddreg [dreg:$0x1];
	p0 =	sne.s32 s2, $0x0  }
0x98: {  	s3 =	rddreg [dreg:$0x2];
	[bflag:$0x3] =	sbarrier.arrive $0xFFFF;
	s2 =	simm.s32 @!p0 $0x1C01  }
0x99: {  	[timem:s3], [sflag:s2] =	dma.local @!p0 [hbm:s0], s1  }
0x9a: {  	s0 =	simm.s32 @!p0 $0x1  }
0x9b: {  	_ =	swait.ge @!p0 [sflag:s0], s1  }
0x9c: {  	s1 =	ssub.s32 @!p0 $0x0, s1;
	[sflag:s0] =	ssyncset.done @!p0 $0x0  }
0x9d: {  	[sflag:s0] =	ssyncadd.s32 @!p0 s1  }
0x9e: {  	[bflag:$0x3] =	sbarrier.arrive $0xFFFF  }
0x9f: {  	_ =	shalt  }

</sc_bundles>
